<compile_context>
chip_gen: v7x
topology: tpu7x:2x2x1
jax: 0.10.2.dev20260603
libtpu: 0.0.44.dev20260713+nightly
codegen_flags: <defaults>
</compile_context>

<pallas_src>
import functools

import jax
import jax.numpy as jnp
from jax import lax
from jax.experimental import pallas as pl
from jax.experimental.pallas import tpu as pltpu
from jax.experimental.pallas import tpu_sc as plsc

N = 10000
E = 320000
D = 128
H = 128
C = 64

NC = 2
NS = 16
NW = NC * NS

CHUNK = 128
NCHUNKS = 79
EPW = NCHUNKS * CHUNK
E_PAD = NW * EPW
NPAD = 10240
RPT = NPAD // NS
RBLK = RPT // CHUNK
NROW = NPAD // CHUNK

NCHUNKS_A = 81
EPW_A = NCHUNKS_A * CHUNK
E_PAD_A = NW * EPW_A
NBUF = 3

_MESH = plsc.VectorSubcoreMesh(core_axis_name="c", subcore_axis_name="s")



@functools.partial(
    pl.kernel,
    out_type=jax.ShapeDtypeStruct((NC, NROW, CHUNK), jnp.float32),
    mesh=_MESH,
    scratch_types=[
        pltpu.VMEM((NCHUNKS, CHUNK), jnp.int32),
        pltpu.VMEM((NROW, CHUNK), jnp.float32),
        pltpu.VMEM((NROW // NS, CHUNK), jnp.float32),
        pltpu.VMEM((NROW,), jnp.int32),
        pltpu.VMEM_SHARED((NROW, CHUNK), jnp.float32),
    ],
    compiler_params=pltpu.CompilerParams(use_tc_tiling_on_sc=False,
                                         needs_layout_passes=False),
)
def _sc_degree(col_hbm, out_hbm, colbuf, hist, bounce, idbuf, acc):
    cid = lax.axis_index("c")
    sid = lax.axis_index("s")
    wid = sid * NC + cid
    pltpu.sync_copy(col_hbm.at[wid], colbuf)

    zero16 = jnp.zeros((16,), jnp.float32)
    one16 = jnp.ones((16,), jnp.float32)
    for r in range(NROW // NS):
        for j in range(CHUNK // 16):
            bounce[r, pl.ds(j * 16, 16)] = zero16
    for k in range(NROW // 16):
        idbuf[pl.ds(k * 16, 16)] = lax.iota(jnp.int32, 16) + (k * 16)

    def zrow(r, carry):
        for j in range(CHUNK // 16):
            hist[r, pl.ds(j * 16, 16)] = zero16
        return carry

    lax.fori_loop(0, NROW, zrow, 0)
    pltpu.sync_copy(bounce, acc.at[pl.ds(sid * (NROW // NS), NROW // NS)])

    def body(c, carry):
        for j in range(CHUNK // 16):
            idx = colbuf[c, pl.ds(j * 16, 16)]
            plsc.addupdate_scatter(
                hist, [lax.shift_right_logical(idx, 7),
                       lax.bitwise_and(idx, 127)], one16)
        return carry

    lax.fori_loop(0, NCHUNKS, body, 0)
    plsc.subcore_barrier()
    pltpu.sync_copy(hist, acc.at[idbuf], add=True)
    plsc.subcore_barrier()
    pltpu.sync_copy(acc.at[pl.ds(sid * (NROW // NS), NROW // NS)], bounce)
    pltpu.sync_copy(bounce,
                    out_hbm.at[cid, pl.ds(sid * (NROW // NS), NROW // NS)])


def _make_sc_agg(width):
    chunk = CHUNK
    nchunks = NCHUNKS_A
    rblk = RPT // chunk

    @functools.partial(
        pl.kernel,
        out_type=jax.ShapeDtypeStruct((NC, NPAD, width), jnp.bfloat16),
        mesh=_MESH,
        scratch_types=[
            pltpu.VMEM((nchunks, chunk), jnp.int32),
            pltpu.VMEM((nchunks, chunk), jnp.int32),
            pltpu.VMEM((chunk, width), jnp.bfloat16),
            pltpu.VMEM((chunk, width), jnp.bfloat16),
            pltpu.VMEM_SHARED((NPAD, width), jnp.bfloat16),
            pltpu.VMEM_SHARED((NPAD, width), jnp.bfloat16),
            pltpu.SemaphoreType.DMA,
            pltpu.SemaphoreType.DMA,
        ],
        compiler_params=pltpu.CompilerParams(use_tc_tiling_on_sc=False),
    )
    def agg(g_hbm, row_hbm, col_hbm, out_hbm, rowbuf, colbuf,
            buf0, buf1, table, acc, sem_a, sem_b):
        cid = lax.axis_index("c")
        sid = lax.axis_index("s")
        wid = sid * NC + cid
        pltpu.sync_copy(row_hbm.at[wid], rowbuf)
        pltpu.sync_copy(col_hbm.at[wid], colbuf)

        for k in range(rblk):
            pltpu.sync_copy(g_hbm.at[pl.ds(sid * RPT + k * chunk, chunk)],
                            buf0)
            pltpu.sync_copy(buf0, table.at[pl.ds(sid * RPT + k * chunk,
                                                 chunk)])

        zero32 = jnp.zeros((32,), jnp.bfloat16)

        def zrow(r, carry):
            for j in range(width // 32):
                buf0[r, pl.ds(j * 32, 32)] = zero32
            return carry

        lax.fori_loop(0, chunk, zrow, 0)
        for k in range(rblk):
            pltpu.sync_copy(buf0, acc.at[pl.ds(sid * RPT + k * chunk, chunk)])
        plsc.subcore_barrier()

        pltpu.async_copy(table.at[rowbuf.at[0]], buf0, sem_a)

        def body(i, carry):
            c0 = 2 * i
            pltpu.make_async_copy(table.at[rowbuf.at[c0]], buf0, sem_a).wait()
            pltpu.async_copy(table.at[rowbuf.at[c0 + 1]], buf1, sem_b)
            pltpu.sync_copy(buf0, acc.at[colbuf.at[c0]], add=True)
            pltpu.make_async_copy(table.at[rowbuf.at[c0 + 1]], buf1,
                                  sem_b).wait()

            @pl.when(c0 + 2 < nchunks)
            def _():
                pltpu.async_copy(table.at[rowbuf.at[c0 + 2]], buf0, sem_a)

            pltpu.sync_copy(buf1, acc.at[colbuf.at[c0 + 1]], add=True)
            return carry

        lax.fori_loop(0, nchunks // 2, body, 0)
        if nchunks % 2:
            pltpu.make_async_copy(table.at[rowbuf.at[nchunks - 1]], buf0,
                                  sem_a).wait()
            pltpu.sync_copy(buf0, acc.at[colbuf.at[nchunks - 1]], add=True)
        plsc.subcore_barrier()
        for k in range(rblk):
            pltpu.sync_copy(acc.at[pl.ds(sid * RPT + k * chunk, chunk)], buf0)
            pltpu.sync_copy(buf0, out_hbm.at[cid,
                                             pl.ds(sid * RPT + k * chunk,
                                                   chunk)])

    return agg


_sc_agg_h = _make_sc_agg(H)
_sc_agg_c = _make_sc_agg(C)



_BLK = 2048
_GRID = (N + _BLK - 1) // _BLK


def _dense1_body(x_ref, w1_ref, deg_ref, g1b_ref, dis_ref):
    deg = deg_ref[0, :N] + deg_ref[1, :N] + 1.0
    dis = lax.rsqrt(deg)[:, None]
    g1 = dis * jnp.dot(x_ref[...], w1_ref[...],
                       preferred_element_type=jnp.float32)
    g1b_ref[...] = g1.astype(jnp.bfloat16)
    dis_ref[...] = dis


_dense1 = pl.pallas_call(
    _dense1_body,
    out_shape=(jax.ShapeDtypeStruct((N, H), jnp.bfloat16),
               jax.ShapeDtypeStruct((N, 1), jnp.float32)),
)


def _dense2_body(agg_ref, dis_ref, b1_ref, w2_ref, g2b_ref):
    s = (agg_ref[0, :N, :].astype(jnp.float32)
         + agg_ref[1, :N, :].astype(jnp.float32))
    dis = dis_ref[...]
    h1 = jnp.maximum(dis * s + b1_ref[...][None, :], 0.0)
    g2 = dis * jnp.dot(h1, w2_ref[...], preferred_element_type=jnp.float32)
    g2b_ref[...] = g2.astype(jnp.bfloat16)


_dense2 = pl.pallas_call(
    _dense2_body,
    out_shape=jax.ShapeDtypeStruct((N, C), jnp.bfloat16),
)


def _dense3_body(agg_ref, dis_ref, b2_ref, out_ref):
    t = (dis_ref[...] * (agg_ref[0, :N, :].astype(jnp.float32)
                         + agg_ref[1, :N, :].astype(jnp.float32))
         + b2_ref[...][None, :])
    m = jnp.max(t, axis=1, keepdims=True)
    lse = m + jnp.log(jnp.sum(jnp.exp(t - m), axis=1, keepdims=True))
    out_ref[...] = t - lse


_dense3 = pl.pallas_call(
    _dense3_body,
    out_shape=jax.ShapeDtypeStruct((N, C), jnp.float32),
)



def kernel(x, edge_index, W1, b1, W2, b2):
    padn = E_PAD - E
    rowp = jnp.concatenate([edge_index[0], jnp.full((padn,), N, jnp.int32)])
    colp = jnp.concatenate([edge_index[1], jnp.full((padn,), N, jnp.int32)])
    col3 = colp.reshape(NW, NCHUNKS, CHUNK)

    loop_ids = jnp.arange(N, dtype=jnp.int32)
    padn_a = E_PAD_A - E - N
    rowa = jnp.concatenate([edge_index[0], loop_ids,
                            jnp.full((padn_a,), N, jnp.int32)])
    cola = jnp.concatenate([edge_index[1], loop_ids,
                            jnp.full((padn_a,), N, jnp.int32)])
    row3a = rowa.reshape(NW, NCHUNKS_A, CHUNK)
    col3a = cola.reshape(NW, NCHUNKS_A, CHUNK)

    degp = _sc_degree(col3).reshape(NC, NPAD)
    g1b, dis = _dense1(x, W1, degp)
    g1p = jnp.pad(g1b, ((0, NPAD - N), (0, 0)))
    agg1 = _sc_agg_h(g1p, row3a, col3a)
    g2b = _dense2(agg1, dis, b1, W2)
    g2p = jnp.pad(g2b, ((0, NPAD - N), (0, 0)))
    agg2 = _sc_agg_c(g2p, row3a, col3a)
    return _dense3(agg2, dis, b2)

# --- scband reference (transcript-rebuilt; emitter-appended) ---
"""Pipeline reference for scband-gcn-38628935860963 (READ-ONLY COPY).

The authoritative reference and input builder live on the scoring server;
editing this copy changes nothing except your own understanding.
"""

import jax, jax.numpy as jnp
import numpy as np

N = 10000
E = 320000
D = 128
H = 128
C = 64


def _glorot(key, fan_in, fan_out):
    limit = jnp.sqrt(6.0 / (fan_in + fan_out))
    return jax.random.uniform(key, (fan_in, fan_out), minval=-limit, maxval=limit, dtype=jnp.float32)


def setup_inputs(seed: int = 0) -> dict:
    key = jax.random.key(seed)
    k1, k2, k3, k4 = jax.random.split(key, 4)
    x = jax.random.normal(k1, (N, D), dtype=jnp.float32)
    edge_index = jax.random.randint(k2, (2, E), 0, N, dtype=jnp.int32)
    W1 = _glorot(k3, D, H)
    b1 = jnp.zeros((H,), dtype=jnp.float32)
    W2 = _glorot(k4, H, C)
    b2 = jnp.zeros((C,), dtype=jnp.float32)
    return {"x": x, "edge_index": edge_index, "W1": W1, "b1": b1, "W2": W2, "b2": b2}


def _gcn_norm(edge_index, num_nodes):
    # add self loops (improved=False -> fill value 1.0)
    row, col = edge_index[0], edge_index[1]
    loop = jnp.arange(num_nodes, dtype=row.dtype)
    row_f = jnp.concatenate([row, loop])
    col_f = jnp.concatenate([col, loop])
    ew = jnp.ones(row_f.shape[0], dtype=jnp.float32)
    deg = jnp.zeros((num_nodes,), dtype=jnp.float32).at[col_f].add(ew)
    deg_inv_sqrt = jnp.where(deg > 0, jax.lax.rsqrt(jnp.maximum(deg, 1e-12)), 0.0)
    norm = deg_inv_sqrt[row_f] * ew * deg_inv_sqrt[col_f]
    return row_f, col_f, norm


def _gcn_conv(x, row_f, col_f, norm, W, b):
    h = x @ W
    msg = norm[:, None] * jnp.take(h, row_f, axis=0)
    out = jnp.zeros((x.shape[0], W.shape[1]), dtype=jnp.float32).at[col_f].add(msg)
    return out + b


def reference(x, edge_index, W1, b1, W2, b2):
    row_f, col_f, norm = _gcn_norm(edge_index, N)
    h = _gcn_conv(x, row_f, col_f, norm, W1, b1)
    h = jax.nn.relu(h)  # dropout is identity in eval mode
    out = _gcn_conv(h, row_f, col_f, norm, W2, b2)
    return jax.nn.log_softmax(out, axis=1)

if __name__ == "__main__":
    import jax
    _d = setup_inputs()
    print(jax.jit(kernel)(*tuple(_d.values())))

</pallas_src>

<mosaic_0001>
#map = affine_map<(d0, d1) -> (0, 0)>
#map1 = affine_map<(d0, d1) -> (0, 0, 0)>
module attributes {stable_mosaic.version = 14 : i64} {
  func.func @agg(%arg0: i32, %arg1: i32, %arg2: memref<10240x64xbf16, #tpu.memory_space<hbm>>, %arg3: memref<32x81x128xi32, #tpu.memory_space<hbm>>, %arg4: memref<32x81x128xi32, #tpu.memory_space<hbm>>, %arg5: memref<2x10240x64xbf16, #tpu.memory_space<hbm>>, %arg6: memref<81x128xi32, #tpu.memory_space<vmem>>, %arg7: memref<81x128xi32, #tpu.memory_space<vmem>>, %arg8: memref<128x64xbf16, #tpu.memory_space<vmem>>, %arg9: memref<128x64xbf16, #tpu.memory_space<vmem>>, %arg10: memref<10240x64xbf16, #tpu.memory_space<vmem_shared>>, %arg11: memref<10240x64xbf16, #tpu.memory_space<vmem_shared>>, %arg12: memref<!tpu.dma_semaphore, #tpu.memory_space<semaphore_mem>>, %arg13: memref<!tpu.dma_semaphore, #tpu.memory_space<semaphore_mem>>) attributes {dimension_semantics = [#tpu.dimension_semantics<core_parallel>, #tpu.dimension_semantics<subcore_parallel>], iteration_bounds = array<i64: 2, 16>, scalar_prefetch = 0 : i64, scratch_operands = 8 : i64, tpu.core_type = #tpu.core_type<sc_vector_subcore>, window_params = [{transform_indices = #map}, {transform_indices = #map1}, {transform_indices = #map1}, {transform_indices = #map1}]} {
    %mul3A = arith.constant 2 : i32
    %mul3A_0 = arith.muli %arg1, %mul3A : i32
    %add3A = arith.addi %mul3A_0, %arg0 : i32
    "tpu.region"() ({
      %run_scoped3A_126 = tpu.sem_alloc : memref<!tpu.dma_semaphore, #tpu.memory_space<semaphore_mem>>
      %dma_start3A_127 = arith.constant 0 : i32
      %dma_start3A_128 = arith.constant 0 : i32
      %dma_start3A_129 = tpu.memref_slice %arg3[%add3A, %dma_start3A_127, %dma_start3A_128] : memref<32x81x128xi32, #tpu.memory_space<hbm>> -> memref<1x81x128xi32, #tpu.memory_space<hbm>>
      %dma_start3A_130 = tpu.memref_squeeze %dma_start3A_129 : memref<1x81x128xi32, #tpu.memory_space<hbm>> -> memref<81x128xi32, #tpu.memory_space<hbm>>
      %dma_start3A_131 = arith.constant 0 : i32
      %dma_start3A_132 = arith.constant 0 : i32
      %dma_start3A_133 = tpu.memref_slice %arg3[%add3A, %dma_start3A_131, %dma_start3A_132] : memref<32x81x128xi32, #tpu.memory_space<hbm>> -> memref<1x81x128xi32, #tpu.memory_space<hbm>>
      %dma_start3A_134 = tpu.memref_squeeze %dma_start3A_133 : memref<1x81x128xi32, #tpu.memory_space<hbm>> -> memref<81x128xi32, #tpu.memory_space<hbm>>
      tpu.enqueue_dma source(%dma_start3A_134 : memref<81x128xi32, #tpu.memory_space<hbm>>) target(%arg6 : memref<81x128xi32, #tpu.memory_space<vmem>>) target_semaphore(%run_scoped3A_126 : memref<!tpu.dma_semaphore, #tpu.memory_space<semaphore_mem>>)
      %dma_wait3A_135 = arith.constant 0 : i32
      %dma_wait3A_136 = arith.constant 0 : i32
      %dma_wait3A_137 = tpu.memref_slice %arg3[%add3A, %dma_wait3A_135, %dma_wait3A_136] : memref<32x81x128xi32, #tpu.memory_space<hbm>> -> memref<1x81x128xi32, #tpu.memory_space<hbm>>
      %dma_wait3A_138 = tpu.memref_squeeze %dma_wait3A_137 : memref<1x81x128xi32, #tpu.memory_space<hbm>> -> memref<81x128xi32, #tpu.memory_space<hbm>>
      %dma_wait3A_139 = arith.constant 0 : i32
      %dma_wait3A_140 = arith.constant 0 : i32
      %dma_wait3A_141 = tpu.memref_slice %arg3[%add3A, %dma_wait3A_139, %dma_wait3A_140] : memref<32x81x128xi32, #tpu.memory_space<hbm>> -> memref<1x81x128xi32, #tpu.memory_space<hbm>>
      %dma_wait3A_142 = tpu.memref_squeeze %dma_wait3A_141 : memref<1x81x128xi32, #tpu.memory_space<hbm>> -> memref<81x128xi32, #tpu.memory_space<hbm>>
      tpu.wait_dma2 semaphore(%run_scoped3A_126 : memref<!tpu.dma_semaphore, #tpu.memory_space<semaphore_mem>>) src(%dma_wait3A_142 : memref<81x128xi32, #tpu.memory_space<hbm>>) dst(%arg6 : memref<81x128xi32, #tpu.memory_space<vmem>>)
      tpu.yield
    }) : () -> ()
    "tpu.region"() ({
      %run_scoped3A_126 = tpu.sem_alloc : memref<!tpu.dma_semaphore, #tpu.memory_space<semaphore_mem>>
      %dma_start3A_127 = arith.constant 0 : i32
      %dma_start3A_128 = arith.constant 0 : i32
      %dma_start3A_129 = tpu.memref_slice %arg4[%add3A, %dma_start3A_127, %dma_start3A_128] : memref<32x81x128xi32, #tpu.memory_space<hbm>> -> memref<1x81x128xi32, #tpu.memory_space<hbm>>
      %dma_start3A_130 = tpu.memref_squeeze %dma_start3A_129 : memref<1x81x128xi32, #tpu.memory_space<hbm>> -> memref<81x128xi32, #tpu.memory_space<hbm>>
      %dma_start3A_131 = arith.constant 0 : i32
      %dma_start3A_132 = arith.constant 0 : i32
      %dma_start3A_133 = tpu.memref_slice %arg4[%add3A, %dma_start3A_131, %dma_start3A_132] : memref<32x81x128xi32, #tpu.memory_space<hbm>> -> memref<1x81x128xi32, #tpu.memory_space<hbm>>
      %dma_start3A_134 = tpu.memref_squeeze %dma_start3A_133 : memref<1x81x128xi32, #tpu.memory_space<hbm>> -> memref<81x128xi32, #tpu.memory_space<hbm>>
      tpu.enqueue_dma source(%dma_start3A_134 : memref<81x128xi32, #tpu.memory_space<hbm>>) target(%arg7 : memref<81x128xi32, #tpu.memory_space<vmem>>) target_semaphore(%run_scoped3A_126 : memref<!tpu.dma_semaphore, #tpu.memory_space<semaphore_mem>>)
      %dma_wait3A_135 = arith.constant 0 : i32
      %dma_wait3A_136 = arith.constant 0 : i32
      %dma_wait3A_137 = tpu.memref_slice %arg4[%add3A, %dma_wait3A_135, %dma_wait3A_136] : memref<32x81x128xi32, #tpu.memory_space<hbm>> -> memref<1x81x128xi32, #tpu.memory_space<hbm>>
      %dma_wait3A_138 = tpu.memref_squeeze %dma_wait3A_137 : memref<1x81x128xi32, #tpu.memory_space<hbm>> -> memref<81x128xi32, #tpu.memory_space<hbm>>
      %dma_wait3A_139 = arith.constant 0 : i32
      %dma_wait3A_140 = arith.constant 0 : i32
      %dma_wait3A_141 = tpu.memref_slice %arg4[%add3A, %dma_wait3A_139, %dma_wait3A_140] : memref<32x81x128xi32, #tpu.memory_space<hbm>> -> memref<1x81x128xi32, #tpu.memory_space<hbm>>
      %dma_wait3A_142 = tpu.memref_squeeze %dma_wait3A_141 : memref<1x81x128xi32, #tpu.memory_space<hbm>> -> memref<81x128xi32, #tpu.memory_space<hbm>>
      tpu.wait_dma2 semaphore(%run_scoped3A_126 : memref<!tpu.dma_semaphore, #tpu.memory_space<semaphore_mem>>) src(%dma_wait3A_142 : memref<81x128xi32, #tpu.memory_space<hbm>>) dst(%arg7 : memref<81x128xi32, #tpu.memory_space<vmem>>)
      tpu.yield
    }) : () -> ()
    %mul3A_1 = arith.constant 640 : i32
    %mul3A_2 = arith.muli %arg1, %mul3A_1 : i32
    %add3A_3 = arith.constant 0 : i32
    %add3A_4 = arith.addi %mul3A_2, %add3A_3 : i32
    "tpu.region"() ({
      %run_scoped3A_126 = tpu.sem_alloc : memref<!tpu.dma_semaphore, #tpu.memory_space<semaphore_mem>>
      %dma_start3A_127 = arith.constant 0 : i32
      %dma_start3A_128 = tpu.memref_slice %arg2[%add3A_4, %dma_start3A_127] : memref<10240x64xbf16, #tpu.memory_space<hbm>> -> memref<128x64xbf16, #tpu.memory_space<hbm>>
      %dma_start3A_129 = arith.constant 0 : i32
      %dma_start3A_130 = tpu.memref_slice %arg2[%add3A_4, %dma_start3A_129] : memref<10240x64xbf16, #tpu.memory_space<hbm>> -> memref<128x64xbf16, #tpu.memory_space<hbm>>
      tpu.enqueue_dma source(%dma_start3A_130 : memref<128x64xbf16, #tpu.memory_space<hbm>>) target(%arg8 : memref<128x64xbf16, #tpu.memory_space<vmem>>) target_semaphore(%run_scoped3A_126 : memref<!tpu.dma_semaphore, #tpu.memory_space<semaphore_mem>>)
      %dma_wait3A_131 = arith.constant 0 : i32
      %dma_wait3A_132 = tpu.memref_slice %arg2[%add3A_4, %dma_wait3A_131] : memref<10240x64xbf16, #tpu.memory_space<hbm>> -> memref<128x64xbf16, #tpu.memory_space<hbm>>
      %dma_wait3A_133 = arith.constant 0 : i32
      %dma_wait3A_134 = tpu.memref_slice %arg2[%add3A_4, %dma_wait3A_133] : memref<10240x64xbf16, #tpu.memory_space<hbm>> -> memref<128x64xbf16, #tpu.memory_space<hbm>>
      tpu.wait_dma2 semaphore(%run_scoped3A_126 : memref<!tpu.dma_semaphore, #tpu.memory_space<semaphore_mem>>) src(%dma_wait3A_134 : memref<128x64xbf16, #tpu.memory_space<hbm>>) dst(%arg8 : memref<128x64xbf16, #tpu.memory_space<vmem>>)
      tpu.yield
    }) : () -> ()
    %mul3A_5 = arith.constant 640 : i32
    %mul3A_6 = arith.muli %arg1, %mul3A_5 : i32
    %add3A_7 = arith.constant 0 : i32
    %add3A_8 = arith.addi %mul3A_6, %add3A_7 : i32
    "tpu.region"() ({
      %run_scoped3A_126 = tpu.sem_alloc : memref<!tpu.dma_semaphore, #tpu.memory_space<semaphore_mem>>
      %dma_start3A_127 = arith.constant 0 : i32
      %dma_start3A_128 = tpu.memref_slice %arg10[%add3A_8, %dma_start3A_127] : memref<10240x64xbf16, #tpu.memory_space<vmem_shared>> -> memref<128x64xbf16, #tpu.memory_space<vmem_shared>>
      %dma_start3A_129 = arith.constant 0 : i32
      %dma_start3A_130 = tpu.memref_slice %arg10[%add3A_8, %dma_start3A_129] : memref<10240x64xbf16, #tpu.memory_space<vmem_shared>> -> memref<128x64xbf16, #tpu.memory_space<vmem_shared>>
      tpu.enqueue_dma source(%arg8 : memref<128x64xbf16, #tpu.memory_space<vmem>>) target(%dma_start3A_130 : memref<128x64xbf16, #tpu.memory_space<vmem_shared>>) target_semaphore(%run_scoped3A_126 : memref<!tpu.dma_semaphore, #tpu.memory_space<semaphore_mem>>)
      %dma_wait3A_131 = arith.constant 0 : i32
      %dma_wait3A_132 = tpu.memref_slice %arg10[%add3A_8, %dma_wait3A_131] : memref<10240x64xbf16, #tpu.memory_space<vmem_shared>> -> memref<128x64xbf16, #tpu.memory_space<vmem_shared>>
      %dma_wait3A_133 = arith.constant 0 : i32
      %dma_wait3A_134 = tpu.memref_slice %arg10[%add3A_8, %dma_wait3A_133] : memref<10240x64xbf16, #tpu.memory_space<vmem_shared>> -> memref<128x64xbf16, #tpu.memory_space<vmem_shared>>
      tpu.wait_dma2 semaphore(%run_scoped3A_126 : memref<!tpu.dma_semaphore, #tpu.memory_space<semaphore_mem>>) src(%arg8 : memref<128x64xbf16, #tpu.memory_space<vmem>>) dst(%dma_wait3A_134 : memref<128x64xbf16, #tpu.memory_space<vmem_shared>>)
      tpu.yield
    }) : () -> ()
    %mul3A_9 = arith.constant 640 : i32
    %mul3A_10 = arith.muli %arg1, %mul3A_9 : i32
    %add3A_11 = arith.constant 128 : i32
    %add3A_12 = arith.addi %mul3A_10, %add3A_11 : i32
    "tpu.region"() ({
      %run_scoped3A_126 = tpu.sem_alloc : memref<!tpu.dma_semaphore, #tpu.memory_space<semaphore_mem>>
      %dma_start3A_127 = arith.constant 0 : i32
      %dma_start3A_128 = tpu.memref_slice %arg2[%add3A_12, %dma_start3A_127] : memref<10240x64xbf16, #tpu.memory_space<hbm>> -> memref<128x64xbf16, #tpu.memory_space<hbm>>
      %dma_start3A_129 = arith.constant 0 : i32
      %dma_start3A_130 = tpu.memref_slice %arg2[%add3A_12, %dma_start3A_129] : memref<10240x64xbf16, #tpu.memory_space<hbm>> -> memref<128x64xbf16, #tpu.memory_space<hbm>>
      tpu.enqueue_dma source(%dma_start3A_130 : memref<128x64xbf16, #tpu.memory_space<hbm>>) target(%arg8 : memref<128x64xbf16, #tpu.memory_space<vmem>>) target_semaphore(%run_scoped3A_126 : memref<!tpu.dma_semaphore, #tpu.memory_space<semaphore_mem>>)
      %dma_wait3A_131 = arith.constant 0 : i32
      %dma_wait3A_132 = tpu.memref_slice %arg2[%add3A_12, %dma_wait3A_131] : memref<10240x64xbf16, #tpu.memory_space<hbm>> -> memref<128x64xbf16, #tpu.memory_space<hbm>>
      %dma_wait3A_133 = arith.constant 0 : i32
      %dma_wait3A_134 = tpu.memref_slice %arg2[%add3A_12, %dma_wait3A_133] : memref<10240x64xbf16, #tpu.memory_space<hbm>> -> memref<128x64xbf16, #tpu.memory_space<hbm>>
      tpu.wait_dma2 semaphore(%run_scoped3A_126 : memref<!tpu.dma_semaphore, #tpu.memory_space<semaphore_mem>>) src(%dma_wait3A_134 : memref<128x64xbf16, #tpu.memory_space<hbm>>) dst(%arg8 : memref<128x64xbf16, #tpu.memory_space<vmem>>)
      tpu.yield
    }) : () -> ()
    %mul3A_13 = arith.constant 640 : i32
    %mul3A_14 = arith.muli %arg1, %mul3A_13 : i32
    %add3A_15 = arith.constant 128 : i32
    %add3A_16 = arith.addi %mul3A_14, %add3A_15 : i32
    "tpu.region"() ({
      %run_scoped3A_126 = tpu.sem_alloc : memref<!tpu.dma_semaphore, #tpu.memory_space<semaphore_mem>>
      %dma_start3A_127 = arith.constant 0 : i32
      %dma_start3A_128 = tpu.memref_slice %arg10[%add3A_16, %dma_start3A_127] : memref<10240x64xbf16, #tpu.memory_space<vmem_shared>> -> memref<128x64xbf16, #tpu.memory_space<vmem_shared>>
      %dma_start3A_129 = arith.constant 0 : i32
      %dma_start3A_130 = tpu.memref_slice %arg10[%add3A_16, %dma_start3A_129] : memref<10240x64xbf16, #tpu.memory_space<vmem_shared>> -> memref<128x64xbf16, #tpu.memory_space<vmem_shared>>
      tpu.enqueue_dma source(%arg8 : memref<128x64xbf16, #tpu.memory_space<vmem>>) target(%dma_start3A_130 : memref<128x64xbf16, #tpu.memory_space<vmem_shared>>) target_semaphore(%run_scoped3A_126 : memref<!tpu.dma_semaphore, #tpu.memory_space<semaphore_mem>>)
      %dma_wait3A_131 = arith.constant 0 : i32
      %dma_wait3A_132 = tpu.memref_slice %arg10[%add3A_16, %dma_wait3A_131] : memref<10240x64xbf16, #tpu.memory_space<vmem_shared>> -> memref<128x64xbf16, #tpu.memory_space<vmem_shared>>
      %dma_wait3A_133 = arith.constant 0 : i32
      %dma_wait3A_134 = tpu.memref_slice %arg10[%add3A_16, %dma_wait3A_133] : memref<10240x64xbf16, #tpu.memory_space<vmem_shared>> -> memref<128x64xbf16, #tpu.memory_space<vmem_shared>>
      tpu.wait_dma2 semaphore(%run_scoped3A_126 : memref<!tpu.dma_semaphore, #tpu.memory_space<semaphore_mem>>) src(%arg8 : memref<128x64xbf16, #tpu.memory_space<vmem>>) dst(%dma_wait3A_134 : memref<128x64xbf16, #tpu.memory_space<vmem_shared>>)
      tpu.yield
    }) : () -> ()
    %mul3A_17 = arith.constant 640 : i32
    %mul3A_18 = arith.muli %arg1, %mul3A_17 : i32
    %add3A_19 = arith.constant 256 : i32
    %add3A_20 = arith.addi %mul3A_18, %add3A_19 : i32
    "tpu.region"() ({
      %run_scoped3A_126 = tpu.sem_alloc : memref<!tpu.dma_semaphore, #tpu.memory_space<semaphore_mem>>
      %dma_start3A_127 = arith.constant 0 : i32
      %dma_start3A_128 = tpu.memref_slice %arg2[%add3A_20, %dma_start3A_127] : memref<10240x64xbf16, #tpu.memory_space<hbm>> -> memref<128x64xbf16, #tpu.memory_space<hbm>>
      %dma_start3A_129 = arith.constant 0 : i32
      %dma_start3A_130 = tpu.memref_slice %arg2[%add3A_20, %dma_start3A_129] : memref<10240x64xbf16, #tpu.memory_space<hbm>> -> memref<128x64xbf16, #tpu.memory_space<hbm>>
      tpu.enqueue_dma source(%dma_start3A_130 : memref<128x64xbf16, #tpu.memory_space<hbm>>) target(%arg8 : memref<128x64xbf16, #tpu.memory_space<vmem>>) target_semaphore(%run_scoped3A_126 : memref<!tpu.dma_semaphore, #tpu.memory_space<semaphore_mem>>)
      %dma_wait3A_131 = arith.constant 0 : i32
      %dma_wait3A_132 = tpu.memref_slice %arg2[%add3A_20, %dma_wait3A_131] : memref<10240x64xbf16, #tpu.memory_space<hbm>> -> memref<128x64xbf16, #tpu.memory_space<hbm>>
      %dma_wait3A_133 = arith.constant 0 : i32
      %dma_wait3A_134 = tpu.memref_slice %arg2[%add3A_20, %dma_wait3A_133] : memref<10240x64xbf16, #tpu.memory_space<hbm>> -> memref<128x64xbf16, #tpu.memory_space<hbm>>
      tpu.wait_dma2 semaphore(%run_scoped3A_126 : memref<!tpu.dma_semaphore, #tpu.memory_space<semaphore_mem>>) src(%dma_wait3A_134 : memref<128x64xbf16, #tpu.memory_space<hbm>>) dst(%arg8 : memref<128x64xbf16, #tpu.memory_space<vmem>>)
      tpu.yield
    }) : () -> ()
    %mul3A_21 = arith.constant 640 : i32
    %mul3A_22 = arith.muli %arg1, %mul3A_21 : i32
    %add3A_23 = arith.constant 256 : i32
    %add3A_24 = arith.addi %mul3A_22, %add3A_23 : i32
    "tpu.region"() ({
      %run_scoped3A_126 = tpu.sem_alloc : memref<!tpu.dma_semaphore, #tpu.memory_space<semaphore_mem>>
      %dma_start3A_127 = arith.constant 0 : i32
      %dma_start3A_128 = tpu.memref_slice %arg10[%add3A_24, %dma_start3A_127] : memref<10240x64xbf16, #tpu.memory_space<vmem_shared>> -> memref<128x64xbf16, #tpu.memory_space<vmem_shared>>
      %dma_start3A_129 = arith.constant 0 : i32
      %dma_start3A_130 = tpu.memref_slice %arg10[%add3A_24, %dma_start3A_129] : memref<10240x64xbf16, #tpu.memory_space<vmem_shared>> -> memref<128x64xbf16, #tpu.memory_space<vmem_shared>>
      tpu.enqueue_dma source(%arg8 : memref<128x64xbf16, #tpu.memory_space<vmem>>) target(%dma_start3A_130 : memref<128x64xbf16, #tpu.memory_space<vmem_shared>>) target_semaphore(%run_scoped3A_126 : memref<!tpu.dma_semaphore, #tpu.memory_space<semaphore_mem>>)
      %dma_wait3A_131 = arith.constant 0 : i32
      %dma_wait3A_132 = tpu.memref_slice %arg10[%add3A_24, %dma_wait3A_131] : memref<10240x64xbf16, #tpu.memory_space<vmem_shared>> -> memref<128x64xbf16, #tpu.memory_space<vmem_shared>>
      %dma_wait3A_133 = arith.constant 0 : i32
      %dma_wait3A_134 = tpu.memref_slice %arg10[%add3A_24, %dma_wait3A_133] : memref<10240x64xbf16, #tpu.memory_space<vmem_shared>> -> memref<128x64xbf16, #tpu.memory_space<vmem_shared>>
      tpu.wait_dma2 semaphore(%run_scoped3A_126 : memref<!tpu.dma_semaphore, #tpu.memory_space<semaphore_mem>>) src(%arg8 : memref<128x64xbf16, #tpu.memory_space<vmem>>) dst(%dma_wait3A_134 : memref<128x64xbf16, #tpu.memory_space<vmem_shared>>)
      tpu.yield
    }) : () -> ()
    %mul3A_25 = arith.constant 640 : i32
    %mul3A_26 = arith.muli %arg1, %mul3A_25 : i32
    %add3A_27 = arith.constant 384 : i32
    %add3A_28 = arith.addi %mul3A_26, %add3A_27 : i32
    "tpu.region"() ({
      %run_scoped3A_126 = tpu.sem_alloc : memref<!tpu.dma_semaphore, #tpu.memory_space<semaphore_mem>>
      %dma_start3A_127 = arith.constant 0 : i32
      %dma_start3A_128 = tpu.memref_slice %arg2[%add3A_28, %dma_start3A_127] : memref<10240x64xbf16, #tpu.memory_space<hbm>> -> memref<128x64xbf16, #tpu.memory_space<hbm>>
      %dma_start3A_129 = arith.constant 0 : i32
      %dma_start3A_130 = tpu.memref_slice %arg2[%add3A_28, %dma_start3A_129] : memref<10240x64xbf16, #tpu.memory_space<hbm>> -> memref<128x64xbf16, #tpu.memory_space<hbm>>
      tpu.enqueue_dma source(%dma_start3A_130 : memref<128x64xbf16, #tpu.memory_space<hbm>>) target(%arg8 : memref<128x64xbf16, #tpu.memory_space<vmem>>) target_semaphore(%run_scoped3A_126 : memref<!tpu.dma_semaphore, #tpu.memory_space<semaphore_mem>>)
      %dma_wait3A_131 = arith.constant 0 : i32
      %dma_wait3A_132 = tpu.memref_slice %arg2[%add3A_28, %dma_wait3A_131] : memref<10240x64xbf16, #tpu.memory_space<hbm>> -> memref<128x64xbf16, #tpu.memory_space<hbm>>
      %dma_wait3A_133 = arith.constant 0 : i32
      %dma_wait3A_134 = tpu.memref_slice %arg2[%add3A_28, %dma_wait3A_133] : memref<10240x64xbf16, #tpu.memory_space<hbm>> -> memref<128x64xbf16, #tpu.memory_space<hbm>>
      tpu.wait_dma2 semaphore(%run_scoped3A_126 : memref<!tpu.dma_semaphore, #tpu.memory_space<semaphore_mem>>) src(%dma_wait3A_134 : memref<128x64xbf16, #tpu.memory_space<hbm>>) dst(%arg8 : memref<128x64xbf16, #tpu.memory_space<vmem>>)
      tpu.yield
    }) : () -> ()
    %mul3A_29 = arith.constant 640 : i32
    %mul3A_30 = arith.muli %arg1, %mul3A_29 : i32
    %add3A_31 = arith.constant 384 : i32
    %add3A_32 = arith.addi %mul3A_30, %add3A_31 : i32
    "tpu.region"() ({
      %run_scoped3A_126 = tpu.sem_alloc : memref<!tpu.dma_semaphore, #tpu.memory_space<semaphore_mem>>
      %dma_start3A_127 = arith.constant 0 : i32
      %dma_start3A_128 = tpu.memref_slice %arg10[%add3A_32, %dma_start3A_127] : memref<10240x64xbf16, #tpu.memory_space<vmem_shared>> -> memref<128x64xbf16, #tpu.memory_space<vmem_shared>>
      %dma_start3A_129 = arith.constant 0 : i32
      %dma_start3A_130 = tpu.memref_slice %arg10[%add3A_32, %dma_start3A_129] : memref<10240x64xbf16, #tpu.memory_space<vmem_shared>> -> memref<128x64xbf16, #tpu.memory_space<vmem_shared>>
      tpu.enqueue_dma source(%arg8 : memref<128x64xbf16, #tpu.memory_space<vmem>>) target(%dma_start3A_130 : memref<128x64xbf16, #tpu.memory_space<vmem_shared>>) target_semaphore(%run_scoped3A_126 : memref<!tpu.dma_semaphore, #tpu.memory_space<semaphore_mem>>)
      %dma_wait3A_131 = arith.constant 0 : i32
      %dma_wait3A_132 = tpu.memref_slice %arg10[%add3A_32, %dma_wait3A_131] : memref<10240x64xbf16, #tpu.memory_space<vmem_shared>> -> memref<128x64xbf16, #tpu.memory_space<vmem_shared>>
      %dma_wait3A_133 = arith.constant 0 : i32
      %dma_wait3A_134 = tpu.memref_slice %arg10[%add3A_32, %dma_wait3A_133] : memref<10240x64xbf16, #tpu.memory_space<vmem_shared>> -> memref<128x64xbf16, #tpu.memory_space<vmem_shared>>
      tpu.wait_dma2 semaphore(%run_scoped3A_126 : memref<!tpu.dma_semaphore, #tpu.memory_space<semaphore_mem>>) src(%arg8 : memref<128x64xbf16, #tpu.memory_space<vmem>>) dst(%dma_wait3A_134 : memref<128x64xbf16, #tpu.memory_space<vmem_shared>>)
      tpu.yield
    }) : () -> ()
    %mul3A_33 = arith.constant 640 : i32
    %mul3A_34 = arith.muli %arg1, %mul3A_33 : i32
    %add3A_35 = arith.constant 512 : i32
    %add3A_36 = arith.addi %mul3A_34, %add3A_35 : i32
    "tpu.region"() ({
      %run_scoped3A_126 = tpu.sem_alloc : memref<!tpu.dma_semaphore, #tpu.memory_space<semaphore_mem>>
      %dma_start3A_127 = arith.constant 0 : i32
      %dma_start3A_128 = tpu.memref_slice %arg2[%add3A_36, %dma_start3A_127] : memref<10240x64xbf16, #tpu.memory_space<hbm>> -> memref<128x64xbf16, #tpu.memory_space<hbm>>
      %dma_start3A_129 = arith.constant 0 : i32
      %dma_start3A_130 = tpu.memref_slice %arg2[%add3A_36, %dma_start3A_129] : memref<10240x64xbf16, #tpu.memory_space<hbm>> -> memref<128x64xbf16, #tpu.memory_space<hbm>>
      tpu.enqueue_dma source(%dma_start3A_130 : memref<128x64xbf16, #tpu.memory_space<hbm>>) target(%arg8 : memref<128x64xbf16, #tpu.memory_space<vmem>>) target_semaphore(%run_scoped3A_126 : memref<!tpu.dma_semaphore, #tpu.memory_space<semaphore_mem>>)
      %dma_wait3A_131 = arith.constant 0 : i32
      %dma_wait3A_132 = tpu.memref_slice %arg2[%add3A_36, %dma_wait3A_131] : memref<10240x64xbf16, #tpu.memory_space<hbm>> -> memref<128x64xbf16, #tpu.memory_space<hbm>>
      %dma_wait3A_133 = arith.constant 0 : i32
      %dma_wait3A_134 = tpu.memref_slice %arg2[%add3A_36, %dma_wait3A_133] : memref<10240x64xbf16, #tpu.memory_space<hbm>> -> memref<128x64xbf16, #tpu.memory_space<hbm>>
      tpu.wait_dma2 semaphore(%run_scoped3A_126 : memref<!tpu.dma_semaphore, #tpu.memory_space<semaphore_mem>>) src(%dma_wait3A_134 : memref<128x64xbf16, #tpu.memory_space<hbm>>) dst(%arg8 : memref<128x64xbf16, #tpu.memory_space<vmem>>)
      tpu.yield
    }) : () -> ()
    %mul3A_37 = arith.constant 640 : i32
    %mul3A_38 = arith.muli %arg1, %mul3A_37 : i32
    %add3A_39 = arith.constant 512 : i32
    %add3A_40 = arith.addi %mul3A_38, %add3A_39 : i32
    "tpu.region"() ({
      %run_scoped3A_126 = tpu.sem_alloc : memref<!tpu.dma_semaphore, #tpu.memory_space<semaphore_mem>>
      %dma_start3A_127 = arith.constant 0 : i32
      %dma_start3A_128 = tpu.memref_slice %arg10[%add3A_40, %dma_start3A_127] : memref<10240x64xbf16, #tpu.memory_space<vmem_shared>> -> memref<128x64xbf16, #tpu.memory_space<vmem_shared>>
      %dma_start3A_129 = arith.constant 0 : i32
      %dma_start3A_130 = tpu.memref_slice %arg10[%add3A_40, %dma_start3A_129] : memref<10240x64xbf16, #tpu.memory_space<vmem_shared>> -> memref<128x64xbf16, #tpu.memory_space<vmem_shared>>
      tpu.enqueue_dma source(%arg8 : memref<128x64xbf16, #tpu.memory_space<vmem>>) target(%dma_start3A_130 : memref<128x64xbf16, #tpu.memory_space<vmem_shared>>) target_semaphore(%run_scoped3A_126 : memref<!tpu.dma_semaphore, #tpu.memory_space<semaphore_mem>>)
      %dma_wait3A_131 = arith.constant 0 : i32
      %dma_wait3A_132 = tpu.memref_slice %arg10[%add3A_40, %dma_wait3A_131] : memref<10240x64xbf16, #tpu.memory_space<vmem_shared>> -> memref<128x64xbf16, #tpu.memory_space<vmem_shared>>
      %dma_wait3A_133 = arith.constant 0 : i32
      %dma_wait3A_134 = tpu.memref_slice %arg10[%add3A_40, %dma_wait3A_133] : memref<10240x64xbf16, #tpu.memory_space<vmem_shared>> -> memref<128x64xbf16, #tpu.memory_space<vmem_shared>>
      tpu.wait_dma2 semaphore(%run_scoped3A_126 : memref<!tpu.dma_semaphore, #tpu.memory_space<semaphore_mem>>) src(%arg8 : memref<128x64xbf16, #tpu.memory_space<vmem>>) dst(%dma_wait3A_134 : memref<128x64xbf16, #tpu.memory_space<vmem_shared>>)
      tpu.yield
    }) : () -> ()
    %broadcast_in_dim3A = arith.constant 0.000000e+00 : bf16
    %broadcast_in_dim3A_41 = vector.broadcast %broadcast_in_dim3A : bf16 to vector<32xbf16>
    %scan3A = arith.constant 0 : i32
    %scan3A_42 = arith.constant 0 : i32
    %scan3A_43 = arith.constant 128 : i32
    %scan3A_44 = arith.addi %scan3A_42, %scan3A_43 : i32
    %scan3A_45 = arith.constant 1 : i32
    scf.for %scan3A_126 = %scan3A_42 to %scan3A_44 step %scan3A_45  : i32 {
      %swap3A = arith.index_cast %scan3A_126 : i32 to index
      %swap3A_127 = arith.constant 0 : index
      %swap3A_128 = tpu.vector_load %arg8[%swap3A, %swap3A_127] {strides = array<i32>} : memref<128x64xbf16, #tpu.memory_space<vmem>>, vector<1x32xbf16>,
      %swap3A_129 = vector.shape_cast %swap3A_128 : vector<1x32xbf16> to vector<32xbf16>
      %swap3A_130 = vector.shape_cast %broadcast_in_dim3A_41 : vector<32xbf16> to vector<1x32xbf16>
      tpu.vector_store %arg8[%swap3A, %swap3A_127], %swap3A_130 {strides = array<i32>} : memref<128x64xbf16, #tpu.memory_space<vmem>>, vector<1x32xbf16>,
      %swap3A_131 = arith.index_cast %scan3A_126 : i32 to index
      %swap3A_132 = arith.constant 32 : index
      %swap3A_133 = tpu.vector_load %arg8[%swap3A_131, %swap3A_132] {strides = array<i32>} : memref<128x64xbf16, #tpu.memory_space<vmem>>, vector<1x32xbf16>,
      %swap3A_134 = vector.shape_cast %swap3A_133 : vector<1x32xbf16> to vector<32xbf16>
      %swap3A_135 = vector.shape_cast %broadcast_in_dim3A_41 : vector<32xbf16> to vector<1x32xbf16>
      tpu.vector_store %arg8[%swap3A_131, %swap3A_132], %swap3A_135 {strides = array<i32>} : memref<128x64xbf16, #tpu.memory_space<vmem>>, vector<1x32xbf16>,
    }
    %scan3A_46 = arith.constant 128 : i32
    %mul3A_47 = arith.constant 640 : i32
    %mul3A_48 = arith.muli %arg1, %mul3A_47 : i32
    %add3A_49 = arith.constant 0 : i32
    %add3A_50 = arith.addi %mul3A_48, %add3A_49 : i32
    "tpu.region"() ({
      %run_scoped3A_126 = tpu.sem_alloc : memref<!tpu.dma_semaphore, #tpu.memory_space<semaphore_mem>>
      %dma_start3A_127 = arith.constant 0 : i32
      %dma_start3A_128 = tpu.memref_slice %arg11[%add3A_50, %dma_start3A_127] : memref<10240x64xbf16, #tpu.memory_space<vmem_shared>> -> memref<128x64xbf16, #tpu.memory_space<vmem_shared>>
      %dma_start3A_129 = arith.constant 0 : i32
      %dma_start3A_130 = tpu.memref_slice %arg11[%add3A_50, %dma_start3A_129] : memref<10240x64xbf16, #tpu.memory_space<vmem_shared>> -> memref<128x64xbf16, #tpu.memory_space<vmem_shared>>
      tpu.enqueue_dma source(%arg8 : memref<128x64xbf16, #tpu.memory_space<vmem>>) target(%dma_start3A_130 : memref<128x64xbf16, #tpu.memory_space<vmem_shared>>) target_semaphore(%run_scoped3A_126 : memref<!tpu.dma_semaphore, #tpu.memory_space<semaphore_mem>>)
      %dma_wait3A_131 = arith.constant 0 : i32
      %dma_wait3A_132 = tpu.memref_slice %arg11[%add3A_50, %dma_wait3A_131] : memref<10240x64xbf16, #tpu.memory_space<vmem_shared>> -> memref<128x64xbf16, #tpu.memory_space<vmem_shared>>
      %dma_wait3A_133 = arith.constant 0 : i32
      %dma_wait3A_134 = tpu.memref_slice %arg11[%add3A_50, %dma_wait3A_133] : memref<10240x64xbf16, #tpu.memory_space<vmem_shared>> -> memref<128x64xbf16, #tpu.memory_space<vmem_shared>>
      tpu.wait_dma2 semaphore(%run_scoped3A_126 : memref<!tpu.dma_semaphore, #tpu.memory_space<semaphore_mem>>) src(%arg8 : memref<128x64xbf16, #tpu.memory_space<vmem>>) dst(%dma_wait3A_134 : memref<128x64xbf16, #tpu.memory_space<vmem_shared>>)
      tpu.yield
    }) : () -> ()
    %mul3A_51 = arith.constant 640 : i32
    %mul3A_52 = arith.muli %arg1, %mul3A_51 : i32
    %add3A_53 = arith.constant 128 : i32
    %add3A_54 = arith.addi %mul3A_52, %add3A_53 : i32
    "tpu.region"() ({
      %run_scoped3A_126 = tpu.sem_alloc : memref<!tpu.dma_semaphore, #tpu.memory_space<semaphore_mem>>
      %dma_start3A_127 = arith.constant 0 : i32
      %dma_start3A_128 = tpu.memref_slice %arg11[%add3A_54, %dma_start3A_127] : memref<10240x64xbf16, #tpu.memory_space<vmem_shared>> -> memref<128x64xbf16, #tpu.memory_space<vmem_shared>>
      %dma_start3A_129 = arith.constant 0 : i32
      %dma_start3A_130 = tpu.memref_slice %arg11[%add3A_54, %dma_start3A_129] : memref<10240x64xbf16, #tpu.memory_space<vmem_shared>> -> memref<128x64xbf16, #tpu.memory_space<vmem_shared>>
      tpu.enqueue_dma source(%arg8 : memref<128x64xbf16, #tpu.memory_space<vmem>>) target(%dma_start3A_130 : memref<128x64xbf16, #tpu.memory_space<vmem_shared>>) target_semaphore(%run_scoped3A_126 : memref<!tpu.dma_semaphore, #tpu.memory_space<semaphore_mem>>)
      %dma_wait3A_131 = arith.constant 0 : i32
      %dma_wait3A_132 = tpu.memref_slice %arg11[%add3A_54, %dma_wait3A_131] : memref<10240x64xbf16, #tpu.memory_space<vmem_shared>> -> memref<128x64xbf16, #tpu.memory_space<vmem_shared>>
      %dma_wait3A_133 = arith.constant 0 : i32
      %dma_wait3A_134 = tpu.memref_slice %arg11[%add3A_54, %dma_wait3A_133] : memref<10240x64xbf16, #tpu.memory_space<vmem_shared>> -> memref<128x64xbf16, #tpu.memory_space<vmem_shared>>
      tpu.wait_dma2 semaphore(%run_scoped3A_126 : memref<!tpu.dma_semaphore, #tpu.memory_space<semaphore_mem>>) src(%arg8 : memref<128x64xbf16, #tpu.memory_space<vmem>>) dst(%dma_wait3A_134 : memref<128x64xbf16, #tpu.memory_space<vmem_shared>>)
      tpu.yield
    }) : () -> ()
    %mul3A_55 = arith.constant 640 : i32
    %mul3A_56 = arith.muli %arg1, %mul3A_55 : i32
    %add3A_57 = arith.constant 256 : i32
    %add3A_58 = arith.addi %mul3A_56, %add3A_57 : i32
    "tpu.region"() ({
      %run_scoped3A_126 = tpu.sem_alloc : memref<!tpu.dma_semaphore, #tpu.memory_space<semaphore_mem>>
      %dma_start3A_127 = arith.constant 0 : i32
      %dma_start3A_128 = tpu.memref_slice %arg11[%add3A_58, %dma_start3A_127] : memref<10240x64xbf16, #tpu.memory_space<vmem_shared>> -> memref<128x64xbf16, #tpu.memory_space<vmem_shared>>
      %dma_start3A_129 = arith.constant 0 : i32
      %dma_start3A_130 = tpu.memref_slice %arg11[%add3A_58, %dma_start3A_129] : memref<10240x64xbf16, #tpu.memory_space<vmem_shared>> -> memref<128x64xbf16, #tpu.memory_space<vmem_shared>>
      tpu.enqueue_dma source(%arg8 : memref<128x64xbf16, #tpu.memory_space<vmem>>) target(%dma_start3A_130 : memref<128x64xbf16, #tpu.memory_space<vmem_shared>>) target_semaphore(%run_scoped3A_126 : memref<!tpu.dma_semaphore, #tpu.memory_space<semaphore_mem>>)
      %dma_wait3A_131 = arith.constant 0 : i32
      %dma_wait3A_132 = tpu.memref_slice %arg11[%add3A_58, %dma_wait3A_131] : memref<10240x64xbf16, #tpu.memory_space<vmem_shared>> -> memref<128x64xbf16, #tpu.memory_space<vmem_shared>>
      %dma_wait3A_133 = arith.constant 0 : i32
      %dma_wait3A_134 = tpu.memref_slice %arg11[%add3A_58, %dma_wait3A_133] : memref<10240x64xbf16, #tpu.memory_space<vmem_shared>> -> memref<128x64xbf16, #tpu.memory_space<vmem_shared>>
      tpu.wait_dma2 semaphore(%run_scoped3A_126 : memref<!tpu.dma_semaphore, #tpu.memory_space<semaphore_mem>>) src(%arg8 : memref<128x64xbf16, #tpu.memory_space<vmem>>) dst(%dma_wait3A_134 : memref<128x64xbf16, #tpu.memory_space<vmem_shared>>)
      tpu.yield
    }) : () -> ()
    %mul3A_59 = arith.constant 640 : i32
    %mul3A_60 = arith.muli %arg1, %mul3A_59 : i32
    %add3A_61 = arith.constant 384 : i32
    %add3A_62 = arith.addi %mul3A_60, %add3A_61 : i32
    "tpu.region"() ({
      %run_scoped3A_126 = tpu.sem_alloc : memref<!tpu.dma_semaphore, #tpu.memory_space<semaphore_mem>>
      %dma_start3A_127 = arith.constant 0 : i32
      %dma_start3A_128 = tpu.memref_slice %arg11[%add3A_62, %dma_start3A_127] : memref<10240x64xbf16, #tpu.memory_space<vmem_shared>> -> memref<128x64xbf16, #tpu.memory_space<vmem_shared>>
      %dma_start3A_129 = arith.constant 0 : i32
      %dma_start3A_130 = tpu.memref_slice %arg11[%add3A_62, %dma_start3A_129] : memref<10240x64xbf16, #tpu.memory_space<vmem_shared>> -> memref<128x64xbf16, #tpu.memory_space<vmem_shared>>
      tpu.enqueue_dma source(%arg8 : memref<128x64xbf16, #tpu.memory_space<vmem>>) target(%dma_start3A_130 : memref<128x64xbf16, #tpu.memory_space<vmem_shared>>) target_semaphore(%run_scoped3A_126 : memref<!tpu.dma_semaphore, #tpu.memory_space<semaphore_mem>>)
      %dma_wait3A_131 = arith.constant 0 : i32
      %dma_wait3A_132 = tpu.memref_slice %arg11[%add3A_62, %dma_wait3A_131] : memref<10240x64xbf16, #tpu.memory_space<vmem_shared>> -> memref<128x64xbf16, #tpu.memory_space<vmem_shared>>
      %dma_wait3A_133 = arith.constant 0 : i32
      %dma_wait3A_134 = tpu.memref_slice %arg11[%add3A_62, %dma_wait3A_133] : memref<10240x64xbf16, #tpu.memory_space<vmem_shared>> -> memref<128x64xbf16, #tpu.memory_space<vmem_shared>>
      tpu.wait_dma2 semaphore(%run_scoped3A_126 : memref<!tpu.dma_semaphore, #tpu.memory_space<semaphore_mem>>) src(%arg8 : memref<128x64xbf16, #tpu.memory_space<vmem>>) dst(%dma_wait3A_134 : memref<128x64xbf16, #tpu.memory_space<vmem_shared>>)
      tpu.yield
    }) : () -> ()
    %mul3A_63 = arith.constant 640 : i32
    %mul3A_64 = arith.muli %arg1, %mul3A_63 : i32
    %add3A_65 = arith.constant 512 : i32
    %add3A_66 = arith.addi %mul3A_64, %add3A_65 : i32
    "tpu.region"() ({
      %run_scoped3A_126 = tpu.sem_alloc : memref<!tpu.dma_semaphore, #tpu.memory_space<semaphore_mem>>
      %dma_start3A_127 = arith.constant 0 : i32
      %dma_start3A_128 = tpu.memref_slice %arg11[%add3A_66, %dma_start3A_127] : memref<10240x64xbf16, #tpu.memory_space<vmem_shared>> -> memref<128x64xbf16, #tpu.memory_space<vmem_shared>>
      %dma_start3A_129 = arith.constant 0 : i32
      %dma_start3A_130 = tpu.memref_slice %arg11[%add3A_66, %dma_start3A_129] : memref<10240x64xbf16, #tpu.memory_space<vmem_shared>> -> memref<128x64xbf16, #tpu.memory_space<vmem_shared>>
      tpu.enqueue_dma source(%arg8 : memref<128x64xbf16, #tpu.memory_space<vmem>>) target(%dma_start3A_130 : memref<128x64xbf16, #tpu.memory_space<vmem_shared>>) target_semaphore(%run_scoped3A_126 : memref<!tpu.dma_semaphore, #tpu.memory_space<semaphore_mem>>)
      %dma_wait3A_131 = arith.constant 0 : i32
      %dma_wait3A_132 = tpu.memref_slice %arg11[%add3A_66, %dma_wait3A_131] : memref<10240x64xbf16, #tpu.memory_space<vmem_shared>> -> memref<128x64xbf16, #tpu.memory_space<vmem_shared>>
      %dma_wait3A_133 = arith.constant 0 : i32
      %dma_wait3A_134 = tpu.memref_slice %arg11[%add3A_66, %dma_wait3A_133] : memref<10240x64xbf16, #tpu.memory_space<vmem_shared>> -> memref<128x64xbf16, #tpu.memory_space<vmem_shared>>
      tpu.wait_dma2 semaphore(%run_scoped3A_126 : memref<!tpu.dma_semaphore, #tpu.memory_space<semaphore_mem>>) src(%arg8 : memref<128x64xbf16, #tpu.memory_space<vmem>>) dst(%dma_wait3A_134 : memref<128x64xbf16, #tpu.memory_space<vmem_shared>>)
      tpu.yield
    }) : () -> ()
    %barrier3A = arith.constant 0 : index
    tpu.barrier barrier_id(%barrier3A)
    %dma_start3A = arith.constant 0 : i32
    %dma_start3A_67 = arith.constant 0 : i32
    %dma_start3A_68 = tpu.memref_slice %arg6[%dma_start3A, %dma_start3A_67] : memref<81x128xi32, #tpu.memory_space<vmem>> -> memref<1x128xi32, #tpu.memory_space<vmem>>
    %dma_start3A_69 = tpu.memref_squeeze %dma_start3A_68 : memref<1x128xi32, #tpu.memory_space<vmem>> -> memref<128xi32, #tpu.memory_space<vmem>>
    %dma_start3A_70 = arith.constant 0 : i32
    %dma_start3A_71 = arith.constant 0 : i32
    %dma_start3A_72 = tpu.memref_slice %arg10[%dma_start3A_70, %dma_start3A_71] : memref<10240x64xbf16, #tpu.memory_space<vmem_shared>> -> memref<10240x64xbf16, #tpu.memory_space<vmem_shared>>
    tpu.enqueue_indirect_dma source(%dma_start3A_72 : memref<10240x64xbf16, #tpu.memory_space<vmem_shared>>) target(%arg8 : memref<128x64xbf16, #tpu.memory_space<vmem>>) offsets(%dma_start3A_69 : memref<128xi32, #tpu.memory_space<vmem>>) semaphore(%arg12 : memref<!tpu.dma_semaphore, #tpu.memory_space<semaphore_mem>>)
    %scan3A_73 = arith.constant 0 : i32
    %scan3A_74 = arith.constant 0 : i32
    %scan3A_75 = arith.constant 40 : i32
    %scan3A_76 = arith.addi %scan3A_74, %scan3A_75 : i32
    %scan3A_77 = arith.constant 1 : i32
    scf.for %scan3A_126 = %scan3A_74 to %scan3A_76 step %scan3A_77  : i32 {
      %mul3A_127 = arith.constant 2 : i32
      %mul3A_128 = arith.muli %mul3A_127, %scan3A_126 : i32
      %dma_wait3A_129 = arith.constant 0 : i32
      %dma_wait3A_130 = tpu.memref_slice %arg6[%mul3A_128, %dma_wait3A_129] : memref<81x128xi32, #tpu.memory_space<vmem>> -> memref<1x128xi32, #tpu.memory_space<vmem>>
      %dma_wait3A_131 = tpu.memref_squeeze %dma_wait3A_130 : memref<1x128xi32, #tpu.memory_space<vmem>> -> memref<128xi32, #tpu.memory_space<vmem>>
      %dma_wait3A_132 = arith.constant 0 : i32
      %dma_wait3A_133 = arith.constant 0 : i32
      %dma_wait3A_134 = tpu.memref_slice %arg10[%dma_wait3A_132, %dma_wait3A_133] : memref<10240x64xbf16, #tpu.memory_space<vmem_shared>> -> memref<10240x64xbf16, #tpu.memory_space<vmem_shared>>
      tpu.wait_indirect_dma semaphore(%arg12 : memref<!tpu.dma_semaphore, #tpu.memory_space<semaphore_mem>>) src(%dma_wait3A_134 : memref<10240x64xbf16, #tpu.memory_space<vmem_shared>>) dst(%arg8 : memref<128x64xbf16, #tpu.memory_space<vmem>>)
      %add3A_135 = arith.constant 1 : i32
      %add3A_136 = arith.addi %mul3A_128, %add3A_135 : i32
      %dma_start3A_137 = arith.constant 0 : i32
      %dma_start3A_138 = tpu.memref_slice %arg6[%add3A_136, %dma_start3A_137] : memref<81x128xi32, #tpu.memory_space<vmem>> -> memref<1x128xi32, #tpu.memory_space<vmem>>
      %dma_start3A_139 = tpu.memref_squeeze %dma_start3A_138 : memref<1x128xi32, #tpu.memory_space<vmem>> -> memref<128xi32, #tpu.memory_space<vmem>>
      %dma_start3A_140 = arith.constant 0 : i32
      %dma_start3A_141 = arith.constant 0 : i32
      %dma_start3A_142 = tpu.memref_slice %arg10[%dma_start3A_140, %dma_start3A_141] : memref<10240x64xbf16, #tpu.memory_space<vmem_shared>> -> memref<10240x64xbf16, #tpu.memory_space<vmem_shared>>
      tpu.enqueue_indirect_dma source(%dma_start3A_142 : memref<10240x64xbf16, #tpu.memory_space<vmem_shared>>) target(%arg9 : memref<128x64xbf16, #tpu.memory_space<vmem>>) offsets(%dma_start3A_139 : memref<128xi32, #tpu.memory_space<vmem>>) semaphore(%arg13 : memref<!tpu.dma_semaphore, #tpu.memory_space<semaphore_mem>>)
      "tpu.region"() ({
        %run_scoped3A_157 = tpu.sem_alloc : memref<!tpu.dma_semaphore, #tpu.memory_space<semaphore_mem>>
        %dma_start3A_158 = arith.constant 0 : i32
        %dma_start3A_159 = tpu.memref_slice %arg7[%mul3A_128, %dma_start3A_158] : memref<81x128xi32, #tpu.memory_space<vmem>> -> memref<1x128xi32, #tpu.memory_space<vmem>>
        %dma_start3A_160 = tpu.memref_squeeze %dma_start3A_159 : memref<1x128xi32, #tpu.memory_space<vmem>> -> memref<128xi32, #tpu.memory_space<vmem>>
        %dma_start3A_161 = arith.constant 0 : i32
        %dma_start3A_162 = arith.constant 0 : i32
        %dma_start3A_163 = tpu.memref_slice %arg11[%dma_start3A_161, %dma_start3A_162] : memref<10240x64xbf16, #tpu.memory_space<vmem_shared>> -> memref<10240x64xbf16, #tpu.memory_space<vmem_shared>>
        tpu.enqueue_indirect_dma source(%arg8 : memref<128x64xbf16, #tpu.memory_space<vmem>>) target(%dma_start3A_163 : memref<10240x64xbf16, #tpu.memory_space<vmem_shared>>) offsets(%dma_start3A_160 : memref<128xi32, #tpu.memory_space<vmem>>) semaphore(%run_scoped3A_157 : memref<!tpu.dma_semaphore, #tpu.memory_space<semaphore_mem>>) {add = true}
        %dma_wait3A_164 = arith.constant 0 : i32
        %dma_wait3A_165 = tpu.memref_slice %arg7[%mul3A_128, %dma_wait3A_164] : memref<81x128xi32, #tpu.memory_space<vmem>> -> memref<1x128xi32, #tpu.memory_space<vmem>>
        %dma_wait3A_166 = tpu.memref_squeeze %dma_wait3A_165 : memref<1x128xi32, #tpu.memory_space<vmem>> -> memref<128xi32, #tpu.memory_space<vmem>>
        %dma_wait3A_167 = arith.constant 0 : i32
        %dma_wait3A_168 = arith.constant 0 : i32
        %dma_wait3A_169 = tpu.memref_slice %arg11[%dma_wait3A_167, %dma_wait3A_168] : memref<10240x64xbf16, #tpu.memory_space<vmem_shared>> -> memref<10240x64xbf16, #tpu.memory_space<vmem_shared>>
        tpu.wait_indirect_dma semaphore(%run_scoped3A_157 : memref<!tpu.dma_semaphore, #tpu.memory_space<semaphore_mem>>) src(%arg8 : memref<128x64xbf16, #tpu.memory_space<vmem>>) dst(%dma_wait3A_169 : memref<10240x64xbf16, #tpu.memory_space<vmem_shared>>)
        tpu.yield
      }) : () -> ()
      %add3A_143 = arith.constant 1 : i32
      %add3A_144 = arith.addi %mul3A_128, %add3A_143 : i32
      %dma_wait3A_145 = arith.constant 0 : i32
      %dma_wait3A_146 = tpu.memref_slice %arg6[%add3A_144, %dma_wait3A_145] : memref<81x128xi32, #tpu.memory_space<vmem>> -> memref<1x128xi32, #tpu.memory_space<vmem>>
      %dma_wait3A_147 = tpu.memref_squeeze %dma_wait3A_146 : memref<1x128xi32, #tpu.memory_space<vmem>> -> memref<128xi32, #tpu.memory_space<vmem>>
      %dma_wait3A_148 = arith.constant 0 : i32
      %dma_wait3A_149 = arith.constant 0 : i32
      %dma_wait3A_150 = tpu.memref_slice %arg10[%dma_wait3A_148, %dma_wait3A_149] : memref<10240x64xbf16, #tpu.memory_space<vmem_shared>> -> memref<10240x64xbf16, #tpu.memory_space<vmem_shared>>
      tpu.wait_indirect_dma semaphore(%arg13 : memref<!tpu.dma_semaphore, #tpu.memory_space<semaphore_mem>>) src(%dma_wait3A_150 : memref<10240x64xbf16, #tpu.memory_space<vmem_shared>>) dst(%arg9 : memref<128x64xbf16, #tpu.memory_space<vmem>>)
      %add3A_151 = arith.constant 2 : i32
      %add3A_152 = arith.addi %mul3A_128, %add3A_151 : i32
      %lt3A = arith.constant 81 : i32
      %lt3A_153 = arith.cmpi slt, %add3A_152, %lt3A : i32
      %convert_element_type3A = arith.extui %lt3A_153 : i1 to i32
      %cond3A = arith.constant 0 : i32
      %cond3A_154 = arith.cmpi ne, %convert_element_type3A, %cond3A : i32
      scf.if %cond3A_154 {
        %add3A_157 = arith.constant 2 : i32
        %add3A_158 = arith.addi %mul3A_128, %add3A_157 : i32
        %dma_start3A_159 = arith.constant 0 : i32
        %dma_start3A_160 = tpu.memref_slice %arg6[%add3A_158, %dma_start3A_159] : memref<81x128xi32, #tpu.memory_space<vmem>> -> memref<1x128xi32, #tpu.memory_space<vmem>>
        %dma_start3A_161 = tpu.memref_squeeze %dma_start3A_160 : memref<1x128xi32, #tpu.memory_space<vmem>> -> memref<128xi32, #tpu.memory_space<vmem>>
        %dma_start3A_162 = arith.constant 0 : i32
        %dma_start3A_163 = arith.constant 0 : i32
        %dma_start3A_164 = tpu.memref_slice %arg10[%dma_start3A_162, %dma_start3A_163] : memref<10240x64xbf16, #tpu.memory_space<vmem_shared>> -> memref<10240x64xbf16, #tpu.memory_space<vmem_shared>>
        tpu.enqueue_indirect_dma source(%dma_start3A_164 : memref<10240x64xbf16, #tpu.memory_space<vmem_shared>>) target(%arg8 : memref<128x64xbf16, #tpu.memory_space<vmem>>) offsets(%dma_start3A_161 : memref<128xi32, #tpu.memory_space<vmem>>) semaphore(%arg12 : memref<!tpu.dma_semaphore, #tpu.memory_space<semaphore_mem>>)
      } else {
      }
      %add3A_155 = arith.constant 1 : i32
      %add3A_156 = arith.addi %mul3A_128, %add3A_155 : i32
      "tpu.region"() ({
        %run_scoped3A_157 = tpu.sem_alloc : memref<!tpu.dma_semaphore, #tpu.memory_space<semaphore_mem>>
        %dma_start3A_158 = arith.constant 0 : i32
        %dma_start3A_159 = tpu.memref_slice %arg7[%add3A_156, %dma_start3A_158] : memref<81x128xi32, #tpu.memory_space<vmem>> -> memref<1x128xi32, #tpu.memory_space<vmem>>
        %dma_start3A_160 = tpu.memref_squeeze %dma_start3A_159 : memref<1x128xi32, #tpu.memory_space<vmem>> -> memref<128xi32, #tpu.memory_space<vmem>>
        %dma_start3A_161 = arith.constant 0 : i32
        %dma_start3A_162 = arith.constant 0 : i32
        %dma_start3A_163 = tpu.memref_slice %arg11[%dma_start3A_161, %dma_start3A_162] : memref<10240x64xbf16, #tpu.memory_space<vmem_shared>> -> memref<10240x64xbf16, #tpu.memory_space<vmem_shared>>
        tpu.enqueue_indirect_dma source(%arg9 : memref<128x64xbf16, #tpu.memory_space<vmem>>) target(%dma_start3A_163 : memref<10240x64xbf16, #tpu.memory_space<vmem_shared>>) offsets(%dma_start3A_160 : memref<128xi32, #tpu.memory_space<vmem>>) semaphore(%run_scoped3A_157 : memref<!tpu.dma_semaphore, #tpu.memory_space<semaphore_mem>>) {add = true}
        %dma_wait3A_164 = arith.constant 0 : i32
        %dma_wait3A_165 = tpu.memref_slice %arg7[%add3A_156, %dma_wait3A_164] : memref<81x128xi32, #tpu.memory_space<vmem>> -> memref<1x128xi32, #tpu.memory_space<vmem>>
        %dma_wait3A_166 = tpu.memref_squeeze %dma_wait3A_165 : memref<1x128xi32, #tpu.memory_space<vmem>> -> memref<128xi32, #tpu.memory_space<vmem>>
        %dma_wait3A_167 = arith.constant 0 : i32
        %dma_wait3A_168 = arith.constant 0 : i32
        %dma_wait3A_169 = tpu.memref_slice %arg11[%dma_wait3A_167, %dma_wait3A_168] : memref<10240x64xbf16, #tpu.memory_space<vmem_shared>> -> memref<10240x64xbf16, #tpu.memory_space<vmem_shared>>
        tpu.wait_indirect_dma semaphore(%run_scoped3A_157 : memref<!tpu.dma_semaphore, #tpu.memory_space<semaphore_mem>>) src(%arg9 : memref<128x64xbf16, #tpu.memory_space<vmem>>) dst(%dma_wait3A_169 : memref<10240x64xbf16, #tpu.memory_space<vmem_shared>>)
        tpu.yield
      }) : () -> ()
    }
    %scan3A_78 = arith.constant 40 : i32
    %dma_wait3A = arith.constant 80 : i32
    %dma_wait3A_79 = arith.constant 0 : i32
    %dma_wait3A_80 = tpu.memref_slice %arg6[%dma_wait3A, %dma_wait3A_79] : memref<81x128xi32, #tpu.memory_space<vmem>> -> memref<1x128xi32, #tpu.memory_space<vmem>>
    %dma_wait3A_81 = tpu.memref_squeeze %dma_wait3A_80 : memref<1x128xi32, #tpu.memory_space<vmem>> -> memref<128xi32, #tpu.memory_space<vmem>>
    %dma_wait3A_82 = arith.constant 0 : i32
    %dma_wait3A_83 = arith.constant 0 : i32
    %dma_wait3A_84 = tpu.memref_slice %arg10[%dma_wait3A_82, %dma_wait3A_83] : memref<10240x64xbf16, #tpu.memory_space<vmem_shared>> -> memref<10240x64xbf16, #tpu.memory_space<vmem_shared>>
    tpu.wait_indirect_dma semaphore(%arg12 : memref<!tpu.dma_semaphore, #tpu.memory_space<semaphore_mem>>) src(%dma_wait3A_84 : memref<10240x64xbf16, #tpu.memory_space<vmem_shared>>) dst(%arg8 : memref<128x64xbf16, #tpu.memory_space<vmem>>)
    %run_scoped3A = arith.constant 80 : i32
    "tpu.region"() ({
      %run_scoped3A_126 = tpu.sem_alloc : memref<!tpu.dma_semaphore, #tpu.memory_space<semaphore_mem>>
      %dma_start3A_127 = arith.constant 0 : i32
      %dma_start3A_128 = tpu.memref_slice %arg7[%run_scoped3A, %dma_start3A_127] : memref<81x128xi32, #tpu.memory_space<vmem>> -> memref<1x128xi32, #tpu.memory_space<vmem>>
      %dma_start3A_129 = tpu.memref_squeeze %dma_start3A_128 : memref<1x128xi32, #tpu.memory_space<vmem>> -> memref<128xi32, #tpu.memory_space<vmem>>
      %dma_start3A_130 = arith.constant 0 : i32
      %dma_start3A_131 = arith.constant 0 : i32
      %dma_start3A_132 = tpu.memref_slice %arg11[%dma_start3A_130, %dma_start3A_131] : memref<10240x64xbf16, #tpu.memory_space<vmem_shared>> -> memref<10240x64xbf16, #tpu.memory_space<vmem_shared>>
      tpu.enqueue_indirect_dma source(%arg8 : memref<128x64xbf16, #tpu.memory_space<vmem>>) target(%dma_start3A_132 : memref<10240x64xbf16, #tpu.memory_space<vmem_shared>>) offsets(%dma_start3A_129 : memref<128xi32, #tpu.memory_space<vmem>>) semaphore(%run_scoped3A_126 : memref<!tpu.dma_semaphore, #tpu.memory_space<semaphore_mem>>) {add = true}
      %dma_wait3A_133 = arith.constant 0 : i32
      %dma_wait3A_134 = tpu.memref_slice %arg7[%run_scoped3A, %dma_wait3A_133] : memref<81x128xi32, #tpu.memory_space<vmem>> -> memref<1x128xi32, #tpu.memory_space<vmem>>
      %dma_wait3A_135 = tpu.memref_squeeze %dma_wait3A_134 : memref<1x128xi32, #tpu.memory_space<vmem>> -> memref<128xi32, #tpu.memory_space<vmem>>
      %dma_wait3A_136 = arith.constant 0 : i32
      %dma_wait3A_137 = arith.constant 0 : i32
      %dma_wait3A_138 = tpu.memref_slice %arg11[%dma_wait3A_136, %dma_wait3A_137] : memref<10240x64xbf16, #tpu.memory_space<vmem_shared>> -> memref<10240x64xbf16, #tpu.memory_space<vmem_shared>>
      tpu.wait_indirect_dma semaphore(%run_scoped3A_126 : memref<!tpu.dma_semaphore, #tpu.memory_space<semaphore_mem>>) src(%arg8 : memref<128x64xbf16, #tpu.memory_space<vmem>>) dst(%dma_wait3A_138 : memref<10240x64xbf16, #tpu.memory_space<vmem_shared>>)
      tpu.yield
    }) : () -> ()
    %barrier3A_85 = arith.constant 0 : index
    tpu.barrier barrier_id(%barrier3A_85)
    %mul3A_86 = arith.constant 640 : i32
    %mul3A_87 = arith.muli %arg1, %mul3A_86 : i32
    %add3A_88 = arith.constant 0 : i32
    %add3A_89 = arith.addi %mul3A_87, %add3A_88 : i32
    "tpu.region"() ({
      %run_scoped3A_126 = tpu.sem_alloc : memref<!tpu.dma_semaphore, #tpu.memory_space<semaphore_mem>>
      %dma_start3A_127 = arith.constant 0 : i32
      %dma_start3A_128 = tpu.memref_slice %arg11[%add3A_89, %dma_start3A_127] : memref<10240x64xbf16, #tpu.memory_space<vmem_shared>> -> memref<128x64xbf16, #tpu.memory_space<vmem_shared>>
      %dma_start3A_129 = arith.constant 0 : i32
      %dma_start3A_130 = tpu.memref_slice %arg11[%add3A_89, %dma_start3A_129] : memref<10240x64xbf16, #tpu.memory_space<vmem_shared>> -> memref<128x64xbf16, #tpu.memory_space<vmem_shared>>
      tpu.enqueue_dma source(%dma_start3A_130 : memref<128x64xbf16, #tpu.memory_space<vmem_shared>>) target(%arg8 : memref<128x64xbf16, #tpu.memory_space<vmem>>) target_semaphore(%run_scoped3A_126 : memref<!tpu.dma_semaphore, #tpu.memory_space<semaphore_mem>>)
      %dma_wait3A_131 = arith.constant 0 : i32
      %dma_wait3A_132 = tpu.memref_slice %arg11[%add3A_89, %dma_wait3A_131] : memref<10240x64xbf16, #tpu.memory_space<vmem_shared>> -> memref<128x64xbf16, #tpu.memory_space<vmem_shared>>
      %dma_wait3A_133 = arith.constant 0 : i32
      %dma_wait3A_134 = tpu.memref_slice %arg11[%add3A_89, %dma_wait3A_133] : memref<10240x64xbf16, #tpu.memory_space<vmem_shared>> -> memref<128x64xbf16, #tpu.memory_space<vmem_shared>>
      tpu.wait_dma2 semaphore(%run_scoped3A_126 : memref<!tpu.dma_semaphore, #tpu.memory_space<semaphore_mem>>) src(%dma_wait3A_134 : memref<128x64xbf16, #tpu.memory_space<vmem_shared>>) dst(%arg8 : memref<128x64xbf16, #tpu.memory_space<vmem>>)
      tpu.yield
    }) : () -> ()
    %mul3A_90 = arith.constant 640 : i32
    %mul3A_91 = arith.muli %arg1, %mul3A_90 : i32
    %add3A_92 = arith.constant 0 : i32
    %add3A_93 = arith.addi %mul3A_91, %add3A_92 : i32
    "tpu.region"() ({
      %run_scoped3A_126 = tpu.sem_alloc : memref<!tpu.dma_semaphore, #tpu.memory_space<semaphore_mem>>
      %dma_start3A_127 = arith.constant 0 : i32
      %dma_start3A_128 = tpu.memref_slice %arg5[%arg0, %add3A_93, %dma_start3A_127] : memref<2x10240x64xbf16, #tpu.memory_space<hbm>> -> memref<1x128x64xbf16, #tpu.memory_space<hbm>>
      %dma_start3A_129 = tpu.memref_squeeze %dma_start3A_128 : memref<1x128x64xbf16, #tpu.memory_space<hbm>> -> memref<128x64xbf16, #tpu.memory_space<hbm>>
      %dma_start3A_130 = arith.constant 0 : i32
      %dma_start3A_131 = tpu.memref_slice %arg5[%arg0, %add3A_93, %dma_start3A_130] : memref<2x10240x64xbf16, #tpu.memory_space<hbm>> -> memref<1x128x64xbf16, #tpu.memory_space<hbm>>
      %dma_start3A_132 = tpu.memref_squeeze %dma_start3A_131 : memref<1x128x64xbf16, #tpu.memory_space<hbm>> -> memref<128x64xbf16, #tpu.memory_space<hbm>>
      tpu.enqueue_dma source(%arg8 : memref<128x64xbf16, #tpu.memory_space<vmem>>) target(%dma_start3A_132 : memref<128x64xbf16, #tpu.memory_space<hbm>>) target_semaphore(%run_scoped3A_126 : memref<!tpu.dma_semaphore, #tpu.memory_space<semaphore_mem>>)
      %dma_wait3A_133 = arith.constant 0 : i32
      %dma_wait3A_134 = tpu.memref_slice %arg5[%arg0, %add3A_93, %dma_wait3A_133] : memref<2x10240x64xbf16, #tpu.memory_space<hbm>> -> memref<1x128x64xbf16, #tpu.memory_space<hbm>>
      %dma_wait3A_135 = tpu.memref_squeeze %dma_wait3A_134 : memref<1x128x64xbf16, #tpu.memory_space<hbm>> -> memref<128x64xbf16, #tpu.memory_space<hbm>>
      %dma_wait3A_136 = arith.constant 0 : i32
      %dma_wait3A_137 = tpu.memref_slice %arg5[%arg0, %add3A_93, %dma_wait3A_136] : memref<2x10240x64xbf16, #tpu.memory_space<hbm>> -> memref<1x128x64xbf16, #tpu.memory_space<hbm>>
      %dma_wait3A_138 = tpu.memref_squeeze %dma_wait3A_137 : memref<1x128x64xbf16, #tpu.memory_space<hbm>> -> memref<128x64xbf16, #tpu.memory_space<hbm>>
      tpu.wait_dma2 semaphore(%run_scoped3A_126 : memref<!tpu.dma_semaphore, #tpu.memory_space<semaphore_mem>>) src(%arg8 : memref<128x64xbf16, #tpu.memory_space<vmem>>) dst(%dma_wait3A_138 : memref<128x64xbf16, #tpu.memory_space<hbm>>)
      tpu.yield
    }) : () -> ()
    %mul3A_94 = arith.constant 640 : i32
    %mul3A_95 = arith.muli %arg1, %mul3A_94 : i32
    %add3A_96 = arith.constant 128 : i32
    %add3A_97 = arith.addi %mul3A_95, %add3A_96 : i32
    "tpu.region"() ({
      %run_scoped3A_126 = tpu.sem_alloc : memref<!tpu.dma_semaphore, #tpu.memory_space<semaphore_mem>>
      %dma_start3A_127 = arith.constant 0 : i32
      %dma_start3A_128 = tpu.memref_slice %arg11[%add3A_97, %dma_start3A_127] : memref<10240x64xbf16, #tpu.memory_space<vmem_shared>> -> memref<128x64xbf16, #tpu.memory_space<vmem_shared>>
      %dma_start3A_129 = arith.constant 0 : i32
      %dma_start3A_130 = tpu.memref_slice %arg11[%add3A_97, %dma_start3A_129] : memref<10240x64xbf16, #tpu.memory_space<vmem_shared>> -> memref<128x64xbf16, #tpu.memory_space<vmem_shared>>
      tpu.enqueue_dma source(%dma_start3A_130 : memref<128x64xbf16, #tpu.memory_space<vmem_shared>>) target(%arg8 : memref<128x64xbf16, #tpu.memory_space<vmem>>) target_semaphore(%run_scoped3A_126 : memref<!tpu.dma_semaphore, #tpu.memory_space<semaphore_mem>>)
      %dma_wait3A_131 = arith.constant 0 : i32
      %dma_wait3A_132 = tpu.memref_slice %arg11[%add3A_97, %dma_wait3A_131] : memref<10240x64xbf16, #tpu.memory_space<vmem_shared>> -> memref<128x64xbf16, #tpu.memory_space<vmem_shared>>
      %dma_wait3A_133 = arith.constant 0 : i32
      %dma_wait3A_134 = tpu.memref_slice %arg11[%add3A_97, %dma_wait3A_133] : memref<10240x64xbf16, #tpu.memory_space<vmem_shared>> -> memref<128x64xbf16, #tpu.memory_space<vmem_shared>>
      tpu.wait_dma2 semaphore(%run_scoped3A_126 : memref<!tpu.dma_semaphore, #tpu.memory_space<semaphore_mem>>) src(%dma_wait3A_134 : memref<128x64xbf16, #tpu.memory_space<vmem_shared>>) dst(%arg8 : memref<128x64xbf16, #tpu.memory_space<vmem>>)
      tpu.yield
    }) : () -> ()
    %mul3A_98 = arith.constant 640 : i32
    %mul3A_99 = arith.muli %arg1, %mul3A_98 : i32
    %add3A_100 = arith.constant 128 : i32
    %add3A_101 = arith.addi %mul3A_99, %add3A_100 : i32
    "tpu.region"() ({
      %run_scoped3A_126 = tpu.sem_alloc : memref<!tpu.dma_semaphore, #tpu.memory_space<semaphore_mem>>
      %dma_start3A_127 = arith.constant 0 : i32
      %dma_start3A_128 = tpu.memref_slice %arg5[%arg0, %add3A_101, %dma_start3A_127] : memref<2x10240x64xbf16, #tpu.memory_space<hbm>> -> memref<1x128x64xbf16, #tpu.memory_space<hbm>>
      %dma_start3A_129 = tpu.memref_squeeze %dma_start3A_128 : memref<1x128x64xbf16, #tpu.memory_space<hbm>> -> memref<128x64xbf16, #tpu.memory_space<hbm>>
      %dma_start3A_130 = arith.constant 0 : i32
      %dma_start3A_131 = tpu.memref_slice %arg5[%arg0, %add3A_101, %dma_start3A_130] : memref<2x10240x64xbf16, #tpu.memory_space<hbm>> -> memref<1x128x64xbf16, #tpu.memory_space<hbm>>
      %dma_start3A_132 = tpu.memref_squeeze %dma_start3A_131 : memref<1x128x64xbf16, #tpu.memory_space<hbm>> -> memref<128x64xbf16, #tpu.memory_space<hbm>>
      tpu.enqueue_dma source(%arg8 : memref<128x64xbf16, #tpu.memory_space<vmem>>) target(%dma_start3A_132 : memref<128x64xbf16, #tpu.memory_space<hbm>>) target_semaphore(%run_scoped3A_126 : memref<!tpu.dma_semaphore, #tpu.memory_space<semaphore_mem>>)
      %dma_wait3A_133 = arith.constant 0 : i32
      %dma_wait3A_134 = tpu.memref_slice %arg5[%arg0, %add3A_101, %dma_wait3A_133] : memref<2x10240x64xbf16, #tpu.memory_space<hbm>> -> memref<1x128x64xbf16, #tpu.memory_space<hbm>>
      %dma_wait3A_135 = tpu.memref_squeeze %dma_wait3A_134 : memref<1x128x64xbf16, #tpu.memory_space<hbm>> -> memref<128x64xbf16, #tpu.memory_space<hbm>>
      %dma_wait3A_136 = arith.constant 0 : i32
      %dma_wait3A_137 = tpu.memref_slice %arg5[%arg0, %add3A_101, %dma_wait3A_136] : memref<2x10240x64xbf16, #tpu.memory_space<hbm>> -> memref<1x128x64xbf16, #tpu.memory_space<hbm>>
      %dma_wait3A_138 = tpu.memref_squeeze %dma_wait3A_137 : memref<1x128x64xbf16, #tpu.memory_space<hbm>> -> memref<128x64xbf16, #tpu.memory_space<hbm>>
      tpu.wait_dma2 semaphore(%run_scoped3A_126 : memref<!tpu.dma_semaphore, #tpu.memory_space<semaphore_mem>>) src(%arg8 : memref<128x64xbf16, #tpu.memory_space<vmem>>) dst(%dma_wait3A_138 : memref<128x64xbf16, #tpu.memory_space<hbm>>)
      tpu.yield
    }) : () -> ()
    %mul3A_102 = arith.constant 640 : i32
    %mul3A_103 = arith.muli %arg1, %mul3A_102 : i32
    %add3A_104 = arith.constant 256 : i32
    %add3A_105 = arith.addi %mul3A_103, %add3A_104 : i32
    "tpu.region"() ({
      %run_scoped3A_126 = tpu.sem_alloc : memref<!tpu.dma_semaphore, #tpu.memory_space<semaphore_mem>>
      %dma_start3A_127 = arith.constant 0 : i32
      %dma_start3A_128 = tpu.memref_slice %arg11[%add3A_105, %dma_start3A_127] : memref<10240x64xbf16, #tpu.memory_space<vmem_shared>> -> memref<128x64xbf16, #tpu.memory_space<vmem_shared>>
      %dma_start3A_129 = arith.constant 0 : i32
      %dma_start3A_130 = tpu.memref_slice %arg11[%add3A_105, %dma_start3A_129] : memref<10240x64xbf16, #tpu.memory_space<vmem_shared>> -> memref<128x64xbf16, #tpu.memory_space<vmem_shared>>
      tpu.enqueue_dma source(%dma_start3A_130 : memref<128x64xbf16, #tpu.memory_space<vmem_shared>>) target(%arg8 : memref<128x64xbf16, #tpu.memory_space<vmem>>) target_semaphore(%run_scoped3A_126 : memref<!tpu.dma_semaphore, #tpu.memory_space<semaphore_mem>>)
      %dma_wait3A_131 = arith.constant 0 : i32
      %dma_wait3A_132 = tpu.memref_slice %arg11[%add3A_105, %dma_wait3A_131] : memref<10240x64xbf16, #tpu.memory_space<vmem_shared>> -> memref<128x64xbf16, #tpu.memory_space<vmem_shared>>
      %dma_wait3A_133 = arith.constant 0 : i32
      %dma_wait3A_134 = tpu.memref_slice %arg11[%add3A_105, %dma_wait3A_133] : memref<10240x64xbf16, #tpu.memory_space<vmem_shared>> -> memref<128x64xbf16, #tpu.memory_space<vmem_shared>>
      tpu.wait_dma2 semaphore(%run_scoped3A_126 : memref<!tpu.dma_semaphore, #tpu.memory_space<semaphore_mem>>) src(%dma_wait3A_134 : memref<128x64xbf16, #tpu.memory_space<vmem_shared>>) dst(%arg8 : memref<128x64xbf16, #tpu.memory_space<vmem>>)
      tpu.yield
    }) : () -> ()
    %mul3A_106 = arith.constant 640 : i32
    %mul3A_107 = arith.muli %arg1, %mul3A_106 : i32
    %add3A_108 = arith.constant 256 : i32
    %add3A_109 = arith.addi %mul3A_107, %add3A_108 : i32
    "tpu.region"() ({
      %run_scoped3A_126 = tpu.sem_alloc : memref<!tpu.dma_semaphore, #tpu.memory_space<semaphore_mem>>
      %dma_start3A_127 = arith.constant 0 : i32
      %dma_start3A_128 = tpu.memref_slice %arg5[%arg0, %add3A_109, %dma_start3A_127] : memref<2x10240x64xbf16, #tpu.memory_space<hbm>> -> memref<1x128x64xbf16, #tpu.memory_space<hbm>>
      %dma_start3A_129 = tpu.memref_squeeze %dma_start3A_128 : memref<1x128x64xbf16, #tpu.memory_space<hbm>> -> memref<128x64xbf16, #tpu.memory_space<hbm>>
      %dma_start3A_130 = arith.constant 0 : i32
      %dma_start3A_131 = tpu.memref_slice %arg5[%arg0, %add3A_109, %dma_start3A_130] : memref<2x10240x64xbf16, #tpu.memory_space<hbm>> -> memref<1x128x64xbf16, #tpu.memory_space<hbm>>
      %dma_start3A_132 = tpu.memref_squeeze %dma_start3A_131 : memref<1x128x64xbf16, #tpu.memory_space<hbm>> -> memref<128x64xbf16, #tpu.memory_space<hbm>>
      tpu.enqueue_dma source(%arg8 : memref<128x64xbf16, #tpu.memory_space<vmem>>) target(%dma_start3A_132 : memref<128x64xbf16, #tpu.memory_space<hbm>>) target_semaphore(%run_scoped3A_126 : memref<!tpu.dma_semaphore, #tpu.memory_space<semaphore_mem>>)
      %dma_wait3A_133 = arith.constant 0 : i32
      %dma_wait3A_134 = tpu.memref_slice %arg5[%arg0, %add3A_109, %dma_wait3A_133] : memref<2x10240x64xbf16, #tpu.memory_space<hbm>> -> memref<1x128x64xbf16, #tpu.memory_space<hbm>>
      %dma_wait3A_135 = tpu.memref_squeeze %dma_wait3A_134 : memref<1x128x64xbf16, #tpu.memory_space<hbm>> -> memref<128x64xbf16, #tpu.memory_space<hbm>>
      %dma_wait3A_136 = arith.constant 0 : i32
      %dma_wait3A_137 = tpu.memref_slice %arg5[%arg0, %add3A_109, %dma_wait3A_136] : memref<2x10240x64xbf16, #tpu.memory_space<hbm>> -> memref<1x128x64xbf16, #tpu.memory_space<hbm>>
      %dma_wait3A_138 = tpu.memref_squeeze %dma_wait3A_137 : memref<1x128x64xbf16, #tpu.memory_space<hbm>> -> memref<128x64xbf16, #tpu.memory_space<hbm>>
      tpu.wait_dma2 semaphore(%run_scoped3A_126 : memref<!tpu.dma_semaphore, #tpu.memory_space<semaphore_mem>>) src(%arg8 : memref<128x64xbf16, #tpu.memory_space<vmem>>) dst(%dma_wait3A_138 : memref<128x64xbf16, #tpu.memory_space<hbm>>)
      tpu.yield
    }) : () -> ()
    %mul3A_110 = arith.constant 640 : i32
    %mul3A_111 = arith.muli %arg1, %mul3A_110 : i32
    %add3A_112 = arith.constant 384 : i32
    %add3A_113 = arith.addi %mul3A_111, %add3A_112 : i32
    "tpu.region"() ({
      %run_scoped3A_126 = tpu.sem_alloc : memref<!tpu.dma_semaphore, #tpu.memory_space<semaphore_mem>>
      %dma_start3A_127 = arith.constant 0 : i32
      %dma_start3A_128 = tpu.memref_slice %arg11[%add3A_113, %dma_start3A_127] : memref<10240x64xbf16, #tpu.memory_space<vmem_shared>> -> memref<128x64xbf16, #tpu.memory_space<vmem_shared>>
      %dma_start3A_129 = arith.constant 0 : i32
      %dma_start3A_130 = tpu.memref_slice %arg11[%add3A_113, %dma_start3A_129] : memref<10240x64xbf16, #tpu.memory_space<vmem_shared>> -> memref<128x64xbf16, #tpu.memory_space<vmem_shared>>
      tpu.enqueue_dma source(%dma_start3A_130 : memref<128x64xbf16, #tpu.memory_space<vmem_shared>>) target(%arg8 : memref<128x64xbf16, #tpu.memory_space<vmem>>) target_semaphore(%run_scoped3A_126 : memref<!tpu.dma_semaphore, #tpu.memory_space<semaphore_mem>>)
      %dma_wait3A_131 = arith.constant 0 : i32
      %dma_wait3A_132 = tpu.memref_slice %arg11[%add3A_113, %dma_wait3A_131] : memref<10240x64xbf16, #tpu.memory_space<vmem_shared>> -> memref<128x64xbf16, #tpu.memory_space<vmem_shared>>
      %dma_wait3A_133 = arith.constant 0 : i32
      %dma_wait3A_134 = tpu.memref_slice %arg11[%add3A_113, %dma_wait3A_133] : memref<10240x64xbf16, #tpu.memory_space<vmem_shared>> -> memref<128x64xbf16, #tpu.memory_space<vmem_shared>>
      tpu.wait_dma2 semaphore(%run_scoped3A_126 : memref<!tpu.dma_semaphore, #tpu.memory_space<semaphore_mem>>) src(%dma_wait3A_134 : memref<128x64xbf16, #tpu.memory_space<vmem_shared>>) dst(%arg8 : memref<128x64xbf16, #tpu.memory_space<vmem>>)
      tpu.yield
    }) : () -> ()
    %mul3A_114 = arith.constant 640 : i32
    %mul3A_115 = arith.muli %arg1, %mul3A_114 : i32
    %add3A_116 = arith.constant 384 : i32
    %add3A_117 = arith.addi %mul3A_115, %add3A_116 : i32
    "tpu.region"() ({
      %run_scoped3A_126 = tpu.sem_alloc : memref<!tpu.dma_semaphore, #tpu.memory_space<semaphore_mem>>
      %dma_start3A_127 = arith.constant 0 : i32
      %dma_start3A_128 = tpu.memref_slice %arg5[%arg0, %add3A_117, %dma_start3A_127] : memref<2x10240x64xbf16, #tpu.memory_space<hbm>> -> memref<1x128x64xbf16, #tpu.memory_space<hbm>>
      %dma_start3A_129 = tpu.memref_squeeze %dma_start3A_128 : memref<1x128x64xbf16, #tpu.memory_space<hbm>> -> memref<128x64xbf16, #tpu.memory_space<hbm>>
      %dma_start3A_130 = arith.constant 0 : i32
      %dma_start3A_131 = tpu.memref_slice %arg5[%arg0, %add3A_117, %dma_start3A_130] : memref<2x10240x64xbf16, #tpu.memory_space<hbm>> -> memref<1x128x64xbf16, #tpu.memory_space<hbm>>
      %dma_start3A_132 = tpu.memref_squeeze %dma_start3A_131 : memref<1x128x64xbf16, #tpu.memory_space<hbm>> -> memref<128x64xbf16, #tpu.memory_space<hbm>>
      tpu.enqueue_dma source(%arg8 : memref<128x64xbf16, #tpu.memory_space<vmem>>) target(%dma_start3A_132 : memref<128x64xbf16, #tpu.memory_space<hbm>>) target_semaphore(%run_scoped3A_126 : memref<!tpu.dma_semaphore, #tpu.memory_space<semaphore_mem>>)
      %dma_wait3A_133 = arith.constant 0 : i32
      %dma_wait3A_134 = tpu.memref_slice %arg5[%arg0, %add3A_117, %dma_wait3A_133] : memref<2x10240x64xbf16, #tpu.memory_space<hbm>> -> memref<1x128x64xbf16, #tpu.memory_space<hbm>>
      %dma_wait3A_135 = tpu.memref_squeeze %dma_wait3A_134 : memref<1x128x64xbf16, #tpu.memory_space<hbm>> -> memref<128x64xbf16, #tpu.memory_space<hbm>>
      %dma_wait3A_136 = arith.constant 0 : i32
      %dma_wait3A_137 = tpu.memref_slice %arg5[%arg0, %add3A_117, %dma_wait3A_136] : memref<2x10240x64xbf16, #tpu.memory_space<hbm>> -> memref<1x128x64xbf16, #tpu.memory_space<hbm>>
      %dma_wait3A_138 = tpu.memref_squeeze %dma_wait3A_137 : memref<1x128x64xbf16, #tpu.memory_space<hbm>> -> memref<128x64xbf16, #tpu.memory_space<hbm>>
      tpu.wait_dma2 semaphore(%run_scoped3A_126 : memref<!tpu.dma_semaphore, #tpu.memory_space<semaphore_mem>>) src(%arg8 : memref<128x64xbf16, #tpu.memory_space<vmem>>) dst(%dma_wait3A_138 : memref<128x64xbf16, #tpu.memory_space<hbm>>)
      tpu.yield
    }) : () -> ()
    %mul3A_118 = arith.constant 640 : i32
    %mul3A_119 = arith.muli %arg1, %mul3A_118 : i32
    %add3A_120 = arith.constant 512 : i32
    %add3A_121 = arith.addi %mul3A_119, %add3A_120 : i32
    "tpu.region"() ({
      %run_scoped3A_126 = tpu.sem_alloc : memref<!tpu.dma_semaphore, #tpu.memory_space<semaphore_mem>>
      %dma_start3A_127 = arith.constant 0 : i32
      %dma_start3A_128 = tpu.memref_slice %arg11[%add3A_121, %dma_start3A_127] : memref<10240x64xbf16, #tpu.memory_space<vmem_shared>> -> memref<128x64xbf16, #tpu.memory_space<vmem_shared>>
      %dma_start3A_129 = arith.constant 0 : i32
      %dma_start3A_130 = tpu.memref_slice %arg11[%add3A_121, %dma_start3A_129] : memref<10240x64xbf16, #tpu.memory_space<vmem_shared>> -> memref<128x64xbf16, #tpu.memory_space<vmem_shared>>
      tpu.enqueue_dma source(%dma_start3A_130 : memref<128x64xbf16, #tpu.memory_space<vmem_shared>>) target(%arg8 : memref<128x64xbf16, #tpu.memory_space<vmem>>) target_semaphore(%run_scoped3A_126 : memref<!tpu.dma_semaphore, #tpu.memory_space<semaphore_mem>>)
      %dma_wait3A_131 = arith.constant 0 : i32
      %dma_wait3A_132 = tpu.memref_slice %arg11[%add3A_121, %dma_wait3A_131] : memref<10240x64xbf16, #tpu.memory_space<vmem_shared>> -> memref<128x64xbf16, #tpu.memory_space<vmem_shared>>
      %dma_wait3A_133 = arith.constant 0 : i32
      %dma_wait3A_134 = tpu.memref_slice %arg11[%add3A_121, %dma_wait3A_133] : memref<10240x64xbf16, #tpu.memory_space<vmem_shared>> -> memref<128x64xbf16, #tpu.memory_space<vmem_shared>>
      tpu.wait_dma2 semaphore(%run_scoped3A_126 : memref<!tpu.dma_semaphore, #tpu.memory_space<semaphore_mem>>) src(%dma_wait3A_134 : memref<128x64xbf16, #tpu.memory_space<vmem_shared>>) dst(%arg8 : memref<128x64xbf16, #tpu.memory_space<vmem>>)
      tpu.yield
    }) : () -> ()
    %mul3A_122 = arith.constant 640 : i32
    %mul3A_123 = arith.muli %arg1, %mul3A_122 : i32
    %add3A_124 = arith.constant 512 : i32
    %add3A_125 = arith.addi %mul3A_123, %add3A_124 : i32
    "tpu.region"() ({
      %run_scoped3A_126 = tpu.sem_alloc : memref<!tpu.dma_semaphore, #tpu.memory_space<semaphore_mem>>
      %dma_start3A_127 = arith.constant 0 : i32
      %dma_start3A_128 = tpu.memref_slice %arg5[%arg0, %add3A_125, %dma_start3A_127] : memref<2x10240x64xbf16, #tpu.memory_space<hbm>> -> memref<1x128x64xbf16, #tpu.memory_space<hbm>>
      %dma_start3A_129 = tpu.memref_squeeze %dma_start3A_128 : memref<1x128x64xbf16, #tpu.memory_space<hbm>> -> memref<128x64xbf16, #tpu.memory_space<hbm>>
      %dma_start3A_130 = arith.constant 0 : i32
      %dma_start3A_131 = tpu.memref_slice %arg5[%arg0, %add3A_125, %dma_start3A_130] : memref<2x10240x64xbf16, #tpu.memory_space<hbm>> -> memref<1x128x64xbf16, #tpu.memory_space<hbm>>
      %dma_start3A_132 = tpu.memref_squeeze %dma_start3A_131 : memref<1x128x64xbf16, #tpu.memory_space<hbm>> -> memref<128x64xbf16, #tpu.memory_space<hbm>>
      tpu.enqueue_dma source(%arg8 : memref<128x64xbf16, #tpu.memory_space<vmem>>) target(%dma_start3A_132 : memref<128x64xbf16, #tpu.memory_space<hbm>>) target_semaphore(%run_scoped3A_126 : memref<!tpu.dma_semaphore, #tpu.memory_space<semaphore_mem>>)
      %dma_wait3A_133 = arith.constant 0 : i32
      %dma_wait3A_134 = tpu.memref_slice %arg5[%arg0, %add3A_125, %dma_wait3A_133] : memref<2x10240x64xbf16, #tpu.memory_space<hbm>> -> memref<1x128x64xbf16, #tpu.memory_space<hbm>>
      %dma_wait3A_135 = tpu.memref_squeeze %dma_wait3A_134 : memref<1x128x64xbf16, #tpu.memory_space<hbm>> -> memref<128x64xbf16, #tpu.memory_space<hbm>>
      %dma_wait3A_136 = arith.constant 0 : i32
      %dma_wait3A_137 = tpu.memref_slice %arg5[%arg0, %add3A_125, %dma_wait3A_136] : memref<2x10240x64xbf16, #tpu.memory_space<hbm>> -> memref<1x128x64xbf16, #tpu.memory_space<hbm>>
      %dma_wait3A_138 = tpu.memref_squeeze %dma_wait3A_137 : memref<1x128x64xbf16, #tpu.memory_space<hbm>> -> memref<128x64xbf16, #tpu.memory_space<hbm>>
      tpu.wait_dma2 semaphore(%run_scoped3A_126 : memref<!tpu.dma_semaphore, #tpu.memory_space<semaphore_mem>>) src(%arg8 : memref<128x64xbf16, #tpu.memory_space<vmem>>) dst(%dma_wait3A_138 : memref<128x64xbf16, #tpu.memory_space<hbm>>)
      tpu.yield
    }) : () -> ()
    return
  }
}

#map = affine_map<(d0, d1) -> (0, 0, 0)>
module attributes {stable_mosaic.version = 14 : i64} {
  func.func @_sc_degree(%arg0: i32, %arg1: i32, %arg2: memref<32x79x128xi32, #tpu.memory_space<hbm>>, %arg3: memref<2x80x128xf32, #tpu.memory_space<hbm>>, %arg4: memref<79x128xi32, #tpu.memory_space<vmem>>, %arg5: memref<80x128xf32, #tpu.memory_space<vmem>>, %arg6: memref<5x128xf32, #tpu.memory_space<vmem>>, %arg7: memref<80xi32, #tpu.memory_space<vmem>>, %arg8: memref<80x128xf32, #tpu.memory_space<vmem_shared>>) attributes {dimension_semantics = [#tpu.dimension_semantics<core_parallel>, #tpu.dimension_semantics<subcore_parallel>], iteration_bounds = array<i64: 2, 16>, scalar_prefetch = 0 : i64, scratch_operands = 5 : i64, tpu.core_type = #tpu.core_type<sc_vector_subcore>, window_params = [{transform_indices = #map}, {transform_indices = #map}]} {
    %mul3A = arith.constant 2 : i32
    %mul3A_0 = arith.muli %arg1, %mul3A : i32
    %add3A = arith.addi %mul3A_0, %arg0 : i32
    "tpu.region"() ({
      %run_scoped3A = tpu.sem_alloc : memref<!tpu.dma_semaphore, #tpu.memory_space<semaphore_mem>>
      %dma_start3A = arith.constant 0 : i32
      %dma_start3A_210 = arith.constant 0 : i32
      %dma_start3A_211 = tpu.memref_slice %arg2[%add3A, %dma_start3A, %dma_start3A_210] : memref<32x79x128xi32, #tpu.memory_space<hbm>> -> memref<1x79x128xi32, #tpu.memory_space<hbm>>
      %dma_start3A_212 = tpu.memref_squeeze %dma_start3A_211 : memref<1x79x128xi32, #tpu.memory_space<hbm>> -> memref<79x128xi32, #tpu.memory_space<hbm>>
      %dma_start3A_213 = arith.constant 0 : i32
      %dma_start3A_214 = arith.constant 0 : i32
      %dma_start3A_215 = tpu.memref_slice %arg2[%add3A, %dma_start3A_213, %dma_start3A_214] : memref<32x79x128xi32, #tpu.memory_space<hbm>> -> memref<1x79x128xi32, #tpu.memory_space<hbm>>
      %dma_start3A_216 = tpu.memref_squeeze %dma_start3A_215 : memref<1x79x128xi32, #tpu.memory_space<hbm>> -> memref<79x128xi32, #tpu.memory_space<hbm>>
      tpu.enqueue_dma source(%dma_start3A_216 : memref<79x128xi32, #tpu.memory_space<hbm>>) target(%arg4 : memref<79x128xi32, #tpu.memory_space<vmem>>) target_semaphore(%run_scoped3A : memref<!tpu.dma_semaphore, #tpu.memory_space<semaphore_mem>>)
      %dma_wait3A = arith.constant 0 : i32
      %dma_wait3A_217 = arith.constant 0 : i32
      %dma_wait3A_218 = tpu.memref_slice %arg2[%add3A, %dma_wait3A, %dma_wait3A_217] : memref<32x79x128xi32, #tpu.memory_space<hbm>> -> memref<1x79x128xi32, #tpu.memory_space<hbm>>
      %dma_wait3A_219 = tpu.memref_squeeze %dma_wait3A_218 : memref<1x79x128xi32, #tpu.memory_space<hbm>> -> memref<79x128xi32, #tpu.memory_space<hbm>>
      %dma_wait3A_220 = arith.constant 0 : i32
      %dma_wait3A_221 = arith.constant 0 : i32
      %dma_wait3A_222 = tpu.memref_slice %arg2[%add3A, %dma_wait3A_220, %dma_wait3A_221] : memref<32x79x128xi32, #tpu.memory_space<hbm>> -> memref<1x79x128xi32, #tpu.memory_space<hbm>>
      %dma_wait3A_223 = tpu.memref_squeeze %dma_wait3A_222 : memref<1x79x128xi32, #tpu.memory_space<hbm>> -> memref<79x128xi32, #tpu.memory_space<hbm>>
      tpu.wait_dma2 semaphore(%run_scoped3A : memref<!tpu.dma_semaphore, #tpu.memory_space<semaphore_mem>>) src(%dma_wait3A_223 : memref<79x128xi32, #tpu.memory_space<hbm>>) dst(%arg4 : memref<79x128xi32, #tpu.memory_space<vmem>>)
      tpu.yield
    }) : () -> ()
    %broadcast_in_dim3A = arith.constant 0.000000e+00 : f32
    %broadcast_in_dim3A_1 = vector.broadcast %broadcast_in_dim3A : f32 to vector<16xf32>
    %broadcast_in_dim3A_2 = arith.constant 1.000000e+00 : f32
    %broadcast_in_dim3A_3 = vector.broadcast %broadcast_in_dim3A_2 : f32 to vector<16xf32>
    %swap3A = arith.constant 0 : i32
    %swap3A_4 = arith.index_cast %swap3A : i32 to index
    %swap3A_5 = arith.constant 0 : index
    %swap3A_6 = tpu.vector_load %arg6[%swap3A_4, %swap3A_5] {strides = array<i32>} : memref<5x128xf32, #tpu.memory_space<vmem>>, vector<16xf32>,
    tpu.vector_store %arg6[%swap3A_4, %swap3A_5], %broadcast_in_dim3A_1 {strides = array<i32>} : memref<5x128xf32, #tpu.memory_space<vmem>>, vector<16xf32>,
    %swap3A_7 = arith.constant 0 : i32
    %swap3A_8 = arith.index_cast %swap3A_7 : i32 to index
    %swap3A_9 = arith.constant 16 : index
    %swap3A_10 = tpu.vector_load %arg6[%swap3A_8, %swap3A_9] {strides = array<i32>} : memref<5x128xf32, #tpu.memory_space<vmem>>, vector<16xf32>,
    tpu.vector_store %arg6[%swap3A_8, %swap3A_9], %broadcast_in_dim3A_1 {strides = array<i32>} : memref<5x128xf32, #tpu.memory_space<vmem>>, vector<16xf32>,
    %swap3A_11 = arith.constant 0 : i32
    %swap3A_12 = arith.index_cast %swap3A_11 : i32 to index
    %swap3A_13 = arith.constant 32 : index
    %swap3A_14 = tpu.vector_load %arg6[%swap3A_12, %swap3A_13] {strides = array<i32>} : memref<5x128xf32, #tpu.memory_space<vmem>>, vector<16xf32>,
    tpu.vector_store %arg6[%swap3A_12, %swap3A_13], %broadcast_in_dim3A_1 {strides = array<i32>} : memref<5x128xf32, #tpu.memory_space<vmem>>, vector<16xf32>,
    %swap3A_15 = arith.constant 0 : i32
    %swap3A_16 = arith.index_cast %swap3A_15 : i32 to index
    %swap3A_17 = arith.constant 48 : index
    %swap3A_18 = tpu.vector_load %arg6[%swap3A_16, %swap3A_17] {strides = array<i32>} : memref<5x128xf32, #tpu.memory_space<vmem>>, vector<16xf32>,
    tpu.vector_store %arg6[%swap3A_16, %swap3A_17], %broadcast_in_dim3A_1 {strides = array<i32>} : memref<5x128xf32, #tpu.memory_space<vmem>>, vector<16xf32>,
    %swap3A_19 = arith.constant 0 : i32
    %swap3A_20 = arith.index_cast %swap3A_19 : i32 to index
    %swap3A_21 = arith.constant 64 : index
    %swap3A_22 = tpu.vector_load %arg6[%swap3A_20, %swap3A_21] {strides = array<i32>} : memref<5x128xf32, #tpu.memory_space<vmem>>, vector<16xf32>,
    tpu.vector_store %arg6[%swap3A_20, %swap3A_21], %broadcast_in_dim3A_1 {strides = array<i32>} : memref<5x128xf32, #tpu.memory_space<vmem>>, vector<16xf32>,
    %swap3A_23 = arith.constant 0 : i32
    %swap3A_24 = arith.index_cast %swap3A_23 : i32 to index
    %swap3A_25 = arith.constant 80 : index
    %swap3A_26 = tpu.vector_load %arg6[%swap3A_24, %swap3A_25] {strides = array<i32>} : memref<5x128xf32, #tpu.memory_space<vmem>>, vector<16xf32>,
    tpu.vector_store %arg6[%swap3A_24, %swap3A_25], %broadcast_in_dim3A_1 {strides = array<i32>} : memref<5x128xf32, #tpu.memory_space<vmem>>, vector<16xf32>,
    %swap3A_27 = arith.constant 0 : i32
    %swap3A_28 = arith.index_cast %swap3A_27 : i32 to index
    %swap3A_29 = arith.constant 96 : index
    %swap3A_30 = tpu.vector_load %arg6[%swap3A_28, %swap3A_29] {strides = array<i32>} : memref<5x128xf32, #tpu.memory_space<vmem>>, vector<16xf32>,
    tpu.vector_store %arg6[%swap3A_28, %swap3A_29], %broadcast_in_dim3A_1 {strides = array<i32>} : memref<5x128xf32, #tpu.memory_space<vmem>>, vector<16xf32>,
    %swap3A_31 = arith.constant 0 : i32
    %swap3A_32 = arith.index_cast %swap3A_31 : i32 to index
    %swap3A_33 = arith.constant 112 : index
    %swap3A_34 = tpu.vector_load %arg6[%swap3A_32, %swap3A_33] {strides = array<i32>} : memref<5x128xf32, #tpu.memory_space<vmem>>, vector<16xf32>,
    tpu.vector_store %arg6[%swap3A_32, %swap3A_33], %broadcast_in_dim3A_1 {strides = array<i32>} : memref<5x128xf32, #tpu.memory_space<vmem>>, vector<16xf32>,
    %swap3A_35 = arith.constant 1 : i32
    %swap3A_36 = arith.index_cast %swap3A_35 : i32 to index
    %swap3A_37 = arith.constant 0 : index
    %swap3A_38 = tpu.vector_load %arg6[%swap3A_36, %swap3A_37] {strides = array<i32>} : memref<5x128xf32, #tpu.memory_space<vmem>>, vector<16xf32>,
    tpu.vector_store %arg6[%swap3A_36, %swap3A_37], %broadcast_in_dim3A_1 {strides = array<i32>} : memref<5x128xf32, #tpu.memory_space<vmem>>, vector<16xf32>,
    %swap3A_39 = arith.constant 1 : i32
    %swap3A_40 = arith.index_cast %swap3A_39 : i32 to index
    %swap3A_41 = arith.constant 16 : index
    %swap3A_42 = tpu.vector_load %arg6[%swap3A_40, %swap3A_41] {strides = array<i32>} : memref<5x128xf32, #tpu.memory_space<vmem>>, vector<16xf32>,
    tpu.vector_store %arg6[%swap3A_40, %swap3A_41], %broadcast_in_dim3A_1 {strides = array<i32>} : memref<5x128xf32, #tpu.memory_space<vmem>>, vector<16xf32>,
    %swap3A_43 = arith.constant 1 : i32
    %swap3A_44 = arith.index_cast %swap3A_43 : i32 to index
    %swap3A_45 = arith.constant 32 : index
    %swap3A_46 = tpu.vector_load %arg6[%swap3A_44, %swap3A_45] {strides = array<i32>} : memref<5x128xf32, #tpu.memory_space<vmem>>, vector<16xf32>,
    tpu.vector_store %arg6[%swap3A_44, %swap3A_45], %broadcast_in_dim3A_1 {strides = array<i32>} : memref<5x128xf32, #tpu.memory_space<vmem>>, vector<16xf32>,
    %swap3A_47 = arith.constant 1 : i32
    %swap3A_48 = arith.index_cast %swap3A_47 : i32 to index
    %swap3A_49 = arith.constant 48 : index
    %swap3A_50 = tpu.vector_load %arg6[%swap3A_48, %swap3A_49] {strides = array<i32>} : memref<5x128xf32, #tpu.memory_space<vmem>>, vector<16xf32>,
    tpu.vector_store %arg6[%swap3A_48, %swap3A_49], %broadcast_in_dim3A_1 {strides = array<i32>} : memref<5x128xf32, #tpu.memory_space<vmem>>, vector<16xf32>,
    %swap3A_51 = arith.constant 1 : i32
    %swap3A_52 = arith.index_cast %swap3A_51 : i32 to index
    %swap3A_53 = arith.constant 64 : index
    %swap3A_54 = tpu.vector_load %arg6[%swap3A_52, %swap3A_53] {strides = array<i32>} : memref<5x128xf32, #tpu.memory_space<vmem>>, vector<16xf32>,
    tpu.vector_store %arg6[%swap3A_52, %swap3A_53], %broadcast_in_dim3A_1 {strides = array<i32>} : memref<5x128xf32, #tpu.memory_space<vmem>>, vector<16xf32>,
    %swap3A_55 = arith.constant 1 : i32
    %swap3A_56 = arith.index_cast %swap3A_55 : i32 to index
    %swap3A_57 = arith.constant 80 : index
    %swap3A_58 = tpu.vector_load %arg6[%swap3A_56, %swap3A_57] {strides = array<i32>} : memref<5x128xf32, #tpu.memory_space<vmem>>, vector<16xf32>,
    tpu.vector_store %arg6[%swap3A_56, %swap3A_57], %broadcast_in_dim3A_1 {strides = array<i32>} : memref<5x128xf32, #tpu.memory_space<vmem>>, vector<16xf32>,
    %swap3A_59 = arith.constant 1 : i32
    %swap3A_60 = arith.index_cast %swap3A_59 : i32 to index
    %swap3A_61 = arith.constant 96 : index
    %swap3A_62 = tpu.vector_load %arg6[%swap3A_60, %swap3A_61] {strides = array<i32>} : memref<5x128xf32, #tpu.memory_space<vmem>>, vector<16xf32>,
    tpu.vector_store %arg6[%swap3A_60, %swap3A_61], %broadcast_in_dim3A_1 {strides = array<i32>} : memref<5x128xf32, #tpu.memory_space<vmem>>, vector<16xf32>,
    %swap3A_63 = arith.constant 1 : i32
    %swap3A_64 = arith.index_cast %swap3A_63 : i32 to index
    %swap3A_65 = arith.constant 112 : index
    %swap3A_66 = tpu.vector_load %arg6[%swap3A_64, %swap3A_65] {strides = array<i32>} : memref<5x128xf32, #tpu.memory_space<vmem>>, vector<16xf32>,
    tpu.vector_store %arg6[%swap3A_64, %swap3A_65], %broadcast_in_dim3A_1 {strides = array<i32>} : memref<5x128xf32, #tpu.memory_space<vmem>>, vector<16xf32>,
    %swap3A_67 = arith.constant 2 : i32
    %swap3A_68 = arith.index_cast %swap3A_67 : i32 to index
    %swap3A_69 = arith.constant 0 : index
    %swap3A_70 = tpu.vector_load %arg6[%swap3A_68, %swap3A_69] {strides = array<i32>} : memref<5x128xf32, #tpu.memory_space<vmem>>, vector<16xf32>,
    tpu.vector_store %arg6[%swap3A_68, %swap3A_69], %broadcast_in_dim3A_1 {strides = array<i32>} : memref<5x128xf32, #tpu.memory_space<vmem>>, vector<16xf32>,
    %swap3A_71 = arith.constant 2 : i32
    %swap3A_72 = arith.index_cast %swap3A_71 : i32 to index
    %swap3A_73 = arith.constant 16 : index
    %swap3A_74 = tpu.vector_load %arg6[%swap3A_72, %swap3A_73] {strides = array<i32>} : memref<5x128xf32, #tpu.memory_space<vmem>>, vector<16xf32>,
    tpu.vector_store %arg6[%swap3A_72, %swap3A_73], %broadcast_in_dim3A_1 {strides = array<i32>} : memref<5x128xf32, #tpu.memory_space<vmem>>, vector<16xf32>,
    %swap3A_75 = arith.constant 2 : i32
    %swap3A_76 = arith.index_cast %swap3A_75 : i32 to index
    %swap3A_77 = arith.constant 32 : index
    %swap3A_78 = tpu.vector_load %arg6[%swap3A_76, %swap3A_77] {strides = array<i32>} : memref<5x128xf32, #tpu.memory_space<vmem>>, vector<16xf32>,
    tpu.vector_store %arg6[%swap3A_76, %swap3A_77], %broadcast_in_dim3A_1 {strides = array<i32>} : memref<5x128xf32, #tpu.memory_space<vmem>>, vector<16xf32>,
    %swap3A_79 = arith.constant 2 : i32
    %swap3A_80 = arith.index_cast %swap3A_79 : i32 to index
    %swap3A_81 = arith.constant 48 : index
    %swap3A_82 = tpu.vector_load %arg6[%swap3A_80, %swap3A_81] {strides = array<i32>} : memref<5x128xf32, #tpu.memory_space<vmem>>, vector<16xf32>,
    tpu.vector_store %arg6[%swap3A_80, %swap3A_81], %broadcast_in_dim3A_1 {strides = array<i32>} : memref<5x128xf32, #tpu.memory_space<vmem>>, vector<16xf32>,
    %swap3A_83 = arith.constant 2 : i32
    %swap3A_84 = arith.index_cast %swap3A_83 : i32 to index
    %swap3A_85 = arith.constant 64 : index
    %swap3A_86 = tpu.vector_load %arg6[%swap3A_84, %swap3A_85] {strides = array<i32>} : memref<5x128xf32, #tpu.memory_space<vmem>>, vector<16xf32>,
    tpu.vector_store %arg6[%swap3A_84, %swap3A_85], %broadcast_in_dim3A_1 {strides = array<i32>} : memref<5x128xf32, #tpu.memory_space<vmem>>, vector<16xf32>,
    %swap3A_87 = arith.constant 2 : i32
    %swap3A_88 = arith.index_cast %swap3A_87 : i32 to index
    %swap3A_89 = arith.constant 80 : index
    %swap3A_90 = tpu.vector_load %arg6[%swap3A_88, %swap3A_89] {strides = array<i32>} : memref<5x128xf32, #tpu.memory_space<vmem>>, vector<16xf32>,
    tpu.vector_store %arg6[%swap3A_88, %swap3A_89], %broadcast_in_dim3A_1 {strides = array<i32>} : memref<5x128xf32, #tpu.memory_space<vmem>>, vector<16xf32>,
    %swap3A_91 = arith.constant 2 : i32
    %swap3A_92 = arith.index_cast %swap3A_91 : i32 to index
    %swap3A_93 = arith.constant 96 : index
    %swap3A_94 = tpu.vector_load %arg6[%swap3A_92, %swap3A_93] {strides = array<i32>} : memref<5x128xf32, #tpu.memory_space<vmem>>, vector<16xf32>,
    tpu.vector_store %arg6[%swap3A_92, %swap3A_93], %broadcast_in_dim3A_1 {strides = array<i32>} : memref<5x128xf32, #tpu.memory_space<vmem>>, vector<16xf32>,
    %swap3A_95 = arith.constant 2 : i32
    %swap3A_96 = arith.index_cast %swap3A_95 : i32 to index
    %swap3A_97 = arith.constant 112 : index
    %swap3A_98 = tpu.vector_load %arg6[%swap3A_96, %swap3A_97] {strides = array<i32>} : memref<5x128xf32, #tpu.memory_space<vmem>>, vector<16xf32>,
    tpu.vector_store %arg6[%swap3A_96, %swap3A_97], %broadcast_in_dim3A_1 {strides = array<i32>} : memref<5x128xf32, #tpu.memory_space<vmem>>, vector<16xf32>,
    %swap3A_99 = arith.constant 3 : i32
    %swap3A_100 = arith.index_cast %swap3A_99 : i32 to index
    %swap3A_101 = arith.constant 0 : index
    %swap3A_102 = tpu.vector_load %arg6[%swap3A_100, %swap3A_101] {strides = array<i32>} : memref<5x128xf32, #tpu.memory_space<vmem>>, vector<16xf32>,
    tpu.vector_store %arg6[%swap3A_100, %swap3A_101], %broadcast_in_dim3A_1 {strides = array<i32>} : memref<5x128xf32, #tpu.memory_space<vmem>>, vector<16xf32>,
    %swap3A_103 = arith.constant 3 : i32
    %swap3A_104 = arith.index_cast %swap3A_103 : i32 to index
    %swap3A_105 = arith.constant 16 : index
    %swap3A_106 = tpu.vector_load %arg6[%swap3A_104, %swap3A_105] {strides = array<i32>} : memref<5x128xf32, #tpu.memory_space<vmem>>, vector<16xf32>,
    tpu.vector_store %arg6[%swap3A_104, %swap3A_105], %broadcast_in_dim3A_1 {strides = array<i32>} : memref<5x128xf32, #tpu.memory_space<vmem>>, vector<16xf32>,
    %swap3A_107 = arith.constant 3 : i32
    %swap3A_108 = arith.index_cast %swap3A_107 : i32 to index
    %swap3A_109 = arith.constant 32 : index
    %swap3A_110 = tpu.vector_load %arg6[%swap3A_108, %swap3A_109] {strides = array<i32>} : memref<5x128xf32, #tpu.memory_space<vmem>>, vector<16xf32>,
    tpu.vector_store %arg6[%swap3A_108, %swap3A_109], %broadcast_in_dim3A_1 {strides = array<i32>} : memref<5x128xf32, #tpu.memory_space<vmem>>, vector<16xf32>,
    %swap3A_111 = arith.constant 3 : i32
    %swap3A_112 = arith.index_cast %swap3A_111 : i32 to index
    %swap3A_113 = arith.constant 48 : index
    %swap3A_114 = tpu.vector_load %arg6[%swap3A_112, %swap3A_113] {strides = array<i32>} : memref<5x128xf32, #tpu.memory_space<vmem>>, vector<16xf32>,
    tpu.vector_store %arg6[%swap3A_112, %swap3A_113], %broadcast_in_dim3A_1 {strides = array<i32>} : memref<5x128xf32, #tpu.memory_space<vmem>>, vector<16xf32>,
    %swap3A_115 = arith.constant 3 : i32
    %swap3A_116 = arith.index_cast %swap3A_115 : i32 to index
    %swap3A_117 = arith.constant 64 : index
    %swap3A_118 = tpu.vector_load %arg6[%swap3A_116, %swap3A_117] {strides = array<i32>} : memref<5x128xf32, #tpu.memory_space<vmem>>, vector<16xf32>,
    tpu.vector_store %arg6[%swap3A_116, %swap3A_117], %broadcast_in_dim3A_1 {strides = array<i32>} : memref<5x128xf32, #tpu.memory_space<vmem>>, vector<16xf32>,
    %swap3A_119 = arith.constant 3 : i32
    %swap3A_120 = arith.index_cast %swap3A_119 : i32 to index
    %swap3A_121 = arith.constant 80 : index
    %swap3A_122 = tpu.vector_load %arg6[%swap3A_120, %swap3A_121] {strides = array<i32>} : memref<5x128xf32, #tpu.memory_space<vmem>>, vector<16xf32>,
    tpu.vector_store %arg6[%swap3A_120, %swap3A_121], %broadcast_in_dim3A_1 {strides = array<i32>} : memref<5x128xf32, #tpu.memory_space<vmem>>, vector<16xf32>,
    %swap3A_123 = arith.constant 3 : i32
    %swap3A_124 = arith.index_cast %swap3A_123 : i32 to index
    %swap3A_125 = arith.constant 96 : index
    %swap3A_126 = tpu.vector_load %arg6[%swap3A_124, %swap3A_125] {strides = array<i32>} : memref<5x128xf32, #tpu.memory_space<vmem>>, vector<16xf32>,
    tpu.vector_store %arg6[%swap3A_124, %swap3A_125], %broadcast_in_dim3A_1 {strides = array<i32>} : memref<5x128xf32, #tpu.memory_space<vmem>>, vector<16xf32>,
    %swap3A_127 = arith.constant 3 : i32
    %swap3A_128 = arith.index_cast %swap3A_127 : i32 to index
    %swap3A_129 = arith.constant 112 : index
    %swap3A_130 = tpu.vector_load %arg6[%swap3A_128, %swap3A_129] {strides = array<i32>} : memref<5x128xf32, #tpu.memory_space<vmem>>, vector<16xf32>,
    tpu.vector_store %arg6[%swap3A_128, %swap3A_129], %broadcast_in_dim3A_1 {strides = array<i32>} : memref<5x128xf32, #tpu.memory_space<vmem>>, vector<16xf32>,
    %swap3A_131 = arith.constant 4 : i32
    %swap3A_132 = arith.index_cast %swap3A_131 : i32 to index
    %swap3A_133 = arith.constant 0 : index
    %swap3A_134 = tpu.vector_load %arg6[%swap3A_132, %swap3A_133] {strides = array<i32>} : memref<5x128xf32, #tpu.memory_space<vmem>>, vector<16xf32>,
    tpu.vector_store %arg6[%swap3A_132, %swap3A_133], %broadcast_in_dim3A_1 {strides = array<i32>} : memref<5x128xf32, #tpu.memory_space<vmem>>, vector<16xf32>,
    %swap3A_135 = arith.constant 4 : i32
    %swap3A_136 = arith.index_cast %swap3A_135 : i32 to index
    %swap3A_137 = arith.constant 16 : index
    %swap3A_138 = tpu.vector_load %arg6[%swap3A_136, %swap3A_137] {strides = array<i32>} : memref<5x128xf32, #tpu.memory_space<vmem>>, vector<16xf32>,
    tpu.vector_store %arg6[%swap3A_136, %swap3A_137], %broadcast_in_dim3A_1 {strides = array<i32>} : memref<5x128xf32, #tpu.memory_space<vmem>>, vector<16xf32>,
    %swap3A_139 = arith.constant 4 : i32
    %swap3A_140 = arith.index_cast %swap3A_139 : i32 to index
    %swap3A_141 = arith.constant 32 : index
    %swap3A_142 = tpu.vector_load %arg6[%swap3A_140, %swap3A_141] {strides = array<i32>} : memref<5x128xf32, #tpu.memory_space<vmem>>, vector<16xf32>,
    tpu.vector_store %arg6[%swap3A_140, %swap3A_141], %broadcast_in_dim3A_1 {strides = array<i32>} : memref<5x128xf32, #tpu.memory_space<vmem>>, vector<16xf32>,
    %swap3A_143 = arith.constant 4 : i32
    %swap3A_144 = arith.index_cast %swap3A_143 : i32 to index
    %swap3A_145 = arith.constant 48 : index
    %swap3A_146 = tpu.vector_load %arg6[%swap3A_144, %swap3A_145] {strides = array<i32>} : memref<5x128xf32, #tpu.memory_space<vmem>>, vector<16xf32>,
    tpu.vector_store %arg6[%swap3A_144, %swap3A_145], %broadcast_in_dim3A_1 {strides = array<i32>} : memref<5x128xf32, #tpu.memory_space<vmem>>, vector<16xf32>,
    %swap3A_147 = arith.constant 4 : i32
    %swap3A_148 = arith.index_cast %swap3A_147 : i32 to index
    %swap3A_149 = arith.constant 64 : index
    %swap3A_150 = tpu.vector_load %arg6[%swap3A_148, %swap3A_149] {strides = array<i32>} : memref<5x128xf32, #tpu.memory_space<vmem>>, vector<16xf32>,
    tpu.vector_store %arg6[%swap3A_148, %swap3A_149], %broadcast_in_dim3A_1 {strides = array<i32>} : memref<5x128xf32, #tpu.memory_space<vmem>>, vector<16xf32>,
    %swap3A_151 = arith.constant 4 : i32
    %swap3A_152 = arith.index_cast %swap3A_151 : i32 to index
    %swap3A_153 = arith.constant 80 : index
    %swap3A_154 = tpu.vector_load %arg6[%swap3A_152, %swap3A_153] {strides = array<i32>} : memref<5x128xf32, #tpu.memory_space<vmem>>, vector<16xf32>,
    tpu.vector_store %arg6[%swap3A_152, %swap3A_153], %broadcast_in_dim3A_1 {strides = array<i32>} : memref<5x128xf32, #tpu.memory_space<vmem>>, vector<16xf32>,
    %swap3A_155 = arith.constant 4 : i32
    %swap3A_156 = arith.index_cast %swap3A_155 : i32 to index
    %swap3A_157 = arith.constant 96 : index
    %swap3A_158 = tpu.vector_load %arg6[%swap3A_156, %swap3A_157] {strides = array<i32>} : memref<5x128xf32, #tpu.memory_space<vmem>>, vector<16xf32>,
    tpu.vector_store %arg6[%swap3A_156, %swap3A_157], %broadcast_in_dim3A_1 {strides = array<i32>} : memref<5x128xf32, #tpu.memory_space<vmem>>, vector<16xf32>,
    %swap3A_159 = arith.constant 4 : i32
    %swap3A_160 = arith.index_cast %swap3A_159 : i32 to index
    %swap3A_161 = arith.constant 112 : index
    %swap3A_162 = tpu.vector_load %arg6[%swap3A_160, %swap3A_161] {strides = array<i32>} : memref<5x128xf32, #tpu.memory_space<vmem>>, vector<16xf32>,
    tpu.vector_store %arg6[%swap3A_160, %swap3A_161], %broadcast_in_dim3A_1 {strides = array<i32>} : memref<5x128xf32, #tpu.memory_space<vmem>>, vector<16xf32>,
    %iota3A = tpu.iota {dimensions = array<i32: 0>} : vector<16xi32>
    %add3A_163 = arith.constant 0 : i32
    %add3A_164 = vector.broadcast %add3A_163 : i32 to vector<16xi32>
    %add3A_165 = arith.addi %iota3A, %add3A_164 : vector<16xi32>
    %swap3A_166 = arith.constant 0 : index
    %swap3A_167 = tpu.vector_load %arg7[%swap3A_166] {strides = array<i32>} : memref<80xi32, #tpu.memory_space<vmem>>, vector<16xi32>,
    tpu.vector_store %arg7[%swap3A_166], %add3A_165 {strides = array<i32>} : memref<80xi32, #tpu.memory_space<vmem>>, vector<16xi32>,
    %iota3A_168 = tpu.iota {dimensions = array<i32: 0>} : vector<16xi32>
    %add3A_169 = arith.constant 16 : i32
    %add3A_170 = vector.broadcast %add3A_169 : i32 to vector<16xi32>
    %add3A_171 = arith.addi %iota3A_168, %add3A_170 : vector<16xi32>
    %swap3A_172 = arith.constant 16 : index
    %swap3A_173 = tpu.vector_load %arg7[%swap3A_172] {strides = array<i32>} : memref<80xi32, #tpu.memory_space<vmem>>, vector<16xi32>,
    tpu.vector_store %arg7[%swap3A_172], %add3A_171 {strides = array<i32>} : memref<80xi32, #tpu.memory_space<vmem>>, vector<16xi32>,
    %iota3A_174 = tpu.iota {dimensions = array<i32: 0>} : vector<16xi32>
    %add3A_175 = arith.constant 32 : i32
    %add3A_176 = vector.broadcast %add3A_175 : i32 to vector<16xi32>
    %add3A_177 = arith.addi %iota3A_174, %add3A_176 : vector<16xi32>
    %swap3A_178 = arith.constant 32 : index
    %swap3A_179 = tpu.vector_load %arg7[%swap3A_178] {strides = array<i32>} : memref<80xi32, #tpu.memory_space<vmem>>, vector<16xi32>,
    tpu.vector_store %arg7[%swap3A_178], %add3A_177 {strides = array<i32>} : memref<80xi32, #tpu.memory_space<vmem>>, vector<16xi32>,
    %iota3A_180 = tpu.iota {dimensions = array<i32: 0>} : vector<16xi32>
    %add3A_181 = arith.constant 48 : i32
    %add3A_182 = vector.broadcast %add3A_181 : i32 to vector<16xi32>
    %add3A_183 = arith.addi %iota3A_180, %add3A_182 : vector<16xi32>
    %swap3A_184 = arith.constant 48 : index
    %swap3A_185 = tpu.vector_load %arg7[%swap3A_184] {strides = array<i32>} : memref<80xi32, #tpu.memory_space<vmem>>, vector<16xi32>,
    tpu.vector_store %arg7[%swap3A_184], %add3A_183 {strides = array<i32>} : memref<80xi32, #tpu.memory_space<vmem>>, vector<16xi32>,
    %iota3A_186 = tpu.iota {dimensions = array<i32: 0>} : vector<16xi32>
    %add3A_187 = arith.constant 64 : i32
    %add3A_188 = vector.broadcast %add3A_187 : i32 to vector<16xi32>
    %add3A_189 = arith.addi %iota3A_186, %add3A_188 : vector<16xi32>
    %swap3A_190 = arith.constant 64 : index
    %swap3A_191 = tpu.vector_load %arg7[%swap3A_190] {strides = array<i32>} : memref<80xi32, #tpu.memory_space<vmem>>, vector<16xi32>,
    tpu.vector_store %arg7[%swap3A_190], %add3A_189 {strides = array<i32>} : memref<80xi32, #tpu.memory_space<vmem>>, vector<16xi32>,
    %scan3A = arith.constant 0 : i32
    %scan3A_192 = arith.constant 0 : i32
    %scan3A_193 = arith.constant 80 : i32
    %scan3A_194 = arith.addi %scan3A_192, %scan3A_193 : i32
    %scan3A_195 = arith.constant 1 : i32
    scf.for %scan3A_210 = %scan3A_192 to %scan3A_194 step %scan3A_195  : i32 {
      %swap3A_211 = arith.index_cast %scan3A_210 : i32 to index
      %swap3A_212 = arith.constant 0 : index
      %swap3A_213 = tpu.vector_load %arg5[%swap3A_211, %swap3A_212] {strides = array<i32>} : memref<80x128xf32, #tpu.memory_space<vmem>>, vector<16xf32>,
      tpu.vector_store %arg5[%swap3A_211, %swap3A_212], %broadcast_in_dim3A_1 {strides = array<i32>} : memref<80x128xf32, #tpu.memory_space<vmem>>, vector<16xf32>,
      %swap3A_214 = arith.index_cast %scan3A_210 : i32 to index
      %swap3A_215 = arith.constant 16 : index
      %swap3A_216 = tpu.vector_load %arg5[%swap3A_214, %swap3A_215] {strides = array<i32>} : memref<80x128xf32, #tpu.memory_space<vmem>>, vector<16xf32>,
      tpu.vector_store %arg5[%swap3A_214, %swap3A_215], %broadcast_in_dim3A_1 {strides = array<i32>} : memref<80x128xf32, #tpu.memory_space<vmem>>, vector<16xf32>,
      %swap3A_217 = arith.index_cast %scan3A_210 : i32 to index
      %swap3A_218 = arith.constant 32 : index
      %swap3A_219 = tpu.vector_load %arg5[%swap3A_217, %swap3A_218] {strides = array<i32>} : memref<80x128xf32, #tpu.memory_space<vmem>>, vector<16xf32>,
      tpu.vector_store %arg5[%swap3A_217, %swap3A_218], %broadcast_in_dim3A_1 {strides = array<i32>} : memref<80x128xf32, #tpu.memory_space<vmem>>, vector<16xf32>,
      %swap3A_220 = arith.index_cast %scan3A_210 : i32 to index
      %swap3A_221 = arith.constant 48 : index
      %swap3A_222 = tpu.vector_load %arg5[%swap3A_220, %swap3A_221] {strides = array<i32>} : memref<80x128xf32, #tpu.memory_space<vmem>>, vector<16xf32>,
      tpu.vector_store %arg5[%swap3A_220, %swap3A_221], %broadcast_in_dim3A_1 {strides = array<i32>} : memref<80x128xf32, #tpu.memory_space<vmem>>, vector<16xf32>,
      %swap3A_223 = arith.index_cast %scan3A_210 : i32 to index
      %swap3A_224 = arith.constant 64 : index
      %swap3A_225 = tpu.vector_load %arg5[%swap3A_223, %swap3A_224] {strides = array<i32>} : memref<80x128xf32, #tpu.memory_space<vmem>>, vector<16xf32>,
      tpu.vector_store %arg5[%swap3A_223, %swap3A_224], %broadcast_in_dim3A_1 {strides = array<i32>} : memref<80x128xf32, #tpu.memory_space<vmem>>, vector<16xf32>,
      %swap3A_226 = arith.index_cast %scan3A_210 : i32 to index
      %swap3A_227 = arith.constant 80 : index
      %swap3A_228 = tpu.vector_load %arg5[%swap3A_226, %swap3A_227] {strides = array<i32>} : memref<80x128xf32, #tpu.memory_space<vmem>>, vector<16xf32>,
      tpu.vector_store %arg5[%swap3A_226, %swap3A_227], %broadcast_in_dim3A_1 {strides = array<i32>} : memref<80x128xf32, #tpu.memory_space<vmem>>, vector<16xf32>,
      %swap3A_229 = arith.index_cast %scan3A_210 : i32 to index
      %swap3A_230 = arith.constant 96 : index
      %swap3A_231 = tpu.vector_load %arg5[%swap3A_229, %swap3A_230] {strides = array<i32>} : memref<80x128xf32, #tpu.memory_space<vmem>>, vector<16xf32>,
      tpu.vector_store %arg5[%swap3A_229, %swap3A_230], %broadcast_in_dim3A_1 {strides = array<i32>} : memref<80x128xf32, #tpu.memory_space<vmem>>, vector<16xf32>,
      %swap3A_232 = arith.index_cast %scan3A_210 : i32 to index
      %swap3A_233 = arith.constant 112 : index
      %swap3A_234 = tpu.vector_load %arg5[%swap3A_232, %swap3A_233] {strides = array<i32>} : memref<80x128xf32, #tpu.memory_space<vmem>>, vector<16xf32>,
      tpu.vector_store %arg5[%swap3A_232, %swap3A_233], %broadcast_in_dim3A_1 {strides = array<i32>} : memref<80x128xf32, #tpu.memory_space<vmem>>, vector<16xf32>,
    }
    %scan3A_196 = arith.constant 80 : i32
    %mul3A_197 = arith.constant 5 : i32
    %mul3A_198 = arith.muli %arg1, %mul3A_197 : i32
    "tpu.region"() ({
      %run_scoped3A = tpu.sem_alloc : memref<!tpu.dma_semaphore, #tpu.memory_space<semaphore_mem>>
      %dma_start3A = arith.constant 0 : i32
      %dma_start3A_210 = tpu.memref_slice %arg8[%mul3A_198, %dma_start3A] : memref<80x128xf32, #tpu.memory_space<vmem_shared>> -> memref<5x128xf32, #tpu.memory_space<vmem_shared>>
      %dma_start3A_211 = arith.constant 0 : i32
      %dma_start3A_212 = tpu.memref_slice %arg8[%mul3A_198, %dma_start3A_211] : memref<80x128xf32, #tpu.memory_space<vmem_shared>> -> memref<5x128xf32, #tpu.memory_space<vmem_shared>>
      tpu.enqueue_dma source(%arg6 : memref<5x128xf32, #tpu.memory_space<vmem>>) target(%dma_start3A_212 : memref<5x128xf32, #tpu.memory_space<vmem_shared>>) target_semaphore(%run_scoped3A : memref<!tpu.dma_semaphore, #tpu.memory_space<semaphore_mem>>)
      %dma_wait3A = arith.constant 0 : i32
      %dma_wait3A_213 = tpu.memref_slice %arg8[%mul3A_198, %dma_wait3A] : memref<80x128xf32, #tpu.memory_space<vmem_shared>> -> memref<5x128xf32, #tpu.memory_space<vmem_shared>>
      %dma_wait3A_214 = arith.constant 0 : i32
      %dma_wait3A_215 = tpu.memref_slice %arg8[%mul3A_198, %dma_wait3A_214] : memref<80x128xf32, #tpu.memory_space<vmem_shared>> -> memref<5x128xf32, #tpu.memory_space<vmem_shared>>
      tpu.wait_dma2 semaphore(%run_scoped3A : memref<!tpu.dma_semaphore, #tpu.memory_space<semaphore_mem>>) src(%arg6 : memref<5x128xf32, #tpu.memory_space<vmem>>) dst(%dma_wait3A_215 : memref<5x128xf32, #tpu.memory_space<vmem_shared>>)
      tpu.yield
    }) : () -> ()
    %scan3A_199 = arith.constant 0 : i32
    %scan3A_200 = arith.constant 0 : i32
    %scan3A_201 = arith.constant 79 : i32
    %scan3A_202 = arith.addi %scan3A_200, %scan3A_201 : i32
    %scan3A_203 = arith.constant 1 : i32
    scf.for %scan3A_210 = %scan3A_200 to %scan3A_202 step %scan3A_203  : i32 {
      %get3A = arith.index_cast %scan3A_210 : i32 to index
      %get3A_211 = arith.constant 0 : index
      %get3A_212 = tpu.vector_load %arg4[%get3A, %get3A_211] {strides = array<i32>} : memref<79x128xi32, #tpu.memory_space<vmem>>, vector<16xi32>,
      %shift_right_logical3A = arith.constant 7 : i32
      %shift_right_logical3A_213 = vector.broadcast %shift_right_logical3A : i32 to vector<16xi32>
      %shift_right_logical3A_214 = arith.shrui %get3A_212, %shift_right_logical3A_213 : vector<16xi32>
      %and3A = arith.constant 127 : i32
      %and3A_215 = vector.broadcast %and3A : i32 to vector<16xi32>
      %and3A_216 = arith.andi %get3A_212, %and3A_215 : vector<16xi32>
      tpu.vector_store_idx %arg5[%shift_right_logical3A_214, %and3A_216], %broadcast_in_dim3A_3 {add = true} : memref<80x128xf32, #tpu.memory_space<vmem>>[vector<16xi32>, vector<16xi32>], vector<16xf32>,
      %get3A_217 = arith.index_cast %scan3A_210 : i32 to index
      %get3A_218 = arith.constant 16 : index
      %get3A_219 = tpu.vector_load %arg4[%get3A_217, %get3A_218] {strides = array<i32>} : memref<79x128xi32, #tpu.memory_space<vmem>>, vector<16xi32>,
      %shift_right_logical3A_220 = arith.constant 7 : i32
      %shift_right_logical3A_221 = vector.broadcast %shift_right_logical3A_220 : i32 to vector<16xi32>
      %shift_right_logical3A_222 = arith.shrui %get3A_219, %shift_right_logical3A_221 : vector<16xi32>
      %and3A_223 = arith.constant 127 : i32
      %and3A_224 = vector.broadcast %and3A_223 : i32 to vector<16xi32>
      %and3A_225 = arith.andi %get3A_219, %and3A_224 : vector<16xi32>
      tpu.vector_store_idx %arg5[%shift_right_logical3A_222, %and3A_225], %broadcast_in_dim3A_3 {add = true} : memref<80x128xf32, #tpu.memory_space<vmem>>[vector<16xi32>, vector<16xi32>], vector<16xf32>,
      %get3A_226 = arith.index_cast %scan3A_210 : i32 to index
      %get3A_227 = arith.constant 32 : index
      %get3A_228 = tpu.vector_load %arg4[%get3A_226, %get3A_227] {strides = array<i32>} : memref<79x128xi32, #tpu.memory_space<vmem>>, vector<16xi32>,
      %shift_right_logical3A_229 = arith.constant 7 : i32
      %shift_right_logical3A_230 = vector.broadcast %shift_right_logical3A_229 : i32 to vector<16xi32>
      %shift_right_logical3A_231 = arith.shrui %get3A_228, %shift_right_logical3A_230 : vector<16xi32>
      %and3A_232 = arith.constant 127 : i32
      %and3A_233 = vector.broadcast %and3A_232 : i32 to vector<16xi32>
      %and3A_234 = arith.andi %get3A_228, %and3A_233 : vector<16xi32>
      tpu.vector_store_idx %arg5[%shift_right_logical3A_231, %and3A_234], %broadcast_in_dim3A_3 {add = true} : memref<80x128xf32, #tpu.memory_space<vmem>>[vector<16xi32>, vector<16xi32>], vector<16xf32>,
      %get3A_235 = arith.index_cast %scan3A_210 : i32 to index
      %get3A_236 = arith.constant 48 : index
      %get3A_237 = tpu.vector_load %arg4[%get3A_235, %get3A_236] {strides = array<i32>} : memref<79x128xi32, #tpu.memory_space<vmem>>, vector<16xi32>,
      %shift_right_logical3A_238 = arith.constant 7 : i32
      %shift_right_logical3A_239 = vector.broadcast %shift_right_logical3A_238 : i32 to vector<16xi32>
      %shift_right_logical3A_240 = arith.shrui %get3A_237, %shift_right_logical3A_239 : vector<16xi32>
      %and3A_241 = arith.constant 127 : i32
      %and3A_242 = vector.broadcast %and3A_241 : i32 to vector<16xi32>
      %and3A_243 = arith.andi %get3A_237, %and3A_242 : vector<16xi32>
      tpu.vector_store_idx %arg5[%shift_right_logical3A_240, %and3A_243], %broadcast_in_dim3A_3 {add = true} : memref<80x128xf32, #tpu.memory_space<vmem>>[vector<16xi32>, vector<16xi32>], vector<16xf32>,
      %get3A_244 = arith.index_cast %scan3A_210 : i32 to index
      %get3A_245 = arith.constant 64 : index
      %get3A_246 = tpu.vector_load %arg4[%get3A_244, %get3A_245] {strides = array<i32>} : memref<79x128xi32, #tpu.memory_space<vmem>>, vector<16xi32>,
      %shift_right_logical3A_247 = arith.constant 7 : i32
      %shift_right_logical3A_248 = vector.broadcast %shift_right_logical3A_247 : i32 to vector<16xi32>
      %shift_right_logical3A_249 = arith.shrui %get3A_246, %shift_right_logical3A_248 : vector<16xi32>
      %and3A_250 = arith.constant 127 : i32
      %and3A_251 = vector.broadcast %and3A_250 : i32 to vector<16xi32>
      %and3A_252 = arith.andi %get3A_246, %and3A_251 : vector<16xi32>
      tpu.vector_store_idx %arg5[%shift_right_logical3A_249, %and3A_252], %broadcast_in_dim3A_3 {add = true} : memref<80x128xf32, #tpu.memory_space<vmem>>[vector<16xi32>, vector<16xi32>], vector<16xf32>,
      %get3A_253 = arith.index_cast %scan3A_210 : i32 to index
      %get3A_254 = arith.constant 80 : index
      %get3A_255 = tpu.vector_load %arg4[%get3A_253, %get3A_254] {strides = array<i32>} : memref<79x128xi32, #tpu.memory_space<vmem>>, vector<16xi32>,
      %shift_right_logical3A_256 = arith.constant 7 : i32
      %shift_right_logical3A_257 = vector.broadcast %shift_right_logical3A_256 : i32 to vector<16xi32>
      %shift_right_logical3A_258 = arith.shrui %get3A_255, %shift_right_logical3A_257 : vector<16xi32>
      %and3A_259 = arith.constant 127 : i32
      %and3A_260 = vector.broadcast %and3A_259 : i32 to vector<16xi32>
      %and3A_261 = arith.andi %get3A_255, %and3A_260 : vector<16xi32>
      tpu.vector_store_idx %arg5[%shift_right_logical3A_258, %and3A_261], %broadcast_in_dim3A_3 {add = true} : memref<80x128xf32, #tpu.memory_space<vmem>>[vector<16xi32>, vector<16xi32>], vector<16xf32>,
      %get3A_262 = arith.index_cast %scan3A_210 : i32 to index
      %get3A_263 = arith.constant 96 : index
      %get3A_264 = tpu.vector_load %arg4[%get3A_262, %get3A_263] {strides = array<i32>} : memref<79x128xi32, #tpu.memory_space<vmem>>, vector<16xi32>,
      %shift_right_logical3A_265 = arith.constant 7 : i32
      %shift_right_logical3A_266 = vector.broadcast %shift_right_logical3A_265 : i32 to vector<16xi32>
      %shift_right_logical3A_267 = arith.shrui %get3A_264, %shift_right_logical3A_266 : vector<16xi32>
      %and3A_268 = arith.constant 127 : i32
      %and3A_269 = vector.broadcast %and3A_268 : i32 to vector<16xi32>
      %and3A_270 = arith.andi %get3A_264, %and3A_269 : vector<16xi32>
      tpu.vector_store_idx %arg5[%shift_right_logical3A_267, %and3A_270], %broadcast_in_dim3A_3 {add = true} : memref<80x128xf32, #tpu.memory_space<vmem>>[vector<16xi32>, vector<16xi32>], vector<16xf32>,
      %get3A_271 = arith.index_cast %scan3A_210 : i32 to index
      %get3A_272 = arith.constant 112 : index
      %get3A_273 = tpu.vector_load %arg4[%get3A_271, %get3A_272] {strides = array<i32>} : memref<79x128xi32, #tpu.memory_space<vmem>>, vector<16xi32>,
      %shift_right_logical3A_274 = arith.constant 7 : i32
      %shift_right_logical3A_275 = vector.broadcast %shift_right_logical3A_274 : i32 to vector<16xi32>
      %shift_right_logical3A_276 = arith.shrui %get3A_273, %shift_right_logical3A_275 : vector<16xi32>
      %and3A_277 = arith.constant 127 : i32
      %and3A_278 = vector.broadcast %and3A_277 : i32 to vector<16xi32>
      %and3A_279 = arith.andi %get3A_273, %and3A_278 : vector<16xi32>
      tpu.vector_store_idx %arg5[%shift_right_logical3A_276, %and3A_279], %broadcast_in_dim3A_3 {add = true} : memref<80x128xf32, #tpu.memory_space<vmem>>[vector<16xi32>, vector<16xi32>], vector<16xf32>,
    }
    %scan3A_204 = arith.constant 79 : i32
    %barrier3A = arith.constant 0 : index
    tpu.barrier barrier_id(%barrier3A)
    "tpu.region"() ({
      %run_scoped3A = tpu.sem_alloc : memref<!tpu.dma_semaphore, #tpu.memory_space<semaphore_mem>>
      %dma_start3A = arith.constant 0 : i32
      %dma_start3A_210 = arith.constant 0 : i32
      %dma_start3A_211 = tpu.memref_slice %arg8[%dma_start3A, %dma_start3A_210] : memref<80x128xf32, #tpu.memory_space<vmem_shared>> -> memref<80x128xf32, #tpu.memory_space<vmem_shared>>
      tpu.enqueue_indirect_dma source(%arg5 : memref<80x128xf32, #tpu.memory_space<vmem>>) target(%dma_start3A_211 : memref<80x128xf32, #tpu.memory_space<vmem_shared>>) offsets(%arg7 : memref<80xi32, #tpu.memory_space<vmem>>) semaphore(%run_scoped3A : memref<!tpu.dma_semaphore, #tpu.memory_space<semaphore_mem>>) {add = true}
      %dma_wait3A = arith.constant 0 : i32
      %dma_wait3A_212 = arith.constant 0 : i32
      %dma_wait3A_213 = tpu.memref_slice %arg8[%dma_wait3A, %dma_wait3A_212] : memref<80x128xf32, #tpu.memory_space<vmem_shared>> -> memref<80x128xf32, #tpu.memory_space<vmem_shared>>
      tpu.wait_indirect_dma semaphore(%run_scoped3A : memref<!tpu.dma_semaphore, #tpu.memory_space<semaphore_mem>>) src(%arg5 : memref<80x128xf32, #tpu.memory_space<vmem>>) dst(%dma_wait3A_213 : memref<80x128xf32, #tpu.memory_space<vmem_shared>>)
      tpu.yield
    }) : () -> ()
    %barrier3A_205 = arith.constant 0 : index
    tpu.barrier barrier_id(%barrier3A_205)
    %mul3A_206 = arith.constant 5 : i32
    %mul3A_207 = arith.muli %arg1, %mul3A_206 : i32
    "tpu.region"() ({
      %run_scoped3A = tpu.sem_alloc : memref<!tpu.dma_semaphore, #tpu.memory_space<semaphore_mem>>
      %dma_start3A = arith.constant 0 : i32
      %dma_start3A_210 = tpu.memref_slice %arg8[%mul3A_207, %dma_start3A] : memref<80x128xf32, #tpu.memory_space<vmem_shared>> -> memref<5x128xf32, #tpu.memory_space<vmem_shared>>
      %dma_start3A_211 = arith.constant 0 : i32
      %dma_start3A_212 = tpu.memref_slice %arg8[%mul3A_207, %dma_start3A_211] : memref<80x128xf32, #tpu.memory_space<vmem_shared>> -> memref<5x128xf32, #tpu.memory_space<vmem_shared>>
      tpu.enqueue_dma source(%dma_start3A_212 : memref<5x128xf32, #tpu.memory_space<vmem_shared>>) target(%arg6 : memref<5x128xf32, #tpu.memory_space<vmem>>) target_semaphore(%run_scoped3A : memref<!tpu.dma_semaphore, #tpu.memory_space<semaphore_mem>>)
      %dma_wait3A = arith.constant 0 : i32
      %dma_wait3A_213 = tpu.memref_slice %arg8[%mul3A_207, %dma_wait3A] : memref<80x128xf32, #tpu.memory_space<vmem_shared>> -> memref<5x128xf32, #tpu.memory_space<vmem_shared>>
      %dma_wait3A_214 = arith.constant 0 : i32
      %dma_wait3A_215 = tpu.memref_slice %arg8[%mul3A_207, %dma_wait3A_214] : memref<80x128xf32, #tpu.memory_space<vmem_shared>> -> memref<5x128xf32, #tpu.memory_space<vmem_shared>>
      tpu.wait_dma2 semaphore(%run_scoped3A : memref<!tpu.dma_semaphore, #tpu.memory_space<semaphore_mem>>) src(%dma_wait3A_215 : memref<5x128xf32, #tpu.memory_space<vmem_shared>>) dst(%arg6 : memref<5x128xf32, #tpu.memory_space<vmem>>)
      tpu.yield
    }) : () -> ()
    %mul3A_208 = arith.constant 5 : i32
    %mul3A_209 = arith.muli %arg1, %mul3A_208 : i32
    "tpu.region"() ({
      %run_scoped3A = tpu.sem_alloc : memref<!tpu.dma_semaphore, #tpu.memory_space<semaphore_mem>>
      %dma_start3A = arith.constant 0 : i32
      %dma_start3A_210 = tpu.memref_slice %arg3[%arg0, %mul3A_209, %dma_start3A] : memref<2x80x128xf32, #tpu.memory_space<hbm>> -> memref<1x5x128xf32, #tpu.memory_space<hbm>>
      %dma_start3A_211 = tpu.memref_squeeze %dma_start3A_210 : memref<1x5x128xf32, #tpu.memory_space<hbm>> -> memref<5x128xf32, #tpu.memory_space<hbm>>
      %dma_start3A_212 = arith.constant 0 : i32
      %dma_start3A_213 = tpu.memref_slice %arg3[%arg0, %mul3A_209, %dma_start3A_212] : memref<2x80x128xf32, #tpu.memory_space<hbm>> -> memref<1x5x128xf32, #tpu.memory_space<hbm>>
      %dma_start3A_214 = tpu.memref_squeeze %dma_start3A_213 : memref<1x5x128xf32, #tpu.memory_space<hbm>> -> memref<5x128xf32, #tpu.memory_space<hbm>>
      tpu.enqueue_dma source(%arg6 : memref<5x128xf32, #tpu.memory_space<vmem>>) target(%dma_start3A_214 : memref<5x128xf32, #tpu.memory_space<hbm>>) target_semaphore(%run_scoped3A : memref<!tpu.dma_semaphore, #tpu.memory_space<semaphore_mem>>)
      %dma_wait3A = arith.constant 0 : i32
      %dma_wait3A_215 = tpu.memref_slice %arg3[%arg0, %mul3A_209, %dma_wait3A] : memref<2x80x128xf32, #tpu.memory_space<hbm>> -> memref<1x5x128xf32, #tpu.memory_space<hbm>>
      %dma_wait3A_216 = tpu.memref_squeeze %dma_wait3A_215 : memref<1x5x128xf32, #tpu.memory_space<hbm>> -> memref<5x128xf32, #tpu.memory_space<hbm>>
      %dma_wait3A_217 = arith.constant 0 : i32
      %dma_wait3A_218 = tpu.memref_slice %arg3[%arg0, %mul3A_209, %dma_wait3A_217] : memref<2x80x128xf32, #tpu.memory_space<hbm>> -> memref<1x5x128xf32, #tpu.memory_space<hbm>>
      %dma_wait3A_219 = tpu.memref_squeeze %dma_wait3A_218 : memref<1x5x128xf32, #tpu.memory_space<hbm>> -> memref<5x128xf32, #tpu.memory_space<hbm>>
      tpu.wait_dma2 semaphore(%run_scoped3A : memref<!tpu.dma_semaphore, #tpu.memory_space<semaphore_mem>>) src(%arg6 : memref<5x128xf32, #tpu.memory_space<vmem>>) dst(%dma_wait3A_219 : memref<5x128xf32, #tpu.memory_space<hbm>>)
      tpu.yield
    }) : () -> ()
    return
  }
}

#map = affine_map<(d0, d1) -> (0, 0)>
#map1 = affine_map<(d0, d1) -> (0, 0, 0)>
module attributes {stable_mosaic.version = 14 : i64} {
  func.func @agg(%arg0: i32, %arg1: i32, %arg2: memref<10240x128xbf16, #tpu.memory_space<hbm>>, %arg3: memref<32x81x128xi32, #tpu.memory_space<hbm>>, %arg4: memref<32x81x128xi32, #tpu.memory_space<hbm>>, %arg5: memref<2x10240x128xbf16, #tpu.memory_space<hbm>>, %arg6: memref<81x128xi32, #tpu.memory_space<vmem>>, %arg7: memref<81x128xi32, #tpu.memory_space<vmem>>, %arg8: memref<128x128xbf16, #tpu.memory_space<vmem>>, %arg9: memref<128x128xbf16, #tpu.memory_space<vmem>>, %arg10: memref<10240x128xbf16, #tpu.memory_space<vmem_shared>>, %arg11: memref<10240x128xbf16, #tpu.memory_space<vmem_shared>>, %arg12: memref<!tpu.dma_semaphore, #tpu.memory_space<semaphore_mem>>, %arg13: memref<!tpu.dma_semaphore, #tpu.memory_space<semaphore_mem>>) attributes {dimension_semantics = [#tpu.dimension_semantics<core_parallel>, #tpu.dimension_semantics<subcore_parallel>], iteration_bounds = array<i64: 2, 16>, scalar_prefetch = 0 : i64, scratch_operands = 8 : i64, tpu.core_type = #tpu.core_type<sc_vector_subcore>, window_params = [{transform_indices = #map}, {transform_indices = #map1}, {transform_indices = #map1}, {transform_indices = #map1}]} {
    %mul3A = arith.constant 2 : i32
    %mul3A_0 = arith.muli %arg1, %mul3A : i32
    %add3A = arith.addi %mul3A_0, %arg0 : i32
    "tpu.region"() ({
      %run_scoped3A_126 = tpu.sem_alloc : memref<!tpu.dma_semaphore, #tpu.memory_space<semaphore_mem>>
      %dma_start3A_127 = arith.constant 0 : i32
      %dma_start3A_128 = arith.constant 0 : i32
      %dma_start3A_129 = tpu.memref_slice %arg3[%add3A, %dma_start3A_127, %dma_start3A_128] : memref<32x81x128xi32, #tpu.memory_space<hbm>> -> memref<1x81x128xi32, #tpu.memory_space<hbm>>
      %dma_start3A_130 = tpu.memref_squeeze %dma_start3A_129 : memref<1x81x128xi32, #tpu.memory_space<hbm>> -> memref<81x128xi32, #tpu.memory_space<hbm>>
      %dma_start3A_131 = arith.constant 0 : i32
      %dma_start3A_132 = arith.constant 0 : i32
      %dma_start3A_133 = tpu.memref_slice %arg3[%add3A, %dma_start3A_131, %dma_start3A_132] : memref<32x81x128xi32, #tpu.memory_space<hbm>> -> memref<1x81x128xi32, #tpu.memory_space<hbm>>
      %dma_start3A_134 = tpu.memref_squeeze %dma_start3A_133 : memref<1x81x128xi32, #tpu.memory_space<hbm>> -> memref<81x128xi32, #tpu.memory_space<hbm>>
      tpu.enqueue_dma source(%dma_start3A_134 : memref<81x128xi32, #tpu.memory_space<hbm>>) target(%arg6 : memref<81x128xi32, #tpu.memory_space<vmem>>) target_semaphore(%run_scoped3A_126 : memref<!tpu.dma_semaphore, #tpu.memory_space<semaphore_mem>>)
      %dma_wait3A_135 = arith.constant 0 : i32
      %dma_wait3A_136 = arith.constant 0 : i32
      %dma_wait3A_137 = tpu.memref_slice %arg3[%add3A, %dma_wait3A_135, %dma_wait3A_136] : memref<32x81x128xi32, #tpu.memory_space<hbm>> -> memref<1x81x128xi32, #tpu.memory_space<hbm>>
      %dma_wait3A_138 = tpu.memref_squeeze %dma_wait3A_137 : memref<1x81x128xi32, #tpu.memory_space<hbm>> -> memref<81x128xi32, #tpu.memory_space<hbm>>
      %dma_wait3A_139 = arith.constant 0 : i32
      %dma_wait3A_140 = arith.constant 0 : i32
      %dma_wait3A_141 = tpu.memref_slice %arg3[%add3A, %dma_wait3A_139, %dma_wait3A_140] : memref<32x81x128xi32, #tpu.memory_space<hbm>> -> memref<1x81x128xi32, #tpu.memory_space<hbm>>
      %dma_wait3A_142 = tpu.memref_squeeze %dma_wait3A_141 : memref<1x81x128xi32, #tpu.memory_space<hbm>> -> memref<81x128xi32, #tpu.memory_space<hbm>>
      tpu.wait_dma2 semaphore(%run_scoped3A_126 : memref<!tpu.dma_semaphore, #tpu.memory_space<semaphore_mem>>) src(%dma_wait3A_142 : memref<81x128xi32, #tpu.memory_space<hbm>>) dst(%arg6 : memref<81x128xi32, #tpu.memory_space<vmem>>)
      tpu.yield
    }) : () -> ()
    "tpu.region"() ({
      %run_scoped3A_126 = tpu.sem_alloc : memref<!tpu.dma_semaphore, #tpu.memory_space<semaphore_mem>>
      %dma_start3A_127 = arith.constant 0 : i32
      %dma_start3A_128 = arith.constant 0 : i32
      %dma_start3A_129 = tpu.memref_slice %arg4[%add3A, %dma_start3A_127, %dma_start3A_128] : memref<32x81x128xi32, #tpu.memory_space<hbm>> -> memref<1x81x128xi32, #tpu.memory_space<hbm>>
      %dma_start3A_130 = tpu.memref_squeeze %dma_start3A_129 : memref<1x81x128xi32, #tpu.memory_space<hbm>> -> memref<81x128xi32, #tpu.memory_space<hbm>>
      %dma_start3A_131 = arith.constant 0 : i32
      %dma_start3A_132 = arith.constant 0 : i32
      %dma_start3A_133 = tpu.memref_slice %arg4[%add3A, %dma_start3A_131, %dma_start3A_132] : memref<32x81x128xi32, #tpu.memory_space<hbm>> -> memref<1x81x128xi32, #tpu.memory_space<hbm>>
      %dma_start3A_134 = tpu.memref_squeeze %dma_start3A_133 : memref<1x81x128xi32, #tpu.memory_space<hbm>> -> memref<81x128xi32, #tpu.memory_space<hbm>>
      tpu.enqueue_dma source(%dma_start3A_134 : memref<81x128xi32, #tpu.memory_space<hbm>>) target(%arg7 : memref<81x128xi32, #tpu.memory_space<vmem>>) target_semaphore(%run_scoped3A_126 : memref<!tpu.dma_semaphore, #tpu.memory_space<semaphore_mem>>)
      %dma_wait3A_135 = arith.constant 0 : i32
      %dma_wait3A_136 = arith.constant 0 : i32
      %dma_wait3A_137 = tpu.memref_slice %arg4[%add3A, %dma_wait3A_135, %dma_wait3A_136] : memref<32x81x128xi32, #tpu.memory_space<hbm>> -> memref<1x81x128xi32, #tpu.memory_space<hbm>>
      %dma_wait3A_138 = tpu.memref_squeeze %dma_wait3A_137 : memref<1x81x128xi32, #tpu.memory_space<hbm>> -> memref<81x128xi32, #tpu.memory_space<hbm>>
      %dma_wait3A_139 = arith.constant 0 : i32
      %dma_wait3A_140 = arith.constant 0 : i32
      %dma_wait3A_141 = tpu.memref_slice %arg4[%add3A, %dma_wait3A_139, %dma_wait3A_140] : memref<32x81x128xi32, #tpu.memory_space<hbm>> -> memref<1x81x128xi32, #tpu.memory_space<hbm>>
      %dma_wait3A_142 = tpu.memref_squeeze %dma_wait3A_141 : memref<1x81x128xi32, #tpu.memory_space<hbm>> -> memref<81x128xi32, #tpu.memory_space<hbm>>
      tpu.wait_dma2 semaphore(%run_scoped3A_126 : memref<!tpu.dma_semaphore, #tpu.memory_space<semaphore_mem>>) src(%dma_wait3A_142 : memref<81x128xi32, #tpu.memory_space<hbm>>) dst(%arg7 : memref<81x128xi32, #tpu.memory_space<vmem>>)
      tpu.yield
    }) : () -> ()
    %mul3A_1 = arith.constant 640 : i32
    %mul3A_2 = arith.muli %arg1, %mul3A_1 : i32
    %add3A_3 = arith.constant 0 : i32
    %add3A_4 = arith.addi %mul3A_2, %add3A_3 : i32
    "tpu.region"() ({
      %run_scoped3A_126 = tpu.sem_alloc : memref<!tpu.dma_semaphore, #tpu.memory_space<semaphore_mem>>
      %dma_start3A_127 = arith.constant 0 : i32
      %dma_start3A_128 = tpu.memref_slice %arg2[%add3A_4, %dma_start3A_127] : memref<10240x128xbf16, #tpu.memory_space<hbm>> -> memref<128x128xbf16, #tpu.memory_space<hbm>>
      %dma_start3A_129 = arith.constant 0 : i32
      %dma_start3A_130 = tpu.memref_slice %arg2[%add3A_4, %dma_start3A_129] : memref<10240x128xbf16, #tpu.memory_space<hbm>> -> memref<128x128xbf16, #tpu.memory_space<hbm>>
      tpu.enqueue_dma source(%dma_start3A_130 : memref<128x128xbf16, #tpu.memory_space<hbm>>) target(%arg8 : memref<128x128xbf16, #tpu.memory_space<vmem>>) target_semaphore(%run_scoped3A_126 : memref<!tpu.dma_semaphore, #tpu.memory_space<semaphore_mem>>)
      %dma_wait3A_131 = arith.constant 0 : i32
      %dma_wait3A_132 = tpu.memref_slice %arg2[%add3A_4, %dma_wait3A_131] : memref<10240x128xbf16, #tpu.memory_space<hbm>> -> memref<128x128xbf16, #tpu.memory_space<hbm>>
      %dma_wait3A_133 = arith.constant 0 : i32
      %dma_wait3A_134 = tpu.memref_slice %arg2[%add3A_4, %dma_wait3A_133] : memref<10240x128xbf16, #tpu.memory_space<hbm>> -> memref<128x128xbf16, #tpu.memory_space<hbm>>
      tpu.wait_dma2 semaphore(%run_scoped3A_126 : memref<!tpu.dma_semaphore, #tpu.memory_space<semaphore_mem>>) src(%dma_wait3A_134 : memref<128x128xbf16, #tpu.memory_space<hbm>>) dst(%arg8 : memref<128x128xbf16, #tpu.memory_space<vmem>>)
      tpu.yield
    }) : () -> ()
    %mul3A_5 = arith.constant 640 : i32
    %mul3A_6 = arith.muli %arg1, %mul3A_5 : i32
    %add3A_7 = arith.constant 0 : i32
    %add3A_8 = arith.addi %mul3A_6, %add3A_7 : i32
    "tpu.region"() ({
      %run_scoped3A_126 = tpu.sem_alloc : memref<!tpu.dma_semaphore, #tpu.memory_space<semaphore_mem>>
      %dma_start3A_127 = arith.constant 0 : i32
      %dma_start3A_128 = tpu.memref_slice %arg10[%add3A_8, %dma_start3A_127] : memref<10240x128xbf16, #tpu.memory_space<vmem_shared>> -> memref<128x128xbf16, #tpu.memory_space<vmem_shared>>
      %dma_start3A_129 = arith.constant 0 : i32
      %dma_start3A_130 = tpu.memref_slice %arg10[%add3A_8, %dma_start3A_129] : memref<10240x128xbf16, #tpu.memory_space<vmem_shared>> -> memref<128x128xbf16, #tpu.memory_space<vmem_shared>>
      tpu.enqueue_dma source(%arg8 : memref<128x128xbf16, #tpu.memory_space<vmem>>) target(%dma_start3A_130 : memref<128x128xbf16, #tpu.memory_space<vmem_shared>>) target_semaphore(%run_scoped3A_126 : memref<!tpu.dma_semaphore, #tpu.memory_space<semaphore_mem>>)
      %dma_wait3A_131 = arith.constant 0 : i32
      %dma_wait3A_132 = tpu.memref_slice %arg10[%add3A_8, %dma_wait3A_131] : memref<10240x128xbf16, #tpu.memory_space<vmem_shared>> -> memref<128x128xbf16, #tpu.memory_space<vmem_shared>>
      %dma_wait3A_133 = arith.constant 0 : i32
      %dma_wait3A_134 = tpu.memref_slice %arg10[%add3A_8, %dma_wait3A_133] : memref<10240x128xbf16, #tpu.memory_space<vmem_shared>> -> memref<128x128xbf16, #tpu.memory_space<vmem_shared>>
      tpu.wait_dma2 semaphore(%run_scoped3A_126 : memref<!tpu.dma_semaphore, #tpu.memory_space<semaphore_mem>>) src(%arg8 : memref<128x128xbf16, #tpu.memory_space<vmem>>) dst(%dma_wait3A_134 : memref<128x128xbf16, #tpu.memory_space<vmem_shared>>)
      tpu.yield
    }) : () -> ()
    %mul3A_9 = arith.constant 640 : i32
    %mul3A_10 = arith.muli %arg1, %mul3A_9 : i32
    %add3A_11 = arith.constant 128 : i32
    %add3A_12 = arith.addi %mul3A_10, %add3A_11 : i32
    "tpu.region"() ({
      %run_scoped3A_126 = tpu.sem_alloc : memref<!tpu.dma_semaphore, #tpu.memory_space<semaphore_mem>>
      %dma_start3A_127 = arith.constant 0 : i32
      %dma_start3A_128 = tpu.memref_slice %arg2[%add3A_12, %dma_start3A_127] : memref<10240x128xbf16, #tpu.memory_space<hbm>> -> memref<128x128xbf16, #tpu.memory_space<hbm>>
      %dma_start3A_129 = arith.constant 0 : i32
      %dma_start3A_130 = tpu.memref_slice %arg2[%add3A_12, %dma_start3A_129] : memref<10240x128xbf16, #tpu.memory_space<hbm>> -> memref<128x128xbf16, #tpu.memory_space<hbm>>
      tpu.enqueue_dma source(%dma_start3A_130 : memref<128x128xbf16, #tpu.memory_space<hbm>>) target(%arg8 : memref<128x128xbf16, #tpu.memory_space<vmem>>) target_semaphore(%run_scoped3A_126 : memref<!tpu.dma_semaphore, #tpu.memory_space<semaphore_mem>>)
      %dma_wait3A_131 = arith.constant 0 : i32
      %dma_wait3A_132 = tpu.memref_slice %arg2[%add3A_12, %dma_wait3A_131] : memref<10240x128xbf16, #tpu.memory_space<hbm>> -> memref<128x128xbf16, #tpu.memory_space<hbm>>
      %dma_wait3A_133 = arith.constant 0 : i32
      %dma_wait3A_134 = tpu.memref_slice %arg2[%add3A_12, %dma_wait3A_133] : memref<10240x128xbf16, #tpu.memory_space<hbm>> -> memref<128x128xbf16, #tpu.memory_space<hbm>>
      tpu.wait_dma2 semaphore(%run_scoped3A_126 : memref<!tpu.dma_semaphore, #tpu.memory_space<semaphore_mem>>) src(%dma_wait3A_134 : memref<128x128xbf16, #tpu.memory_space<hbm>>) dst(%arg8 : memref<128x128xbf16, #tpu.memory_space<vmem>>)
      tpu.yield
    }) : () -> ()
    %mul3A_13 = arith.constant 640 : i32
    %mul3A_14 = arith.muli %arg1, %mul3A_13 : i32
    %add3A_15 = arith.constant 128 : i32
    %add3A_16 = arith.addi %mul3A_14, %add3A_15 : i32
    "tpu.region"() ({
      %run_scoped3A_126 = tpu.sem_alloc : memref<!tpu.dma_semaphore, #tpu.memory_space<semaphore_mem>>
      %dma_start3A_127 = arith.constant 0 : i32
      %dma_start3A_128 = tpu.memref_slice %arg10[%add3A_16, %dma_start3A_127] : memref<10240x128xbf16, #tpu.memory_space<vmem_shared>> -> memref<128x128xbf16, #tpu.memory_space<vmem_shared>>
      %dma_start3A_129 = arith.constant 0 : i32
      %dma_start3A_130 = tpu.memref_slice %arg10[%add3A_16, %dma_start3A_129] : memref<10240x128xbf16, #tpu.memory_space<vmem_shared>> -> memref<128x128xbf16, #tpu.memory_space<vmem_shared>>
      tpu.enqueue_dma source(%arg8 : memref<128x128xbf16, #tpu.memory_space<vmem>>) target(%dma_start3A_130 : memref<128x128xbf16, #tpu.memory_space<vmem_shared>>) target_semaphore(%run_scoped3A_126 : memref<!tpu.dma_semaphore, #tpu.memory_space<semaphore_mem>>)
      %dma_wait3A_131 = arith.constant 0 : i32
      %dma_wait3A_132 = tpu.memref_slice %arg10[%add3A_16, %dma_wait3A_131] : memref<10240x128xbf16, #tpu.memory_space<vmem_shared>> -> memref<128x128xbf16, #tpu.memory_space<vmem_shared>>
      %dma_wait3A_133 = arith.constant 0 : i32
      %dma_wait3A_134 = tpu.memref_slice %arg10[%add3A_16, %dma_wait3A_133] : memref<10240x128xbf16, #tpu.memory_space<vmem_shared>> -> memref<128x128xbf16, #tpu.memory_space<vmem_shared>>
      tpu.wait_dma2 semaphore(%run_scoped3A_126 : memref<!tpu.dma_semaphore, #tpu.memory_space<semaphore_mem>>) src(%arg8 : memref<128x128xbf16, #tpu.memory_space<vmem>>) dst(%dma_wait3A_134 : memref<128x128xbf16, #tpu.memory_space<vmem_shared>>)
      tpu.yield
    }) : () -> ()
    %mul3A_17 = arith.constant 640 : i32
    %mul3A_18 = arith.muli %arg1, %mul3A_17 : i32
    %add3A_19 = arith.constant 256 : i32
    %add3A_20 = arith.addi %mul3A_18, %add3A_19 : i32
    "tpu.region"() ({
      %run_scoped3A_126 = tpu.sem_alloc : memref<!tpu.dma_semaphore, #tpu.memory_space<semaphore_mem>>
      %dma_start3A_127 = arith.constant 0 : i32
      %dma_start3A_128 = tpu.memref_slice %arg2[%add3A_20, %dma_start3A_127] : memref<10240x128xbf16, #tpu.memory_space<hbm>> -> memref<128x128xbf16, #tpu.memory_space<hbm>>
      %dma_start3A_129 = arith.constant 0 : i32
      %dma_start3A_130 = tpu.memref_slice %arg2[%add3A_20, %dma_start3A_129] : memref<10240x128xbf16, #tpu.memory_space<hbm>> -> memref<128x128xbf16, #tpu.memory_space<hbm>>
      tpu.enqueue_dma source(%dma_start3A_130 : memref<128x128xbf16, #tpu.memory_space<hbm>>) target(%arg8 : memref<128x128xbf16, #tpu.memory_space<vmem>>) target_semaphore(%run_scoped3A_126 : memref<!tpu.dma_semaphore, #tpu.memory_space<semaphore_mem>>)
      %dma_wait3A_131 = arith.constant 0 : i32
      %dma_wait3A_132 = tpu.memref_slice %arg2[%add3A_20, %dma_wait3A_131] : memref<10240x128xbf16, #tpu.memory_space<hbm>> -> memref<128x128xbf16, #tpu.memory_space<hbm>>
      %dma_wait3A_133 = arith.constant 0 : i32
      %dma_wait3A_134 = tpu.memref_slice %arg2[%add3A_20, %dma_wait3A_133] : memref<10240x128xbf16, #tpu.memory_space<hbm>> -> memref<128x128xbf16, #tpu.memory_space<hbm>>
      tpu.wait_dma2 semaphore(%run_scoped3A_126 : memref<!tpu.dma_semaphore, #tpu.memory_space<semaphore_mem>>) src(%dma_wait3A_134 : memref<128x128xbf16, #tpu.memory_space<hbm>>) dst(%arg8 : memref<128x128xbf16, #tpu.memory_space<vmem>>)
      tpu.yield
    }) : () -> ()
    %mul3A_21 = arith.constant 640 : i32
    %mul3A_22 = arith.muli %arg1, %mul3A_21 : i32
    %add3A_23 = arith.constant 256 : i32
    %add3A_24 = arith.addi %mul3A_22, %add3A_23 : i32
    "tpu.region"() ({
      %run_scoped3A_126 = tpu.sem_alloc : memref<!tpu.dma_semaphore, #tpu.memory_space<semaphore_mem>>
      %dma_start3A_127 = arith.constant 0 : i32
      %dma_start3A_128 = tpu.memref_slice %arg10[%add3A_24, %dma_start3A_127] : memref<10240x128xbf16, #tpu.memory_space<vmem_shared>> -> memref<128x128xbf16, #tpu.memory_space<vmem_shared>>
      %dma_start3A_129 = arith.constant 0 : i32
      %dma_start3A_130 = tpu.memref_slice %arg10[%add3A_24, %dma_start3A_129] : memref<10240x128xbf16, #tpu.memory_space<vmem_shared>> -> memref<128x128xbf16, #tpu.memory_space<vmem_shared>>
      tpu.enqueue_dma source(%arg8 : memref<128x128xbf16, #tpu.memory_space<vmem>>) target(%dma_start3A_130 : memref<128x128xbf16, #tpu.memory_space<vmem_shared>>) target_semaphore(%run_scoped3A_126 : memref<!tpu.dma_semaphore, #tpu.memory_space<semaphore_mem>>)
      %dma_wait3A_131 = arith.constant 0 : i32
      %dma_wait3A_132 = tpu.memref_slice %arg10[%add3A_24, %dma_wait3A_131] : memref<10240x128xbf16, #tpu.memory_space<vmem_shared>> -> memref<128x128xbf16, #tpu.memory_space<vmem_shared>>
      %dma_wait3A_133 = arith.constant 0 : i32
      %dma_wait3A_134 = tpu.memref_slice %arg10[%add3A_24, %dma_wait3A_133] : memref<10240x128xbf16, #tpu.memory_space<vmem_shared>> -> memref<128x128xbf16, #tpu.memory_space<vmem_shared>>
      tpu.wait_dma2 semaphore(%run_scoped3A_126 : memref<!tpu.dma_semaphore, #tpu.memory_space<semaphore_mem>>) src(%arg8 : memref<128x128xbf16, #tpu.memory_space<vmem>>) dst(%dma_wait3A_134 : memref<128x128xbf16, #tpu.memory_space<vmem_shared>>)
      tpu.yield
    }) : () -> ()
    %mul3A_25 = arith.constant 640 : i32
    %mul3A_26 = arith.muli %arg1, %mul3A_25 : i32
    %add3A_27 = arith.constant 384 : i32
    %add3A_28 = arith.addi %mul3A_26, %add3A_27 : i32
    "tpu.region"() ({
      %run_scoped3A_126 = tpu.sem_alloc : memref<!tpu.dma_semaphore, #tpu.memory_space<semaphore_mem>>
      %dma_start3A_127 = arith.constant 0 : i32
      %dma_start3A_128 = tpu.memref_slice %arg2[%add3A_28, %dma_start3A_127] : memref<10240x128xbf16, #tpu.memory_space<hbm>> -> memref<128x128xbf16, #tpu.memory_space<hbm>>
      %dma_start3A_129 = arith.constant 0 : i32
      %dma_start3A_130 = tpu.memref_slice %arg2[%add3A_28, %dma_start3A_129] : memref<10240x128xbf16, #tpu.memory_space<hbm>> -> memref<128x128xbf16, #tpu.memory_space<hbm>>
      tpu.enqueue_dma source(%dma_start3A_130 : memref<128x128xbf16, #tpu.memory_space<hbm>>) target(%arg8 : memref<128x128xbf16, #tpu.memory_space<vmem>>) target_semaphore(%run_scoped3A_126 : memref<!tpu.dma_semaphore, #tpu.memory_space<semaphore_mem>>)
      %dma_wait3A_131 = arith.constant 0 : i32
      %dma_wait3A_132 = tpu.memref_slice %arg2[%add3A_28, %dma_wait3A_131] : memref<10240x128xbf16, #tpu.memory_space<hbm>> -> memref<128x128xbf16, #tpu.memory_space<hbm>>
      %dma_wait3A_133 = arith.constant 0 : i32
      %dma_wait3A_134 = tpu.memref_slice %arg2[%add3A_28, %dma_wait3A_133] : memref<10240x128xbf16, #tpu.memory_space<hbm>> -> memref<128x128xbf16, #tpu.memory_space<hbm>>
      tpu.wait_dma2 semaphore(%run_scoped3A_126 : memref<!tpu.dma_semaphore, #tpu.memory_space<semaphore_mem>>) src(%dma_wait3A_134 : memref<128x128xbf16, #tpu.memory_space<hbm>>) dst(%arg8 : memref<128x128xbf16, #tpu.memory_space<vmem>>)
      tpu.yield
    }) : () -> ()
    %mul3A_29 = arith.constant 640 : i32
    %mul3A_30 = arith.muli %arg1, %mul3A_29 : i32
    %add3A_31 = arith.constant 384 : i32
    %add3A_32 = arith.addi %mul3A_30, %add3A_31 : i32
    "tpu.region"() ({
      %run_scoped3A_126 = tpu.sem_alloc : memref<!tpu.dma_semaphore, #tpu.memory_space<semaphore_mem>>
      %dma_start3A_127 = arith.constant 0 : i32
      %dma_start3A_128 = tpu.memref_slice %arg10[%add3A_32, %dma_start3A_127] : memref<10240x128xbf16, #tpu.memory_space<vmem_shared>> -> memref<128x128xbf16, #tpu.memory_space<vmem_shared>>
      %dma_start3A_129 = arith.constant 0 : i32
      %dma_start3A_130 = tpu.memref_slice %arg10[%add3A_32, %dma_start3A_129] : memref<10240x128xbf16, #tpu.memory_space<vmem_shared>> -> memref<128x128xbf16, #tpu.memory_space<vmem_shared>>
      tpu.enqueue_dma source(%arg8 : memref<128x128xbf16, #tpu.memory_space<vmem>>) target(%dma_start3A_130 : memref<128x128xbf16, #tpu.memory_space<vmem_shared>>) target_semaphore(%run_scoped3A_126 : memref<!tpu.dma_semaphore, #tpu.memory_space<semaphore_mem>>)
      %dma_wait3A_131 = arith.constant 0 : i32
      %dma_wait3A_132 = tpu.memref_slice %arg10[%add3A_32, %dma_wait3A_131] : memref<10240x128xbf16, #tpu.memory_space<vmem_shared>> -> memref<128x128xbf16, #tpu.memory_space<vmem_shared>>
      %dma_wait3A_133 = arith.constant 0 : i32
      %dma_wait3A_134 = tpu.memref_slice %arg10[%add3A_32, %dma_wait3A_133] : memref<10240x128xbf16, #tpu.memory_space<vmem_shared>> -> memref<128x128xbf16, #tpu.memory_space<vmem_shared>>
      tpu.wait_dma2 semaphore(%run_scoped3A_126 : memref<!tpu.dma_semaphore, #tpu.memory_space<semaphore_mem>>) src(%arg8 : memref<128x128xbf16, #tpu.memory_space<vmem>>) dst(%dma_wait3A_134 : memref<128x128xbf16, #tpu.memory_space<vmem_shared>>)
      tpu.yield
    }) : () -> ()
    %mul3A_33 = arith.constant 640 : i32
    %mul3A_34 = arith.muli %arg1, %mul3A_33 : i32
    %add3A_35 = arith.constant 512 : i32
    %add3A_36 = arith.addi %mul3A_34, %add3A_35 : i32
    "tpu.region"() ({
      %run_scoped3A_126 = tpu.sem_alloc : memref<!tpu.dma_semaphore, #tpu.memory_space<semaphore_mem>>
      %dma_start3A_127 = arith.constant 0 : i32
      %dma_start3A_128 = tpu.memref_slice %arg2[%add3A_36, %dma_start3A_127] : memref<10240x128xbf16, #tpu.memory_space<hbm>> -> memref<128x128xbf16, #tpu.memory_space<hbm>>
      %dma_start3A_129 = arith.constant 0 : i32
      %dma_start3A_130 = tpu.memref_slice %arg2[%add3A_36, %dma_start3A_129] : memref<10240x128xbf16, #tpu.memory_space<hbm>> -> memref<128x128xbf16, #tpu.memory_space<hbm>>
      tpu.enqueue_dma source(%dma_start3A_130 : memref<128x128xbf16, #tpu.memory_space<hbm>>) target(%arg8 : memref<128x128xbf16, #tpu.memory_space<vmem>>) target_semaphore(%run_scoped3A_126 : memref<!tpu.dma_semaphore, #tpu.memory_space<semaphore_mem>>)
      %dma_wait3A_131 = arith.constant 0 : i32
      %dma_wait3A_132 = tpu.memref_slice %arg2[%add3A_36, %dma_wait3A_131] : memref<10240x128xbf16, #tpu.memory_space<hbm>> -> memref<128x128xbf16, #tpu.memory_space<hbm>>
      %dma_wait3A_133 = arith.constant 0 : i32
      %dma_wait3A_134 = tpu.memref_slice %arg2[%add3A_36, %dma_wait3A_133] : memref<10240x128xbf16, #tpu.memory_space<hbm>> -> memref<128x128xbf16, #tpu.memory_space<hbm>>
      tpu.wait_dma2 semaphore(%run_scoped3A_126 : memref<!tpu.dma_semaphore, #tpu.memory_space<semaphore_mem>>) src(%dma_wait3A_134 : memref<128x128xbf16, #tpu.memory_space<hbm>>) dst(%arg8 : memref<128x128xbf16, #tpu.memory_space<vmem>>)
      tpu.yield
    }) : () -> ()
    %mul3A_37 = arith.constant 640 : i32
    %mul3A_38 = arith.muli %arg1, %mul3A_37 : i32
    %add3A_39 = arith.constant 512 : i32
    %add3A_40 = arith.addi %mul3A_38, %add3A_39 : i32
    "tpu.region"() ({
      %run_scoped3A_126 = tpu.sem_alloc : memref<!tpu.dma_semaphore, #tpu.memory_space<semaphore_mem>>
      %dma_start3A_127 = arith.constant 0 : i32
      %dma_start3A_128 = tpu.memref_slice %arg10[%add3A_40, %dma_start3A_127] : memref<10240x128xbf16, #tpu.memory_space<vmem_shared>> -> memref<128x128xbf16, #tpu.memory_space<vmem_shared>>
      %dma_start3A_129 = arith.constant 0 : i32
      %dma_start3A_130 = tpu.memref_slice %arg10[%add3A_40, %dma_start3A_129] : memref<10240x128xbf16, #tpu.memory_space<vmem_shared>> -> memref<128x128xbf16, #tpu.memory_space<vmem_shared>>
      tpu.enqueue_dma source(%arg8 : memref<128x128xbf16, #tpu.memory_space<vmem>>) target(%dma_start3A_130 : memref<128x128xbf16, #tpu.memory_space<vmem_shared>>) target_semaphore(%run_scoped3A_126 : memref<!tpu.dma_semaphore, #tpu.memory_space<semaphore_mem>>)
      %dma_wait3A_131 = arith.constant 0 : i32
      %dma_wait3A_132 = tpu.memref_slice %arg10[%add3A_40, %dma_wait3A_131] : memref<10240x128xbf16, #tpu.memory_space<vmem_shared>> -> memref<128x128xbf16, #tpu.memory_space<vmem_shared>>
      %dma_wait3A_133 = arith.constant 0 : i32
      %dma_wait3A_134 = tpu.memref_slice %arg10[%add3A_40, %dma_wait3A_133] : memref<10240x128xbf16, #tpu.memory_space<vmem_shared>> -> memref<128x128xbf16, #tpu.memory_space<vmem_shared>>
      tpu.wait_dma2 semaphore(%run_scoped3A_126 : memref<!tpu.dma_semaphore, #tpu.memory_space<semaphore_mem>>) src(%arg8 : memref<128x128xbf16, #tpu.memory_space<vmem>>) dst(%dma_wait3A_134 : memref<128x128xbf16, #tpu.memory_space<vmem_shared>>)
      tpu.yield
    }) : () -> ()
    %broadcast_in_dim3A = arith.constant 0.000000e+00 : bf16
    %broadcast_in_dim3A_41 = vector.broadcast %broadcast_in_dim3A : bf16 to vector<32xbf16>
    %scan3A = arith.constant 0 : i32
    %scan3A_42 = arith.constant 0 : i32
    %scan3A_43 = arith.constant 128 : i32
    %scan3A_44 = arith.addi %scan3A_42, %scan3A_43 : i32
    %scan3A_45 = arith.constant 1 : i32
    scf.for %scan3A_126 = %scan3A_42 to %scan3A_44 step %scan3A_45  : i32 {
      %swap3A = arith.index_cast %scan3A_126 : i32 to index
      %swap3A_127 = arith.constant 0 : index
      %swap3A_128 = tpu.vector_load %arg8[%swap3A, %swap3A_127] {strides = array<i32>} : memref<128x128xbf16, #tpu.memory_space<vmem>>, vector<1x32xbf16>,
      %swap3A_129 = vector.shape_cast %swap3A_128 : vector<1x32xbf16> to vector<32xbf16>
      %swap3A_130 = vector.shape_cast %broadcast_in_dim3A_41 : vector<32xbf16> to vector<1x32xbf16>
      tpu.vector_store %arg8[%swap3A, %swap3A_127], %swap3A_130 {strides = array<i32>} : memref<128x128xbf16, #tpu.memory_space<vmem>>, vector<1x32xbf16>,
      %swap3A_131 = arith.index_cast %scan3A_126 : i32 to index
      %swap3A_132 = arith.constant 32 : index
      %swap3A_133 = tpu.vector_load %arg8[%swap3A_131, %swap3A_132] {strides = array<i32>} : memref<128x128xbf16, #tpu.memory_space<vmem>>, vector<1x32xbf16>,
      %swap3A_134 = vector.shape_cast %swap3A_133 : vector<1x32xbf16> to vector<32xbf16>
      %swap3A_135 = vector.shape_cast %broadcast_in_dim3A_41 : vector<32xbf16> to vector<1x32xbf16>
      tpu.vector_store %arg8[%swap3A_131, %swap3A_132], %swap3A_135 {strides = array<i32>} : memref<128x128xbf16, #tpu.memory_space<vmem>>, vector<1x32xbf16>,
      %swap3A_136 = arith.index_cast %scan3A_126 : i32 to index
      %swap3A_137 = arith.constant 64 : index
      %swap3A_138 = tpu.vector_load %arg8[%swap3A_136, %swap3A_137] {strides = array<i32>} : memref<128x128xbf16, #tpu.memory_space<vmem>>, vector<1x32xbf16>,
      %swap3A_139 = vector.shape_cast %swap3A_138 : vector<1x32xbf16> to vector<32xbf16>
      %swap3A_140 = vector.shape_cast %broadcast_in_dim3A_41 : vector<32xbf16> to vector<1x32xbf16>
      tpu.vector_store %arg8[%swap3A_136, %swap3A_137], %swap3A_140 {strides = array<i32>} : memref<128x128xbf16, #tpu.memory_space<vmem>>, vector<1x32xbf16>,
      %swap3A_141 = arith.index_cast %scan3A_126 : i32 to index
      %swap3A_142 = arith.constant 96 : index
      %swap3A_143 = tpu.vector_load %arg8[%swap3A_141, %swap3A_142] {strides = array<i32>} : memref<128x128xbf16, #tpu.memory_space<vmem>>, vector<1x32xbf16>,
      %swap3A_144 = vector.shape_cast %swap3A_143 : vector<1x32xbf16> to vector<32xbf16>
      %swap3A_145 = vector.shape_cast %broadcast_in_dim3A_41 : vector<32xbf16> to vector<1x32xbf16>
      tpu.vector_store %arg8[%swap3A_141, %swap3A_142], %swap3A_145 {strides = array<i32>} : memref<128x128xbf16, #tpu.memory_space<vmem>>, vector<1x32xbf16>,
    }
    %scan3A_46 = arith.constant 128 : i32
    %mul3A_47 = arith.constant 640 : i32
    %mul3A_48 = arith.muli %arg1, %mul3A_47 : i32
    %add3A_49 = arith.constant 0 : i32
    %add3A_50 = arith.addi %mul3A_48, %add3A_49 : i32
    "tpu.region"() ({
      %run_scoped3A_126 = tpu.sem_alloc : memref<!tpu.dma_semaphore, #tpu.memory_space<semaphore_mem>>
      %dma_start3A_127 = arith.constant 0 : i32
      %dma_start3A_128 = tpu.memref_slice %arg11[%add3A_50, %dma_start3A_127] : memref<10240x128xbf16, #tpu.memory_space<vmem_shared>> -> memref<128x128xbf16, #tpu.memory_space<vmem_shared>>
      %dma_start3A_129 = arith.constant 0 : i32
      %dma_start3A_130 = tpu.memref_slice %arg11[%add3A_50, %dma_start3A_129] : memref<10240x128xbf16, #tpu.memory_space<vmem_shared>> -> memref<128x128xbf16, #tpu.memory_space<vmem_shared>>
      tpu.enqueue_dma source(%arg8 : memref<128x128xbf16, #tpu.memory_space<vmem>>) target(%dma_start3A_130 : memref<128x128xbf16, #tpu.memory_space<vmem_shared>>) target_semaphore(%run_scoped3A_126 : memref<!tpu.dma_semaphore, #tpu.memory_space<semaphore_mem>>)
      %dma_wait3A_131 = arith.constant 0 : i32
      %dma_wait3A_132 = tpu.memref_slice %arg11[%add3A_50, %dma_wait3A_131] : memref<10240x128xbf16, #tpu.memory_space<vmem_shared>> -> memref<128x128xbf16, #tpu.memory_space<vmem_shared>>
      %dma_wait3A_133 = arith.constant 0 : i32
      %dma_wait3A_134 = tpu.memref_slice %arg11[%add3A_50, %dma_wait3A_133] : memref<10240x128xbf16, #tpu.memory_space<vmem_shared>> -> memref<128x128xbf16, #tpu.memory_space<vmem_shared>>
      tpu.wait_dma2 semaphore(%run_scoped3A_126 : memref<!tpu.dma_semaphore, #tpu.memory_space<semaphore_mem>>) src(%arg8 : memref<128x128xbf16, #tpu.memory_space<vmem>>) dst(%dma_wait3A_134 : memref<128x128xbf16, #tpu.memory_space<vmem_shared>>)
      tpu.yield
    }) : () -> ()
    %mul3A_51 = arith.constant 640 : i32
    %mul3A_52 = arith.muli %arg1, %mul3A_51 : i32
    %add3A_53 = arith.constant 128 : i32
    %add3A_54 = arith.addi %mul3A_52, %add3A_53 : i32
    "tpu.region"() ({
      %run_scoped3A_126 = tpu.sem_alloc : memref<!tpu.dma_semaphore, #tpu.memory_space<semaphore_mem>>
      %dma_start3A_127 = arith.constant 0 : i32
      %dma_start3A_128 = tpu.memref_slice %arg11[%add3A_54, %dma_start3A_127] : memref<10240x128xbf16, #tpu.memory_space<vmem_shared>> -> memref<128x128xbf16, #tpu.memory_space<vmem_shared>>
      %dma_start3A_129 = arith.constant 0 : i32
      %dma_start3A_130 = tpu.memref_slice %arg11[%add3A_54, %dma_start3A_129] : memref<10240x128xbf16, #tpu.memory_space<vmem_shared>> -> memref<128x128xbf16, #tpu.memory_space<vmem_shared>>
      tpu.enqueue_dma source(%arg8 : memref<128x128xbf16, #tpu.memory_space<vmem>>) target(%dma_start3A_130 : memref<128x128xbf16, #tpu.memory_space<vmem_shared>>) target_semaphore(%run_scoped3A_126 : memref<!tpu.dma_semaphore, #tpu.memory_space<semaphore_mem>>)
      %dma_wait3A_131 = arith.constant 0 : i32
      %dma_wait3A_132 = tpu.memref_slice %arg11[%add3A_54, %dma_wait3A_131] : memref<10240x128xbf16, #tpu.memory_space<vmem_shared>> -> memref<128x128xbf16, #tpu.memory_space<vmem_shared>>
      %dma_wait3A_133 = arith.constant 0 : i32
      %dma_wait3A_134 = tpu.memref_slice %arg11[%add3A_54, %dma_wait3A_133] : memref<10240x128xbf16, #tpu.memory_space<vmem_shared>> -> memref<128x128xbf16, #tpu.memory_space<vmem_shared>>
      tpu.wait_dma2 semaphore(%run_scoped3A_126 : memref<!tpu.dma_semaphore, #tpu.memory_space<semaphore_mem>>) src(%arg8 : memref<128x128xbf16, #tpu.memory_space<vmem>>) dst(%dma_wait3A_134 : memref<128x128xbf16, #tpu.memory_space<vmem_shared>>)
      tpu.yield
    }) : () -> ()
    %mul3A_55 = arith.constant 640 : i32
    %mul3A_56 = arith.muli %arg1, %mul3A_55 : i32
    %add3A_57 = arith.constant 256 : i32
    %add3A_58 = arith.addi %mul3A_56, %add3A_57 : i32
    "tpu.region"() ({
      %run_scoped3A_126 = tpu.sem_alloc : memref<!tpu.dma_semaphore, #tpu.memory_space<semaphore_mem>>
      %dma_start3A_127 = arith.constant 0 : i32
      %dma_start3A_128 = tpu.memref_slice %arg11[%add3A_58, %dma_start3A_127] : memref<10240x128xbf16, #tpu.memory_space<vmem_shared>> -> memref<128x128xbf16, #tpu.memory_space<vmem_shared>>
      %dma_start3A_129 = arith.constant 0 : i32
      %dma_start3A_130 = tpu.memref_slice %arg11[%add3A_58, %dma_start3A_129] : memref<10240x128xbf16, #tpu.memory_space<vmem_shared>> -> memref<128x128xbf16, #tpu.memory_space<vmem_shared>>
      tpu.enqueue_dma source(%arg8 : memref<128x128xbf16, #tpu.memory_space<vmem>>) target(%dma_start3A_130 : memref<128x128xbf16, #tpu.memory_space<vmem_shared>>) target_semaphore(%run_scoped3A_126 : memref<!tpu.dma_semaphore, #tpu.memory_space<semaphore_mem>>)
      %dma_wait3A_131 = arith.constant 0 : i32
      %dma_wait3A_132 = tpu.memref_slice %arg11[%add3A_58, %dma_wait3A_131] : memref<10240x128xbf16, #tpu.memory_space<vmem_shared>> -> memref<128x128xbf16, #tpu.memory_space<vmem_shared>>
      %dma_wait3A_133 = arith.constant 0 : i32
      %dma_wait3A_134 = tpu.memref_slice %arg11[%add3A_58, %dma_wait3A_133] : memref<10240x128xbf16, #tpu.memory_space<vmem_shared>> -> memref<128x128xbf16, #tpu.memory_space<vmem_shared>>
      tpu.wait_dma2 semaphore(%run_scoped3A_126 : memref<!tpu.dma_semaphore, #tpu.memory_space<semaphore_mem>>) src(%arg8 : memref<128x128xbf16, #tpu.memory_space<vmem>>) dst(%dma_wait3A_134 : memref<128x128xbf16, #tpu.memory_space<vmem_shared>>)
      tpu.yield
    }) : () -> ()
    %mul3A_59 = arith.constant 640 : i32
    %mul3A_60 = arith.muli %arg1, %mul3A_59 : i32
    %add3A_61 = arith.constant 384 : i32
    %add3A_62 = arith.addi %mul3A_60, %add3A_61 : i32
    "tpu.region"() ({
      %run_scoped3A_126 = tpu.sem_alloc : memref<!tpu.dma_semaphore, #tpu.memory_space<semaphore_mem>>
      %dma_start3A_127 = arith.constant 0 : i32
      %dma_start3A_128 = tpu.memref_slice %arg11[%add3A_62, %dma_start3A_127] : memref<10240x128xbf16, #tpu.memory_space<vmem_shared>> -> memref<128x128xbf16, #tpu.memory_space<vmem_shared>>
      %dma_start3A_129 = arith.constant 0 : i32
      %dma_start3A_130 = tpu.memref_slice %arg11[%add3A_62, %dma_start3A_129] : memref<10240x128xbf16, #tpu.memory_space<vmem_shared>> -> memref<128x128xbf16, #tpu.memory_space<vmem_shared>>
      tpu.enqueue_dma source(%arg8 : memref<128x128xbf16, #tpu.memory_space<vmem>>) target(%dma_start3A_130 : memref<128x128xbf16, #tpu.memory_space<vmem_shared>>) target_semaphore(%run_scoped3A_126 : memref<!tpu.dma_semaphore, #tpu.memory_space<semaphore_mem>>)
      %dma_wait3A_131 = arith.constant 0 : i32
      %dma_wait3A_132 = tpu.memref_slice %arg11[%add3A_62, %dma_wait3A_131] : memref<10240x128xbf16, #tpu.memory_space<vmem_shared>> -> memref<128x128xbf16, #tpu.memory_space<vmem_shared>>
      %dma_wait3A_133 = arith.constant 0 : i32
      %dma_wait3A_134 = tpu.memref_slice %arg11[%add3A_62, %dma_wait3A_133] : memref<10240x128xbf16, #tpu.memory_space<vmem_shared>> -> memref<128x128xbf16, #tpu.memory_space<vmem_shared>>
      tpu.wait_dma2 semaphore(%run_scoped3A_126 : memref<!tpu.dma_semaphore, #tpu.memory_space<semaphore_mem>>) src(%arg8 : memref<128x128xbf16, #tpu.memory_space<vmem>>) dst(%dma_wait3A_134 : memref<128x128xbf16, #tpu.memory_space<vmem_shared>>)
      tpu.yield
    }) : () -> ()
    %mul3A_63 = arith.constant 640 : i32
    %mul3A_64 = arith.muli %arg1, %mul3A_63 : i32
    %add3A_65 = arith.constant 512 : i32
    %add3A_66 = arith.addi %mul3A_64, %add3A_65 : i32
    "tpu.region"() ({
      %run_scoped3A_126 = tpu.sem_alloc : memref<!tpu.dma_semaphore, #tpu.memory_space<semaphore_mem>>
      %dma_start3A_127 = arith.constant 0 : i32
      %dma_start3A_128 = tpu.memref_slice %arg11[%add3A_66, %dma_start3A_127] : memref<10240x128xbf16, #tpu.memory_space<vmem_shared>> -> memref<128x128xbf16, #tpu.memory_space<vmem_shared>>
      %dma_start3A_129 = arith.constant 0 : i32
      %dma_start3A_130 = tpu.memref_slice %arg11[%add3A_66, %dma_start3A_129] : memref<10240x128xbf16, #tpu.memory_space<vmem_shared>> -> memref<128x128xbf16, #tpu.memory_space<vmem_shared>>
      tpu.enqueue_dma source(%arg8 : memref<128x128xbf16, #tpu.memory_space<vmem>>) target(%dma_start3A_130 : memref<128x128xbf16, #tpu.memory_space<vmem_shared>>) target_semaphore(%run_scoped3A_126 : memref<!tpu.dma_semaphore, #tpu.memory_space<semaphore_mem>>)
      %dma_wait3A_131 = arith.constant 0 : i32
      %dma_wait3A_132 = tpu.memref_slice %arg11[%add3A_66, %dma_wait3A_131] : memref<10240x128xbf16, #tpu.memory_space<vmem_shared>> -> memref<128x128xbf16, #tpu.memory_space<vmem_shared>>
      %dma_wait3A_133 = arith.constant 0 : i32
      %dma_wait3A_134 = tpu.memref_slice %arg11[%add3A_66, %dma_wait3A_133] : memref<10240x128xbf16, #tpu.memory_space<vmem_shared>> -> memref<128x128xbf16, #tpu.memory_space<vmem_shared>>
      tpu.wait_dma2 semaphore(%run_scoped3A_126 : memref<!tpu.dma_semaphore, #tpu.memory_space<semaphore_mem>>) src(%arg8 : memref<128x128xbf16, #tpu.memory_space<vmem>>) dst(%dma_wait3A_134 : memref<128x128xbf16, #tpu.memory_space<vmem_shared>>)
      tpu.yield
    }) : () -> ()
    %barrier3A = arith.constant 0 : index
    tpu.barrier barrier_id(%barrier3A)
    %dma_start3A = arith.constant 0 : i32
    %dma_start3A_67 = arith.constant 0 : i32
    %dma_start3A_68 = tpu.memref_slice %arg6[%dma_start3A, %dma_start3A_67] : memref<81x128xi32, #tpu.memory_space<vmem>> -> memref<1x128xi32, #tpu.memory_space<vmem>>
    %dma_start3A_69 = tpu.memref_squeeze %dma_start3A_68 : memref<1x128xi32, #tpu.memory_space<vmem>> -> memref<128xi32, #tpu.memory_space<vmem>>
    %dma_start3A_70 = arith.constant 0 : i32
    %dma_start3A_71 = arith.constant 0 : i32
    %dma_start3A_72 = tpu.memref_slice %arg10[%dma_start3A_70, %dma_start3A_71] : memref<10240x128xbf16, #tpu.memory_space<vmem_shared>> -> memref<10240x128xbf16, #tpu.memory_space<vmem_shared>>
    tpu.enqueue_indirect_dma source(%dma_start3A_72 : memref<10240x128xbf16, #tpu.memory_space<vmem_shared>>) target(%arg8 : memref<128x128xbf16, #tpu.memory_space<vmem>>) offsets(%dma_start3A_69 : memref<128xi32, #tpu.memory_space<vmem>>) semaphore(%arg12 : memref<!tpu.dma_semaphore, #tpu.memory_space<semaphore_mem>>)
    %scan3A_73 = arith.constant 0 : i32
    %scan3A_74 = arith.constant 0 : i32
    %scan3A_75 = arith.constant 40 : i32
    %scan3A_76 = arith.addi %scan3A_74, %scan3A_75 : i32
    %scan3A_77 = arith.constant 1 : i32
    scf.for %scan3A_126 = %scan3A_74 to %scan3A_76 step %scan3A_77  : i32 {
      %mul3A_127 = arith.constant 2 : i32
      %mul3A_128 = arith.muli %mul3A_127, %scan3A_126 : i32
      %dma_wait3A_129 = arith.constant 0 : i32
      %dma_wait3A_130 = tpu.memref_slice %arg6[%mul3A_128, %dma_wait3A_129] : memref<81x128xi32, #tpu.memory_space<vmem>> -> memref<1x128xi32, #tpu.memory_space<vmem>>
      %dma_wait3A_131 = tpu.memref_squeeze %dma_wait3A_130 : memref<1x128xi32, #tpu.memory_space<vmem>> -> memref<128xi32, #tpu.memory_space<vmem>>
      %dma_wait3A_132 = arith.constant 0 : i32
      %dma_wait3A_133 = arith.constant 0 : i32
      %dma_wait3A_134 = tpu.memref_slice %arg10[%dma_wait3A_132, %dma_wait3A_133] : memref<10240x128xbf16, #tpu.memory_space<vmem_shared>> -> memref<10240x128xbf16, #tpu.memory_space<vmem_shared>>
      tpu.wait_indirect_dma semaphore(%arg12 : memref<!tpu.dma_semaphore, #tpu.memory_space<semaphore_mem>>) src(%dma_wait3A_134 : memref<10240x128xbf16, #tpu.memory_space<vmem_shared>>) dst(%arg8 : memref<128x128xbf16, #tpu.memory_space<vmem>>)
      %add3A_135 = arith.constant 1 : i32
      %add3A_136 = arith.addi %mul3A_128, %add3A_135 : i32
      %dma_start3A_137 = arith.constant 0 : i32
      %dma_start3A_138 = tpu.memref_slice %arg6[%add3A_136, %dma_start3A_137] : memref<81x128xi32, #tpu.memory_space<vmem>> -> memref<1x128xi32, #tpu.memory_space<vmem>>
      %dma_start3A_139 = tpu.memref_squeeze %dma_start3A_138 : memref<1x128xi32, #tpu.memory_space<vmem>> -> memref<128xi32, #tpu.memory_space<vmem>>
      %dma_start3A_140 = arith.constant 0 : i32
      %dma_start3A_141 = arith.constant 0 : i32
      %dma_start3A_142 = tpu.memref_slice %arg10[%dma_start3A_140, %dma_start3A_141] : memref<10240x128xbf16, #tpu.memory_space<vmem_shared>> -> memref<10240x128xbf16, #tpu.memory_space<vmem_shared>>
      tpu.enqueue_indirect_dma source(%dma_start3A_142 : memref<10240x128xbf16, #tpu.memory_space<vmem_shared>>) target(%arg9 : memref<128x128xbf16, #tpu.memory_space<vmem>>) offsets(%dma_start3A_139 : memref<128xi32, #tpu.memory_space<vmem>>) semaphore(%arg13 : memref<!tpu.dma_semaphore, #tpu.memory_space<semaphore_mem>>)
      "tpu.region"() ({
        %run_scoped3A_157 = tpu.sem_alloc : memref<!tpu.dma_semaphore, #tpu.memory_space<semaphore_mem>>
        %dma_start3A_158 = arith.constant 0 : i32
        %dma_start3A_159 = tpu.memref_slice %arg7[%mul3A_128, %dma_start3A_158] : memref<81x128xi32, #tpu.memory_space<vmem>> -> memref<1x128xi32, #tpu.memory_space<vmem>>
        %dma_start3A_160 = tpu.memref_squeeze %dma_start3A_159 : memref<1x128xi32, #tpu.memory_space<vmem>> -> memref<128xi32, #tpu.memory_space<vmem>>
        %dma_start3A_161 = arith.constant 0 : i32
        %dma_start3A_162 = arith.constant 0 : i32
        %dma_start3A_163 = tpu.memref_slice %arg11[%dma_start3A_161, %dma_start3A_162] : memref<10240x128xbf16, #tpu.memory_space<vmem_shared>> -> memref<10240x128xbf16, #tpu.memory_space<vmem_shared>>
        tpu.enqueue_indirect_dma source(%arg8 : memref<128x128xbf16, #tpu.memory_space<vmem>>) target(%dma_start3A_163 : memref<10240x128xbf16, #tpu.memory_space<vmem_shared>>) offsets(%dma_start3A_160 : memref<128xi32, #tpu.memory_space<vmem>>) semaphore(%run_scoped3A_157 : memref<!tpu.dma_semaphore, #tpu.memory_space<semaphore_mem>>) {add = true}
        %dma_wait3A_164 = arith.constant 0 : i32
        %dma_wait3A_165 = tpu.memref_slice %arg7[%mul3A_128, %dma_wait3A_164] : memref<81x128xi32, #tpu.memory_space<vmem>> -> memref<1x128xi32, #tpu.memory_space<vmem>>
        %dma_wait3A_166 = tpu.memref_squeeze %dma_wait3A_165 : memref<1x128xi32, #tpu.memory_space<vmem>> -> memref<128xi32, #tpu.memory_space<vmem>>
        %dma_wait3A_167 = arith.constant 0 : i32
        %dma_wait3A_168 = arith.constant 0 : i32
        %dma_wait3A_169 = tpu.memref_slice %arg11[%dma_wait3A_167, %dma_wait3A_168] : memref<10240x128xbf16, #tpu.memory_space<vmem_shared>> -> memref<10240x128xbf16, #tpu.memory_space<vmem_shared>>
        tpu.wait_indirect_dma semaphore(%run_scoped3A_157 : memref<!tpu.dma_semaphore, #tpu.memory_space<semaphore_mem>>) src(%arg8 : memref<128x128xbf16, #tpu.memory_space<vmem>>) dst(%dma_wait3A_169 : memref<10240x128xbf16, #tpu.memory_space<vmem_shared>>)
        tpu.yield
      }) : () -> ()
      %add3A_143 = arith.constant 1 : i32
      %add3A_144 = arith.addi %mul3A_128, %add3A_143 : i32
      %dma_wait3A_145 = arith.constant 0 : i32
      %dma_wait3A_146 = tpu.memref_slice %arg6[%add3A_144, %dma_wait3A_145] : memref<81x128xi32, #tpu.memory_space<vmem>> -> memref<1x128xi32, #tpu.memory_space<vmem>>
      %dma_wait3A_147 = tpu.memref_squeeze %dma_wait3A_146 : memref<1x128xi32, #tpu.memory_space<vmem>> -> memref<128xi32, #tpu.memory_space<vmem>>
      %dma_wait3A_148 = arith.constant 0 : i32
      %dma_wait3A_149 = arith.constant 0 : i32
      %dma_wait3A_150 = tpu.memref_slice %arg10[%dma_wait3A_148, %dma_wait3A_149] : memref<10240x128xbf16, #tpu.memory_space<vmem_shared>> -> memref<10240x128xbf16, #tpu.memory_space<vmem_shared>>
      tpu.wait_indirect_dma semaphore(%arg13 : memref<!tpu.dma_semaphore, #tpu.memory_space<semaphore_mem>>) src(%dma_wait3A_150 : memref<10240x128xbf16, #tpu.memory_space<vmem_shared>>) dst(%arg9 : memref<128x128xbf16, #tpu.memory_space<vmem>>)
      %add3A_151 = arith.constant 2 : i32
      %add3A_152 = arith.addi %mul3A_128, %add3A_151 : i32
      %lt3A = arith.constant 81 : i32
      %lt3A_153 = arith.cmpi slt, %add3A_152, %lt3A : i32
      %convert_element_type3A = arith.extui %lt3A_153 : i1 to i32
      %cond3A = arith.constant 0 : i32
      %cond3A_154 = arith.cmpi ne, %convert_element_type3A, %cond3A : i32
      scf.if %cond3A_154 {
        %add3A_157 = arith.constant 2 : i32
        %add3A_158 = arith.addi %mul3A_128, %add3A_157 : i32
        %dma_start3A_159 = arith.constant 0 : i32
        %dma_start3A_160 = tpu.memref_slice %arg6[%add3A_158, %dma_start3A_159] : memref<81x128xi32, #tpu.memory_space<vmem>> -> memref<1x128xi32, #tpu.memory_space<vmem>>
        %dma_start3A_161 = tpu.memref_squeeze %dma_start3A_160 : memref<1x128xi32, #tpu.memory_space<vmem>> -> memref<128xi32, #tpu.memory_space<vmem>>
        %dma_start3A_162 = arith.constant 0 : i32
        %dma_start3A_163 = arith.constant 0 : i32
        %dma_start3A_164 = tpu.memref_slice %arg10[%dma_start3A_162, %dma_start3A_163] : memref<10240x128xbf16, #tpu.memory_space<vmem_shared>> -> memref<10240x128xbf16, #tpu.memory_space<vmem_shared>>
        tpu.enqueue_indirect_dma source(%dma_start3A_164 : memref<10240x128xbf16, #tpu.memory_space<vmem_shared>>) target(%arg8 : memref<128x128xbf16, #tpu.memory_space<vmem>>) offsets(%dma_start3A_161 : memref<128xi32, #tpu.memory_space<vmem>>) semaphore(%arg12 : memref<!tpu.dma_semaphore, #tpu.memory_space<semaphore_mem>>)
      } else {
      }
      %add3A_155 = arith.constant 1 : i32
      %add3A_156 = arith.addi %mul3A_128, %add3A_155 : i32
      "tpu.region"() ({
        %run_scoped3A_157 = tpu.sem_alloc : memref<!tpu.dma_semaphore, #tpu.memory_space<semaphore_mem>>
        %dma_start3A_158 = arith.constant 0 : i32
        %dma_start3A_159 = tpu.memref_slice %arg7[%add3A_156, %dma_start3A_158] : memref<81x128xi32, #tpu.memory_space<vmem>> -> memref<1x128xi32, #tpu.memory_space<vmem>>
        %dma_start3A_160 = tpu.memref_squeeze %dma_start3A_159 : memref<1x128xi32, #tpu.memory_space<vmem>> -> memref<128xi32, #tpu.memory_space<vmem>>
        %dma_start3A_161 = arith.constant 0 : i32
        %dma_start3A_162 = arith.constant 0 : i32
        %dma_start3A_163 = tpu.memref_slice %arg11[%dma_start3A_161, %dma_start3A_162] : memref<10240x128xbf16, #tpu.memory_space<vmem_shared>> -> memref<10240x128xbf16, #tpu.memory_space<vmem_shared>>
        tpu.enqueue_indirect_dma source(%arg9 : memref<128x128xbf16, #tpu.memory_space<vmem>>) target(%dma_start3A_163 : memref<10240x128xbf16, #tpu.memory_space<vmem_shared>>) offsets(%dma_start3A_160 : memref<128xi32, #tpu.memory_space<vmem>>) semaphore(%run_scoped3A_157 : memref<!tpu.dma_semaphore, #tpu.memory_space<semaphore_mem>>) {add = true}
        %dma_wait3A_164 = arith.constant 0 : i32
        %dma_wait3A_165 = tpu.memref_slice %arg7[%add3A_156, %dma_wait3A_164] : memref<81x128xi32, #tpu.memory_space<vmem>> -> memref<1x128xi32, #tpu.memory_space<vmem>>
        %dma_wait3A_166 = tpu.memref_squeeze %dma_wait3A_165 : memref<1x128xi32, #tpu.memory_space<vmem>> -> memref<128xi32, #tpu.memory_space<vmem>>
        %dma_wait3A_167 = arith.constant 0 : i32
        %dma_wait3A_168 = arith.constant 0 : i32
        %dma_wait3A_169 = tpu.memref_slice %arg11[%dma_wait3A_167, %dma_wait3A_168] : memref<10240x128xbf16, #tpu.memory_space<vmem_shared>> -> memref<10240x128xbf16, #tpu.memory_space<vmem_shared>>
        tpu.wait_indirect_dma semaphore(%run_scoped3A_157 : memref<!tpu.dma_semaphore, #tpu.memory_space<semaphore_mem>>) src(%arg9 : memref<128x128xbf16, #tpu.memory_space<vmem>>) dst(%dma_wait3A_169 : memref<10240x128xbf16, #tpu.memory_space<vmem_shared>>)
        tpu.yield
      }) : () -> ()
    }
    %scan3A_78 = arith.constant 40 : i32
    %dma_wait3A = arith.constant 80 : i32
    %dma_wait3A_79 = arith.constant 0 : i32
    %dma_wait3A_80 = tpu.memref_slice %arg6[%dma_wait3A, %dma_wait3A_79] : memref<81x128xi32, #tpu.memory_space<vmem>> -> memref<1x128xi32, #tpu.memory_space<vmem>>
    %dma_wait3A_81 = tpu.memref_squeeze %dma_wait3A_80 : memref<1x128xi32, #tpu.memory_space<vmem>> -> memref<128xi32, #tpu.memory_space<vmem>>
    %dma_wait3A_82 = arith.constant 0 : i32
    %dma_wait3A_83 = arith.constant 0 : i32
    %dma_wait3A_84 = tpu.memref_slice %arg10[%dma_wait3A_82, %dma_wait3A_83] : memref<10240x128xbf16, #tpu.memory_space<vmem_shared>> -> memref<10240x128xbf16, #tpu.memory_space<vmem_shared>>
    tpu.wait_indirect_dma semaphore(%arg12 : memref<!tpu.dma_semaphore, #tpu.memory_space<semaphore_mem>>) src(%dma_wait3A_84 : memref<10240x128xbf16, #tpu.memory_space<vmem_shared>>) dst(%arg8 : memref<128x128xbf16, #tpu.memory_space<vmem>>)
    %run_scoped3A = arith.constant 80 : i32
    "tpu.region"() ({
      %run_scoped3A_126 = tpu.sem_alloc : memref<!tpu.dma_semaphore, #tpu.memory_space<semaphore_mem>>
      %dma_start3A_127 = arith.constant 0 : i32
      %dma_start3A_128 = tpu.memref_slice %arg7[%run_scoped3A, %dma_start3A_127] : memref<81x128xi32, #tpu.memory_space<vmem>> -> memref<1x128xi32, #tpu.memory_space<vmem>>
      %dma_start3A_129 = tpu.memref_squeeze %dma_start3A_128 : memref<1x128xi32, #tpu.memory_space<vmem>> -> memref<128xi32, #tpu.memory_space<vmem>>
      %dma_start3A_130 = arith.constant 0 : i32
      %dma_start3A_131 = arith.constant 0 : i32
      %dma_start3A_132 = tpu.memref_slice %arg11[%dma_start3A_130, %dma_start3A_131] : memref<10240x128xbf16, #tpu.memory_space<vmem_shared>> -> memref<10240x128xbf16, #tpu.memory_space<vmem_shared>>
      tpu.enqueue_indirect_dma source(%arg8 : memref<128x128xbf16, #tpu.memory_space<vmem>>) target(%dma_start3A_132 : memref<10240x128xbf16, #tpu.memory_space<vmem_shared>>) offsets(%dma_start3A_129 : memref<128xi32, #tpu.memory_space<vmem>>) semaphore(%run_scoped3A_126 : memref<!tpu.dma_semaphore, #tpu.memory_space<semaphore_mem>>) {add = true}
      %dma_wait3A_133 = arith.constant 0 : i32
      %dma_wait3A_134 = tpu.memref_slice %arg7[%run_scoped3A, %dma_wait3A_133] : memref<81x128xi32, #tpu.memory_space<vmem>> -> memref<1x128xi32, #tpu.memory_space<vmem>>
      %dma_wait3A_135 = tpu.memref_squeeze %dma_wait3A_134 : memref<1x128xi32, #tpu.memory_space<vmem>> -> memref<128xi32, #tpu.memory_space<vmem>>
      %dma_wait3A_136 = arith.constant 0 : i32
      %dma_wait3A_137 = arith.constant 0 : i32
      %dma_wait3A_138 = tpu.memref_slice %arg11[%dma_wait3A_136, %dma_wait3A_137] : memref<10240x128xbf16, #tpu.memory_space<vmem_shared>> -> memref<10240x128xbf16, #tpu.memory_space<vmem_shared>>
      tpu.wait_indirect_dma semaphore(%run_scoped3A_126 : memref<!tpu.dma_semaphore, #tpu.memory_space<semaphore_mem>>) src(%arg8 : memref<128x128xbf16, #tpu.memory_space<vmem>>) dst(%dma_wait3A_138 : memref<10240x128xbf16, #tpu.memory_space<vmem_shared>>)
      tpu.yield
    }) : () -> ()
    %barrier3A_85 = arith.constant 0 : index
    tpu.barrier barrier_id(%barrier3A_85)
    %mul3A_86 = arith.constant 640 : i32
    %mul3A_87 = arith.muli %arg1, %mul3A_86 : i32
    %add3A_88 = arith.constant 0 : i32
    %add3A_89 = arith.addi %mul3A_87, %add3A_88 : i32
    "tpu.region"() ({
      %run_scoped3A_126 = tpu.sem_alloc : memref<!tpu.dma_semaphore, #tpu.memory_space<semaphore_mem>>
      %dma_start3A_127 = arith.constant 0 : i32
      %dma_start3A_128 = tpu.memref_slice %arg11[%add3A_89, %dma_start3A_127] : memref<10240x128xbf16, #tpu.memory_space<vmem_shared>> -> memref<128x128xbf16, #tpu.memory_space<vmem_shared>>
      %dma_start3A_129 = arith.constant 0 : i32
      %dma_start3A_130 = tpu.memref_slice %arg11[%add3A_89, %dma_start3A_129] : memref<10240x128xbf16, #tpu.memory_space<vmem_shared>> -> memref<128x128xbf16, #tpu.memory_space<vmem_shared>>
      tpu.enqueue_dma source(%dma_start3A_130 : memref<128x128xbf16, #tpu.memory_space<vmem_shared>>) target(%arg8 : memref<128x128xbf16, #tpu.memory_space<vmem>>) target_semaphore(%run_scoped3A_126 : memref<!tpu.dma_semaphore, #tpu.memory_space<semaphore_mem>>)
      %dma_wait3A_131 = arith.constant 0 : i32
      %dma_wait3A_132 = tpu.memref_slice %arg11[%add3A_89, %dma_wait3A_131] : memref<10240x128xbf16, #tpu.memory_space<vmem_shared>> -> memref<128x128xbf16, #tpu.memory_space<vmem_shared>>
      %dma_wait3A_133 = arith.constant 0 : i32
      %dma_wait3A_134 = tpu.memref_slice %arg11[%add3A_89, %dma_wait3A_133] : memref<10240x128xbf16, #tpu.memory_space<vmem_shared>> -> memref<128x128xbf16, #tpu.memory_space<vmem_shared>>
      tpu.wait_dma2 semaphore(%run_scoped3A_126 : memref<!tpu.dma_semaphore, #tpu.memory_space<semaphore_mem>>) src(%dma_wait3A_134 : memref<128x128xbf16, #tpu.memory_space<vmem_shared>>) dst(%arg8 : memref<128x128xbf16, #tpu.memory_space<vmem>>)
      tpu.yield
    }) : () -> ()
    %mul3A_90 = arith.constant 640 : i32
    %mul3A_91 = arith.muli %arg1, %mul3A_90 : i32
    %add3A_92 = arith.constant 0 : i32
    %add3A_93 = arith.addi %mul3A_91, %add3A_92 : i32
    "tpu.region"() ({
      %run_scoped3A_126 = tpu.sem_alloc : memref<!tpu.dma_semaphore, #tpu.memory_space<semaphore_mem>>
      %dma_start3A_127 = arith.constant 0 : i32
      %dma_start3A_128 = tpu.memref_slice %arg5[%arg0, %add3A_93, %dma_start3A_127] : memref<2x10240x128xbf16, #tpu.memory_space<hbm>> -> memref<1x128x128xbf16, #tpu.memory_space<hbm>>
      %dma_start3A_129 = tpu.memref_squeeze %dma_start3A_128 : memref<1x128x128xbf16, #tpu.memory_space<hbm>> -> memref<128x128xbf16, #tpu.memory_space<hbm>>
      %dma_start3A_130 = arith.constant 0 : i32
      %dma_start3A_131 = tpu.memref_slice %arg5[%arg0, %add3A_93, %dma_start3A_130] : memref<2x10240x128xbf16, #tpu.memory_space<hbm>> -> memref<1x128x128xbf16, #tpu.memory_space<hbm>>
      %dma_start3A_132 = tpu.memref_squeeze %dma_start3A_131 : memref<1x128x128xbf16, #tpu.memory_space<hbm>> -> memref<128x128xbf16, #tpu.memory_space<hbm>>
      tpu.enqueue_dma source(%arg8 : memref<128x128xbf16, #tpu.memory_space<vmem>>) target(%dma_start3A_132 : memref<128x128xbf16, #tpu.memory_space<hbm>>) target_semaphore(%run_scoped3A_126 : memref<!tpu.dma_semaphore, #tpu.memory_space<semaphore_mem>>)
      %dma_wait3A_133 = arith.constant 0 : i32
      %dma_wait3A_134 = tpu.memref_slice %arg5[%arg0, %add3A_93, %dma_wait3A_133] : memref<2x10240x128xbf16, #tpu.memory_space<hbm>> -> memref<1x128x128xbf16, #tpu.memory_space<hbm>>
      %dma_wait3A_135 = tpu.memref_squeeze %dma_wait3A_134 : memref<1x128x128xbf16, #tpu.memory_space<hbm>> -> memref<128x128xbf16, #tpu.memory_space<hbm>>
      %dma_wait3A_136 = arith.constant 0 : i32
      %dma_wait3A_137 = tpu.memref_slice %arg5[%arg0, %add3A_93, %dma_wait3A_136] : memref<2x10240x128xbf16, #tpu.memory_space<hbm>> -> memref<1x128x128xbf16, #tpu.memory_space<hbm>>
      %dma_wait3A_138 = tpu.memref_squeeze %dma_wait3A_137 : memref<1x128x128xbf16, #tpu.memory_space<hbm>> -> memref<128x128xbf16, #tpu.memory_space<hbm>>
      tpu.wait_dma2 semaphore(%run_scoped3A_126 : memref<!tpu.dma_semaphore, #tpu.memory_space<semaphore_mem>>) src(%arg8 : memref<128x128xbf16, #tpu.memory_space<vmem>>) dst(%dma_wait3A_138 : memref<128x128xbf16, #tpu.memory_space<hbm>>)
      tpu.yield
    }) : () -> ()
    %mul3A_94 = arith.constant 640 : i32
    %mul3A_95 = arith.muli %arg1, %mul3A_94 : i32
    %add3A_96 = arith.constant 128 : i32
    %add3A_97 = arith.addi %mul3A_95, %add3A_96 : i32
    "tpu.region"() ({
      %run_scoped3A_126 = tpu.sem_alloc : memref<!tpu.dma_semaphore, #tpu.memory_space<semaphore_mem>>
      %dma_start3A_127 = arith.constant 0 : i32
      %dma_start3A_128 = tpu.memref_slice %arg11[%add3A_97, %dma_start3A_127] : memref<10240x128xbf16, #tpu.memory_space<vmem_shared>> -> memref<128x128xbf16, #tpu.memory_space<vmem_shared>>
      %dma_start3A_129 = arith.constant 0 : i32
      %dma_start3A_130 = tpu.memref_slice %arg11[%add3A_97, %dma_start3A_129] : memref<10240x128xbf16, #tpu.memory_space<vmem_shared>> -> memref<128x128xbf16, #tpu.memory_space<vmem_shared>>
      tpu.enqueue_dma source(%dma_start3A_130 : memref<128x128xbf16, #tpu.memory_space<vmem_shared>>) target(%arg8 : memref<128x128xbf16, #tpu.memory_space<vmem>>) target_semaphore(%run_scoped3A_126 : memref<!tpu.dma_semaphore, #tpu.memory_space<semaphore_mem>>)
      %dma_wait3A_131 = arith.constant 0 : i32
      %dma_wait3A_132 = tpu.memref_slice %arg11[%add3A_97, %dma_wait3A_131] : memref<10240x128xbf16, #tpu.memory_space<vmem_shared>> -> memref<128x128xbf16, #tpu.memory_space<vmem_shared>>
      %dma_wait3A_133 = arith.constant 0 : i32
      %dma_wait3A_134 = tpu.memref_slice %arg11[%add3A_97, %dma_wait3A_133] : memref<10240x128xbf16, #tpu.memory_space<vmem_shared>> -> memref<128x128xbf16, #tpu.memory_space<vmem_shared>>
      tpu.wait_dma2 semaphore(%run_scoped3A_126 : memref<!tpu.dma_semaphore, #tpu.memory_space<semaphore_mem>>) src(%dma_wait3A_134 : memref<128x128xbf16, #tpu.memory_space<vmem_shared>>) dst(%arg8 : memref<128x128xbf16, #tpu.memory_space<vmem>>)
      tpu.yield
    }) : () -> ()
    %mul3A_98 = arith.constant 640 : i32
    %mul3A_99 = arith.muli %arg1, %mul3A_98 : i32
    %add3A_100 = arith.constant 128 : i32
    %add3A_101 = arith.addi %mul3A_99, %add3A_100 : i32
    "tpu.region"() ({
      %run_scoped3A_126 = tpu.sem_alloc : memref<!tpu.dma_semaphore, #tpu.memory_space<semaphore_mem>>
      %dma_start3A_127 = arith.constant 0 : i32
      %dma_start3A_128 = tpu.memref_slice %arg5[%arg0, %add3A_101, %dma_start3A_127] : memref<2x10240x128xbf16, #tpu.memory_space<hbm>> -> memref<1x128x128xbf16, #tpu.memory_space<hbm>>
      %dma_start3A_129 = tpu.memref_squeeze %dma_start3A_128 : memref<1x128x128xbf16, #tpu.memory_space<hbm>> -> memref<128x128xbf16, #tpu.memory_space<hbm>>
      %dma_start3A_130 = arith.constant 0 : i32
      %dma_start3A_131 = tpu.memref_slice %arg5[%arg0, %add3A_101, %dma_start3A_130] : memref<2x10240x128xbf16, #tpu.memory_space<hbm>> -> memref<1x128x128xbf16, #tpu.memory_space<hbm>>
      %dma_start3A_132 = tpu.memref_squeeze %dma_start3A_131 : memref<1x128x128xbf16, #tpu.memory_space<hbm>> -> memref<128x128xbf16, #tpu.memory_space<hbm>>
      tpu.enqueue_dma source(%arg8 : memref<128x128xbf16, #tpu.memory_space<vmem>>) target(%dma_start3A_132 : memref<128x128xbf16, #tpu.memory_space<hbm>>) target_semaphore(%run_scoped3A_126 : memref<!tpu.dma_semaphore, #tpu.memory_space<semaphore_mem>>)
      %dma_wait3A_133 = arith.constant 0 : i32
      %dma_wait3A_134 = tpu.memref_slice %arg5[%arg0, %add3A_101, %dma_wait3A_133] : memref<2x10240x128xbf16, #tpu.memory_space<hbm>> -> memref<1x128x128xbf16, #tpu.memory_space<hbm>>
      %dma_wait3A_135 = tpu.memref_squeeze %dma_wait3A_134 : memref<1x128x128xbf16, #tpu.memory_space<hbm>> -> memref<128x128xbf16, #tpu.memory_space<hbm>>
      %dma_wait3A_136 = arith.constant 0 : i32
      %dma_wait3A_137 = tpu.memref_slice %arg5[%arg0, %add3A_101, %dma_wait3A_136] : memref<2x10240x128xbf16, #tpu.memory_space<hbm>> -> memref<1x128x128xbf16, #tpu.memory_space<hbm>>
      %dma_wait3A_138 = tpu.memref_squeeze %dma_wait3A_137 : memref<1x128x128xbf16, #tpu.memory_space<hbm>> -> memref<128x128xbf16, #tpu.memory_space<hbm>>
      tpu.wait_dma2 semaphore(%run_scoped3A_126 : memref<!tpu.dma_semaphore, #tpu.memory_space<semaphore_mem>>) src(%arg8 : memref<128x128xbf16, #tpu.memory_space<vmem>>) dst(%dma_wait3A_138 : memref<128x128xbf16, #tpu.memory_space<hbm>>)
      tpu.yield
    }) : () -> ()
    %mul3A_102 = arith.constant 640 : i32
    %mul3A_103 = arith.muli %arg1, %mul3A_102 : i32
    %add3A_104 = arith.constant 256 : i32
    %add3A_105 = arith.addi %mul3A_103, %add3A_104 : i32
    "tpu.region"() ({
      %run_scoped3A_126 = tpu.sem_alloc : memref<!tpu.dma_semaphore, #tpu.memory_space<semaphore_mem>>
      %dma_start3A_127 = arith.constant 0 : i32
      %dma_start3A_128 = tpu.memref_slice %arg11[%add3A_105, %dma_start3A_127] : memref<10240x128xbf16, #tpu.memory_space<vmem_shared>> -> memref<128x128xbf16, #tpu.memory_space<vmem_shared>>
      %dma_start3A_129 = arith.constant 0 : i32
      %dma_start3A_130 = tpu.memref_slice %arg11[%add3A_105, %dma_start3A_129] : memref<10240x128xbf16, #tpu.memory_space<vmem_shared>> -> memref<128x128xbf16, #tpu.memory_space<vmem_shared>>
      tpu.enqueue_dma source(%dma_start3A_130 : memref<128x128xbf16, #tpu.memory_space<vmem_shared>>) target(%arg8 : memref<128x128xbf16, #tpu.memory_space<vmem>>) target_semaphore(%run_scoped3A_126 : memref<!tpu.dma_semaphore, #tpu.memory_space<semaphore_mem>>)
      %dma_wait3A_131 = arith.constant 0 : i32
      %dma_wait3A_132 = tpu.memref_slice %arg11[%add3A_105, %dma_wait3A_131] : memref<10240x128xbf16, #tpu.memory_space<vmem_shared>> -> memref<128x128xbf16, #tpu.memory_space<vmem_shared>>
      %dma_wait3A_133 = arith.constant 0 : i32
      %dma_wait3A_134 = tpu.memref_slice %arg11[%add3A_105, %dma_wait3A_133] : memref<10240x128xbf16, #tpu.memory_space<vmem_shared>> -> memref<128x128xbf16, #tpu.memory_space<vmem_shared>>
      tpu.wait_dma2 semaphore(%run_scoped3A_126 : memref<!tpu.dma_semaphore, #tpu.memory_space<semaphore_mem>>) src(%dma_wait3A_134 : memref<128x128xbf16, #tpu.memory_space<vmem_shared>>) dst(%arg8 : memref<128x128xbf16, #tpu.memory_space<vmem>>)
      tpu.yield
    }) : () -> ()
    %mul3A_106 = arith.constant 640 : i32
    %mul3A_107 = arith.muli %arg1, %mul3A_106 : i32
    %add3A_108 = arith.constant 256 : i32
    %add3A_109 = arith.addi %mul3A_107, %add3A_108 : i32
    "tpu.region"() ({
      %run_scoped3A_126 = tpu.sem_alloc : memref<!tpu.dma_semaphore, #tpu.memory_space<semaphore_mem>>
      %dma_start3A_127 = arith.constant 0 : i32
      %dma_start3A_128 = tpu.memref_slice %arg5[%arg0, %add3A_109, %dma_start3A_127] : memref<2x10240x128xbf16, #tpu.memory_space<hbm>> -> memref<1x128x128xbf16, #tpu.memory_space<hbm>>
      %dma_start3A_129 = tpu.memref_squeeze %dma_start3A_128 : memref<1x128x128xbf16, #tpu.memory_space<hbm>> -> memref<128x128xbf16, #tpu.memory_space<hbm>>
      %dma_start3A_130 = arith.constant 0 : i32
      %dma_start3A_131 = tpu.memref_slice %arg5[%arg0, %add3A_109, %dma_start3A_130] : memref<2x10240x128xbf16, #tpu.memory_space<hbm>> -> memref<1x128x128xbf16, #tpu.memory_space<hbm>>
      %dma_start3A_132 = tpu.memref_squeeze %dma_start3A_131 : memref<1x128x128xbf16, #tpu.memory_space<hbm>> -> memref<128x128xbf16, #tpu.memory_space<hbm>>
      tpu.enqueue_dma source(%arg8 : memref<128x128xbf16, #tpu.memory_space<vmem>>) target(%dma_start3A_132 : memref<128x128xbf16, #tpu.memory_space<hbm>>) target_semaphore(%run_scoped3A_126 : memref<!tpu.dma_semaphore, #tpu.memory_space<semaphore_mem>>)
      %dma_wait3A_133 = arith.constant 0 : i32
      %dma_wait3A_134 = tpu.memref_slice %arg5[%arg0, %add3A_109, %dma_wait3A_133] : memref<2x10240x128xbf16, #tpu.memory_space<hbm>> -> memref<1x128x128xbf16, #tpu.memory_space<hbm>>
      %dma_wait3A_135 = tpu.memref_squeeze %dma_wait3A_134 : memref<1x128x128xbf16, #tpu.memory_space<hbm>> -> memref<128x128xbf16, #tpu.memory_space<hbm>>
      %dma_wait3A_136 = arith.constant 0 : i32
      %dma_wait3A_137 = tpu.memref_slice %arg5[%arg0, %add3A_109, %dma_wait3A_136] : memref<2x10240x128xbf16, #tpu.memory_space<hbm>> -> memref<1x128x128xbf16, #tpu.memory_space<hbm>>
      %dma_wait3A_138 = tpu.memref_squeeze %dma_wait3A_137 : memref<1x128x128xbf16, #tpu.memory_space<hbm>> -> memref<128x128xbf16, #tpu.memory_space<hbm>>
      tpu.wait_dma2 semaphore(%run_scoped3A_126 : memref<!tpu.dma_semaphore, #tpu.memory_space<semaphore_mem>>) src(%arg8 : memref<128x128xbf16, #tpu.memory_space<vmem>>) dst(%dma_wait3A_138 : memref<128x128xbf16, #tpu.memory_space<hbm>>)
      tpu.yield
    }) : () -> ()
    %mul3A_110 = arith.constant 640 : i32
    %mul3A_111 = arith.muli %arg1, %mul3A_110 : i32
    %add3A_112 = arith.constant 384 : i32
    %add3A_113 = arith.addi %mul3A_111, %add3A_112 : i32
    "tpu.region"() ({
      %run_scoped3A_126 = tpu.sem_alloc : memref<!tpu.dma_semaphore, #tpu.memory_space<semaphore_mem>>
      %dma_start3A_127 = arith.constant 0 : i32
      %dma_start3A_128 = tpu.memref_slice %arg11[%add3A_113, %dma_start3A_127] : memref<10240x128xbf16, #tpu.memory_space<vmem_shared>> -> memref<128x128xbf16, #tpu.memory_space<vmem_shared>>
      %dma_start3A_129 = arith.constant 0 : i32
      %dma_start3A_130 = tpu.memref_slice %arg11[%add3A_113, %dma_start3A_129] : memref<10240x128xbf16, #tpu.memory_space<vmem_shared>> -> memref<128x128xbf16, #tpu.memory_space<vmem_shared>>
      tpu.enqueue_dma source(%dma_start3A_130 : memref<128x128xbf16, #tpu.memory_space<vmem_shared>>) target(%arg8 : memref<128x128xbf16, #tpu.memory_space<vmem>>) target_semaphore(%run_scoped3A_126 : memref<!tpu.dma_semaphore, #tpu.memory_space<semaphore_mem>>)
      %dma_wait3A_131 = arith.constant 0 : i32
      %dma_wait3A_132 = tpu.memref_slice %arg11[%add3A_113, %dma_wait3A_131] : memref<10240x128xbf16, #tpu.memory_space<vmem_shared>> -> memref<128x128xbf16, #tpu.memory_space<vmem_shared>>
      %dma_wait3A_133 = arith.constant 0 : i32
      %dma_wait3A_134 = tpu.memref_slice %arg11[%add3A_113, %dma_wait3A_133] : memref<10240x128xbf16, #tpu.memory_space<vmem_shared>> -> memref<128x128xbf16, #tpu.memory_space<vmem_shared>>
      tpu.wait_dma2 semaphore(%run_scoped3A_126 : memref<!tpu.dma_semaphore, #tpu.memory_space<semaphore_mem>>) src(%dma_wait3A_134 : memref<128x128xbf16, #tpu.memory_space<vmem_shared>>) dst(%arg8 : memref<128x128xbf16, #tpu.memory_space<vmem>>)
      tpu.yield
    }) : () -> ()
    %mul3A_114 = arith.constant 640 : i32
    %mul3A_115 = arith.muli %arg1, %mul3A_114 : i32
    %add3A_116 = arith.constant 384 : i32
    %add3A_117 = arith.addi %mul3A_115, %add3A_116 : i32
    "tpu.region"() ({
      %run_scoped3A_126 = tpu.sem_alloc : memref<!tpu.dma_semaphore, #tpu.memory_space<semaphore_mem>>
      %dma_start3A_127 = arith.constant 0 : i32
      %dma_start3A_128 = tpu.memref_slice %arg5[%arg0, %add3A_117, %dma_start3A_127] : memref<2x10240x128xbf16, #tpu.memory_space<hbm>> -> memref<1x128x128xbf16, #tpu.memory_space<hbm>>
      %dma_start3A_129 = tpu.memref_squeeze %dma_start3A_128 : memref<1x128x128xbf16, #tpu.memory_space<hbm>> -> memref<128x128xbf16, #tpu.memory_space<hbm>>
      %dma_start3A_130 = arith.constant 0 : i32
      %dma_start3A_131 = tpu.memref_slice %arg5[%arg0, %add3A_117, %dma_start3A_130] : memref<2x10240x128xbf16, #tpu.memory_space<hbm>> -> memref<1x128x128xbf16, #tpu.memory_space<hbm>>
      %dma_start3A_132 = tpu.memref_squeeze %dma_start3A_131 : memref<1x128x128xbf16, #tpu.memory_space<hbm>> -> memref<128x128xbf16, #tpu.memory_space<hbm>>
      tpu.enqueue_dma source(%arg8 : memref<128x128xbf16, #tpu.memory_space<vmem>>) target(%dma_start3A_132 : memref<128x128xbf16, #tpu.memory_space<hbm>>) target_semaphore(%run_scoped3A_126 : memref<!tpu.dma_semaphore, #tpu.memory_space<semaphore_mem>>)
      %dma_wait3A_133 = arith.constant 0 : i32
      %dma_wait3A_134 = tpu.memref_slice %arg5[%arg0, %add3A_117, %dma_wait3A_133] : memref<2x10240x128xbf16, #tpu.memory_space<hbm>> -> memref<1x128x128xbf16, #tpu.memory_space<hbm>>
      %dma_wait3A_135 = tpu.memref_squeeze %dma_wait3A_134 : memref<1x128x128xbf16, #tpu.memory_space<hbm>> -> memref<128x128xbf16, #tpu.memory_space<hbm>>
      %dma_wait3A_136 = arith.constant 0 : i32
      %dma_wait3A_137 = tpu.memref_slice %arg5[%arg0, %add3A_117, %dma_wait3A_136] : memref<2x10240x128xbf16, #tpu.memory_space<hbm>> -> memref<1x128x128xbf16, #tpu.memory_space<hbm>>
      %dma_wait3A_138 = tpu.memref_squeeze %dma_wait3A_137 : memref<1x128x128xbf16, #tpu.memory_space<hbm>> -> memref<128x128xbf16, #tpu.memory_space<hbm>>
      tpu.wait_dma2 semaphore(%run_scoped3A_126 : memref<!tpu.dma_semaphore, #tpu.memory_space<semaphore_mem>>) src(%arg8 : memref<128x128xbf16, #tpu.memory_space<vmem>>) dst(%dma_wait3A_138 : memref<128x128xbf16, #tpu.memory_space<hbm>>)
      tpu.yield
    }) : () -> ()
    %mul3A_118 = arith.constant 640 : i32
    %mul3A_119 = arith.muli %arg1, %mul3A_118 : i32
    %add3A_120 = arith.constant 512 : i32
    %add3A_121 = arith.addi %mul3A_119, %add3A_120 : i32
    "tpu.region"() ({
      %run_scoped3A_126 = tpu.sem_alloc : memref<!tpu.dma_semaphore, #tpu.memory_space<semaphore_mem>>
      %dma_start3A_127 = arith.constant 0 : i32
      %dma_start3A_128 = tpu.memref_slice %arg11[%add3A_121, %dma_start3A_127] : memref<10240x128xbf16, #tpu.memory_space<vmem_shared>> -> memref<128x128xbf16, #tpu.memory_space<vmem_shared>>
      %dma_start3A_129 = arith.constant 0 : i32
      %dma_start3A_130 = tpu.memref_slice %arg11[%add3A_121, %dma_start3A_129] : memref<10240x128xbf16, #tpu.memory_space<vmem_shared>> -> memref<128x128xbf16, #tpu.memory_space<vmem_shared>>
      tpu.enqueue_dma source(%dma_start3A_130 : memref<128x128xbf16, #tpu.memory_space<vmem_shared>>) target(%arg8 : memref<128x128xbf16, #tpu.memory_space<vmem>>) target_semaphore(%run_scoped3A_126 : memref<!tpu.dma_semaphore, #tpu.memory_space<semaphore_mem>>)
      %dma_wait3A_131 = arith.constant 0 : i32
      %dma_wait3A_132 = tpu.memref_slice %arg11[%add3A_121, %dma_wait3A_131] : memref<10240x128xbf16, #tpu.memory_space<vmem_shared>> -> memref<128x128xbf16, #tpu.memory_space<vmem_shared>>
      %dma_wait3A_133 = arith.constant 0 : i32
      %dma_wait3A_134 = tpu.memref_slice %arg11[%add3A_121, %dma_wait3A_133] : memref<10240x128xbf16, #tpu.memory_space<vmem_shared>> -> memref<128x128xbf16, #tpu.memory_space<vmem_shared>>
      tpu.wait_dma2 semaphore(%run_scoped3A_126 : memref<!tpu.dma_semaphore, #tpu.memory_space<semaphore_mem>>) src(%dma_wait3A_134 : memref<128x128xbf16, #tpu.memory_space<vmem_shared>>) dst(%arg8 : memref<128x128xbf16, #tpu.memory_space<vmem>>)
      tpu.yield
    }) : () -> ()
    %mul3A_122 = arith.constant 640 : i32
    %mul3A_123 = arith.muli %arg1, %mul3A_122 : i32
    %add3A_124 = arith.constant 512 : i32
    %add3A_125 = arith.addi %mul3A_123, %add3A_124 : i32
    "tpu.region"() ({
      %run_scoped3A_126 = tpu.sem_alloc : memref<!tpu.dma_semaphore, #tpu.memory_space<semaphore_mem>>
      %dma_start3A_127 = arith.constant 0 : i32
      %dma_start3A_128 = tpu.memref_slice %arg5[%arg0, %add3A_125, %dma_start3A_127] : memref<2x10240x128xbf16, #tpu.memory_space<hbm>> -> memref<1x128x128xbf16, #tpu.memory_space<hbm>>
      %dma_start3A_129 = tpu.memref_squeeze %dma_start3A_128 : memref<1x128x128xbf16, #tpu.memory_space<hbm>> -> memref<128x128xbf16, #tpu.memory_space<hbm>>
      %dma_start3A_130 = arith.constant 0 : i32
      %dma_start3A_131 = tpu.memref_slice %arg5[%arg0, %add3A_125, %dma_start3A_130] : memref<2x10240x128xbf16, #tpu.memory_space<hbm>> -> memref<1x128x128xbf16, #tpu.memory_space<hbm>>
      %dma_start3A_132 = tpu.memref_squeeze %dma_start3A_131 : memref<1x128x128xbf16, #tpu.memory_space<hbm>> -> memref<128x128xbf16, #tpu.memory_space<hbm>>
      tpu.enqueue_dma source(%arg8 : memref<128x128xbf16, #tpu.memory_space<vmem>>) target(%dma_start3A_132 : memref<128x128xbf16, #tpu.memory_space<hbm>>) target_semaphore(%run_scoped3A_126 : memref<!tpu.dma_semaphore, #tpu.memory_space<semaphore_mem>>)
      %dma_wait3A_133 = arith.constant 0 : i32
      %dma_wait3A_134 = tpu.memref_slice %arg5[%arg0, %add3A_125, %dma_wait3A_133] : memref<2x10240x128xbf16, #tpu.memory_space<hbm>> -> memref<1x128x128xbf16, #tpu.memory_space<hbm>>
      %dma_wait3A_135 = tpu.memref_squeeze %dma_wait3A_134 : memref<1x128x128xbf16, #tpu.memory_space<hbm>> -> memref<128x128xbf16, #tpu.memory_space<hbm>>
      %dma_wait3A_136 = arith.constant 0 : i32
      %dma_wait3A_137 = tpu.memref_slice %arg5[%arg0, %add3A_125, %dma_wait3A_136] : memref<2x10240x128xbf16, #tpu.memory_space<hbm>> -> memref<1x128x128xbf16, #tpu.memory_space<hbm>>
      %dma_wait3A_138 = tpu.memref_squeeze %dma_wait3A_137 : memref<1x128x128xbf16, #tpu.memory_space<hbm>> -> memref<128x128xbf16, #tpu.memory_space<hbm>>
      tpu.wait_dma2 semaphore(%run_scoped3A_126 : memref<!tpu.dma_semaphore, #tpu.memory_space<semaphore_mem>>) src(%arg8 : memref<128x128xbf16, #tpu.memory_space<vmem>>) dst(%dma_wait3A_138 : memref<128x128xbf16, #tpu.memory_space<hbm>>)
      tpu.yield
    }) : () -> ()
    return
  }
}

module attributes {stable_mosaic.version = 14 : i64} {
  func.func @_dense1_body(%arg0: memref<10000x128xf32, #tpu.memory_space<vmem>>, %arg1: memref<128x128xf32, #tpu.memory_space<vmem>>, %arg2: memref<2x10240xf32, #tpu.memory_space<vmem>>, %arg3: memref<10000x128xbf16, #tpu.memory_space<vmem>>, %arg4: memref<10000x1xf32, #tpu.memory_space<vmem>>) attributes {dimension_semantics = [], scalar_prefetch = 0 : i64, scratch_operands = 0 : i64, tpu.core_type = #tpu.core_type<tc>} {
    %get3A = arith.constant 0 : index
    %get3A_0 = arith.constant 0 : index
    %get3A_1 = vector.load %arg2[%get3A, %get3A_0] : memref<2x10240xf32, #tpu.memory_space<vmem>>, vector<1x10000xf32>
    %get3A_2 = vector.shape_cast %get3A_1 : vector<1x10000xf32> to vector<10000xf32>
    %get3A_3 = arith.constant 1 : index
    %get3A_4 = arith.constant 0 : index
    %get3A_5 = vector.load %arg2[%get3A_3, %get3A_4] : memref<2x10240xf32, #tpu.memory_space<vmem>>, vector<1x10000xf32>
    %get3A_6 = vector.shape_cast %get3A_5 : vector<1x10000xf32> to vector<10000xf32>
    %add3A = arith.addf %get3A_2, %get3A_6 : vector<10000xf32>
    %add3A_7 = arith.constant 1.000000e+00 : f32
    %add3A_8 = vector.broadcast %add3A_7 : f32 to vector<10000xf32>
    %add3A_9 = arith.addf %add3A, %add3A_8 : vector<10000xf32>
    %rsqrt3A = math.rsqrt %add3A_9 : vector<10000xf32>
    %broadcast_in_dim3A = vector.shape_cast %rsqrt3A : vector<10000xf32> to vector<10000x1xf32>
    %get3A_10 = arith.constant 0 : index
    %get3A_11 = arith.constant 0 : index
    %get3A_12 = vector.load %arg0[%get3A_10, %get3A_11] : memref<10000x128xf32, #tpu.memory_space<vmem>>, vector<10000x128xf32>
    %get3A_13 = arith.constant 0 : index
    %get3A_14 = arith.constant 0 : index
    %get3A_15 = vector.load %arg1[%get3A_13, %get3A_14] : memref<128x128xf32, #tpu.memory_space<vmem>>, vector<128x128xf32>
    %dot_general3A = arith.constant dense<0.000000e+00> : vector<10000x128xf32>
    %dot_general3A_16 = tpu.matmul %get3A_12, %get3A_15, %dot_general3A {dimension_numbers = #tpu.dot_dimension_numbers<[1], [0], [0], [1], [0, 0, 1, 1], [], []>, transpose_lhs_hint = false} : vector<10000x128xf32>, vector<128x128xf32>, vector<10000x128xf32> -> vector<10000x128xf32>
    %mul3A = vector.broadcast %broadcast_in_dim3A : vector<10000x1xf32> to vector<10000x128xf32>
    %mul3A_17 = arith.mulf %mul3A, %dot_general3A_16 : vector<10000x128xf32>
    %convert_element_type3A = arith.truncf %mul3A_17 : vector<10000x128xf32> to vector<10000x128xbf16>
    %swap3A = arith.constant 0 : index
    %swap3A_18 = arith.constant 0 : index
    %swap3A_19 = vector.load %arg3[%swap3A, %swap3A_18] : memref<10000x128xbf16, #tpu.memory_space<vmem>>, vector<10000x128xbf16>
    tpu.vector_store %arg3[%swap3A, %swap3A_18], %convert_element_type3A {strides = array<i32>} : memref<10000x128xbf16, #tpu.memory_space<vmem>>, vector<10000x128xbf16>,
    %swap3A_20 = arith.constant 0 : index
    %swap3A_21 = arith.constant 0 : index
    %swap3A_22 = vector.load %arg4[%swap3A_20, %swap3A_21] : memref<10000x1xf32, #tpu.memory_space<vmem>>, vector<10000x1xf32>
    tpu.vector_store %arg4[%swap3A_20, %swap3A_21], %broadcast_in_dim3A {strides = array<i32>} : memref<10000x1xf32, #tpu.memory_space<vmem>>, vector<10000x1xf32>,
    return
  }
}

module attributes {stable_mosaic.version = 14 : i64} {
  func.func @_dense2_body(%arg0: memref<2x10240x128xbf16, #tpu.memory_space<vmem>>, %arg1: memref<10000x1xf32, #tpu.memory_space<vmem>>, %arg2: memref<128xf32, #tpu.memory_space<vmem>>, %arg3: memref<128x64xf32, #tpu.memory_space<vmem>>, %arg4: memref<10000x64xbf16, #tpu.memory_space<vmem>>) attributes {dimension_semantics = [], scalar_prefetch = 0 : i64, scratch_operands = 0 : i64, tpu.core_type = #tpu.core_type<tc>} {
    %get3A = arith.constant 0 : index
    %get3A_0 = arith.constant 0 : index
    %get3A_1 = arith.constant 0 : index
    %get3A_2 = vector.load %arg0[%get3A, %get3A_0, %get3A_1] : memref<2x10240x128xbf16, #tpu.memory_space<vmem>>, vector<1x10000x128xbf16>
    %get3A_3 = vector.shape_cast %get3A_2 : vector<1x10000x128xbf16> to vector<10000x128xbf16>
    %convert_element_type3A = arith.extf %get3A_3 : vector<10000x128xbf16> to vector<10000x128xf32>
    %get3A_4 = arith.constant 1 : index
    %get3A_5 = arith.constant 0 : index
    %get3A_6 = arith.constant 0 : index
    %get3A_7 = vector.load %arg0[%get3A_4, %get3A_5, %get3A_6] : memref<2x10240x128xbf16, #tpu.memory_space<vmem>>, vector<1x10000x128xbf16>
    %get3A_8 = vector.shape_cast %get3A_7 : vector<1x10000x128xbf16> to vector<10000x128xbf16>
    %convert_element_type3A_9 = arith.extf %get3A_8 : vector<10000x128xbf16> to vector<10000x128xf32>
    %add3A = arith.addf %convert_element_type3A, %convert_element_type3A_9 : vector<10000x128xf32>
    %get3A_10 = arith.constant 0 : index
    %get3A_11 = arith.constant 0 : index
    %get3A_12 = vector.load %arg1[%get3A_10, %get3A_11] : memref<10000x1xf32, #tpu.memory_space<vmem>>, vector<10000x1xf32>
    %mul3A = vector.broadcast %get3A_12 : vector<10000x1xf32> to vector<10000x128xf32>
    %mul3A_13 = arith.mulf %mul3A, %add3A : vector<10000x128xf32>
    %get3A_14 = arith.constant 0 : index
    %get3A_15 = vector.load %arg2[%get3A_14] : memref<128xf32, #tpu.memory_space<vmem>>, vector<128xf32>
    %broadcast_in_dim3A = vector.shape_cast %get3A_15 : vector<128xf32> to vector<1x128xf32>
    %add3A_16 = vector.broadcast %broadcast_in_dim3A : vector<1x128xf32> to vector<10000x128xf32>
    %add3A_17 = arith.addf %mul3A_13, %add3A_16 : vector<10000x128xf32>
    %max3A = arith.constant 0.000000e+00 : f32
    %max3A_18 = vector.broadcast %max3A : f32 to vector<10000x128xf32>
    %max3A_19 = arith.maximumf %add3A_17, %max3A_18 : vector<10000x128xf32>
    %get3A_20 = arith.constant 0 : index
    %get3A_21 = arith.constant 0 : index
    %get3A_22 = vector.load %arg3[%get3A_20, %get3A_21] : memref<128x64xf32, #tpu.memory_space<vmem>>, vector<128x64xf32>
    %dot_general3A = arith.constant dense<0.000000e+00> : vector<10000x64xf32>
    %dot_general3A_23 = tpu.matmul %max3A_19, %get3A_22, %dot_general3A {dimension_numbers = #tpu.dot_dimension_numbers<[1], [0], [0], [1], [0, 0, 1, 1], [], []>, transpose_lhs_hint = false} : vector<10000x128xf32>, vector<128x64xf32>, vector<10000x64xf32> -> vector<10000x64xf32>
    %mul3A_24 = vector.broadcast %get3A_12 : vector<10000x1xf32> to vector<10000x64xf32>
    %mul3A_25 = arith.mulf %mul3A_24, %dot_general3A_23 : vector<10000x64xf32>
    %convert_element_type3A_26 = arith.truncf %mul3A_25 : vector<10000x64xf32> to vector<10000x64xbf16>
    %swap3A = arith.constant 0 : index
    %swap3A_27 = arith.constant 0 : index
    %swap3A_28 = vector.load %arg4[%swap3A, %swap3A_27] : memref<10000x64xbf16, #tpu.memory_space<vmem>>, vector<10000x64xbf16>
    tpu.vector_store %arg4[%swap3A, %swap3A_27], %convert_element_type3A_26 {strides = array<i32>} : memref<10000x64xbf16, #tpu.memory_space<vmem>>, vector<10000x64xbf16>,
    return
  }
}

module attributes {stable_mosaic.version = 14 : i64} {
  func.func @_dense3_body(%arg0: memref<2x10240x64xbf16, #tpu.memory_space<vmem>>, %arg1: memref<10000x1xf32, #tpu.memory_space<vmem>>, %arg2: memref<64xf32, #tpu.memory_space<vmem>>, %arg3: memref<10000x64xf32, #tpu.memory_space<vmem>>) attributes {dimension_semantics = [], scalar_prefetch = 0 : i64, scratch_operands = 0 : i64, tpu.core_type = #tpu.core_type<tc>} {
    %get3A = arith.constant 0 : index
    %get3A_0 = arith.constant 0 : index
    %get3A_1 = vector.load %arg1[%get3A, %get3A_0] : memref<10000x1xf32, #tpu.memory_space<vmem>>, vector<10000x1xf32>
    %get3A_2 = arith.constant 0 : index
    %get3A_3 = arith.constant 0 : index
    %get3A_4 = arith.constant 0 : index
    %get3A_5 = vector.load %arg0[%get3A_2, %get3A_3, %get3A_4] : memref<2x10240x64xbf16, #tpu.memory_space<vmem>>, vector<1x10000x64xbf16>
    %get3A_6 = vector.shape_cast %get3A_5 : vector<1x10000x64xbf16> to vector<10000x64xbf16>
    %convert_element_type3A = arith.extf %get3A_6 : vector<10000x64xbf16> to vector<10000x64xf32>
    %get3A_7 = arith.constant 1 : index
    %get3A_8 = arith.constant 0 : index
    %get3A_9 = arith.constant 0 : index
    %get3A_10 = vector.load %arg0[%get3A_7, %get3A_8, %get3A_9] : memref<2x10240x64xbf16, #tpu.memory_space<vmem>>, vector<1x10000x64xbf16>
    %get3A_11 = vector.shape_cast %get3A_10 : vector<1x10000x64xbf16> to vector<10000x64xbf16>
    %convert_element_type3A_12 = arith.extf %get3A_11 : vector<10000x64xbf16> to vector<10000x64xf32>
    %add3A = arith.addf %convert_element_type3A, %convert_element_type3A_12 : vector<10000x64xf32>
    %mul3A = vector.broadcast %get3A_1 : vector<10000x1xf32> to vector<10000x64xf32>
    %mul3A_13 = arith.mulf %mul3A, %add3A : vector<10000x64xf32>
    %get3A_14 = arith.constant 0 : index
    %get3A_15 = vector.load %arg2[%get3A_14] : memref<64xf32, #tpu.memory_space<vmem>>, vector<64xf32>
    %broadcast_in_dim3A = vector.shape_cast %get3A_15 : vector<64xf32> to vector<1x64xf32>
    %add3A_16 = vector.broadcast %broadcast_in_dim3A : vector<1x64xf32> to vector<10000x64xf32>
    %add3A_17 = arith.addf %mul3A_13, %add3A_16 : vector<10000x64xf32>
    %reduce_max3A = arith.constant dense<0xFF800000> : vector<10000xf32>
    %reduce_max3A_18 = vector.multi_reduction <maximumf>, %add3A_17, %reduce_max3A [1] : vector<10000x64xf32> to vector<10000xf32>
    %broadcast_in_dim3A_19 = vector.shape_cast %reduce_max3A_18 : vector<10000xf32> to vector<10000x1xf32>
    %sub3A = vector.broadcast %broadcast_in_dim3A_19 : vector<10000x1xf32> to vector<10000x64xf32>
    %sub3A_20 = arith.subf %add3A_17, %sub3A : vector<10000x64xf32>
    %exp3A = math.exp %sub3A_20 : vector<10000x64xf32>
    %reduce_sum3A = arith.constant dense<0.000000e+00> : vector<10000xf32>
    %reduce_sum3A_21 = vector.multi_reduction <add>, %exp3A, %reduce_sum3A [1] : vector<10000x64xf32> to vector<10000xf32>
    %broadcast_in_dim3A_22 = vector.shape_cast %reduce_sum3A_21 : vector<10000xf32> to vector<10000x1xf32>
    %log3A = math.log %broadcast_in_dim3A_22 : vector<10000x1xf32>
    %add3A_23 = arith.addf %broadcast_in_dim3A_19, %log3A : vector<10000x1xf32>
    %sub3A_24 = vector.broadcast %add3A_23 : vector<10000x1xf32> to vector<10000x64xf32>
    %sub3A_25 = arith.subf %add3A_17, %sub3A_24 : vector<10000x64xf32>
    %swap3A = arith.constant 0 : index
    %swap3A_26 = arith.constant 0 : index
    %swap3A_27 = vector.load %arg3[%swap3A, %swap3A_26] : memref<10000x64xf32, #tpu.memory_space<vmem>>, vector<10000x64xf32>
    tpu.vector_store %arg3[%swap3A, %swap3A_26], %sub3A_25 {strides = array<i32>} : memref<10000x64xf32, #tpu.memory_space<vmem>>, vector<10000x64xf32>,
    return
  }
}

</mosaic_0001>

<sc_bundles>
// kernel: kernel.11.cloned.1.call-start
scs
__scs_entry_jumppad:
0x0: {  	(pc) =	sbr.rel $0x88, $3  }
0x1: {  	(tag) =	ssettag $0x0;
	lr =	simm.s32 $0x1  }
0x2: {  	[smem:$0x3F9B] =	sst lr;
	_ =	strace $0xD0000000  }
0x3: {  	_ = 	snop  }
0x4: {  	_ = 	snop  }
0x5: {  	_ = 	snop  }
0x6: {  	_ = 	snop  }
0x7: {  	_ = 	snop  }
__scs_overlays_trampoline_lowered:
0x8: {  	[smem:$0x3FAA] =	sst s0  }
0x9: {  	[smem:$0x3FAB] =	sst s1  }
0xa: {  	[smem:$0x3FAC] =	sst s2  }
0xb: {  	[smem:$0x3FAD] =	sst s3  }
0xc: {  	[smem:$0x3FAE] =	sst s4  }
0xd: {  	[smem:$0x3FAF] =	sst s5  }
0xe: {  	[smem:$0x3FB0] =	sst s6  }
0xf: {  	[smem:$0x3FB1] =	sst s7  }
0x10: {  	[smem:$0x3FB2] =	sst s8  }
0x11: {  	[smem:$0x3FB3] =	sst s9;
	s0 =	simm.s32 @!p0 $0x0  }
0x12: {  	s1 =	sld [smem:$0x3F99];
	s0 =	simm.s32 @p0 $0x1  }
0x13: {  	[smem:$0x3FB4] =	sst s0;
	s0 =	simm.s32 @!p1 $0x0  }
0x14: {  	s2 =	sld [smem:$0x3F98];
	s0 =	simm.s32 @p1 $0x1  }
0x15: {  	[smem:$0x3FB5] =	sst s0;
	s0 =	simm.s32 @!p2 $0x0  }
0x16: {  	s3 =	sld [smem:$0x3FDB];
	s0 =	simm.s32 @p2 $0x1  }
0x17: {  	s4 =	simm.s32 $0x1BF5;
	[smem:$0x3FB7] =	sst s0  }
0x18: {  	s0 =	sld [smem:$0x3F9A];
	_ =	swait.ge [sflag:s4], $0x0  }
0x19: {  	s7 =	sld [smem:$0x3F9B]  }
0x1a: {  	s8 =	sadd.s32 $0xFFFFE003, lr  }
0x1b: {  	s9 =	sadd.s32 $0xFFFFFEF7, lr;
	s5 =	simm.s32 $0xFFFFFFFF;
	p2 =	slt.u32 s8, $0xFFFFF086  }
0x1c: {  	p1 =	slt.u32 s9, $0xF7A;
	s5 =	simm.s32 @!p2 $0x0  }
0x1d: {  	s5 =	simm.s32 @p1 $0x1;
	p0 =	seq.s32 s7, s2  }
0x1e: {  	s7 =	smul.u32 @!p0 $0xF7A, s2;
	p2 =	seq.s32 @!p0 s5, $0x0  }
0x1f: {  	s9 =	smul.u32 $0xF7A, s1;
	s8 =	simm.s32 @!p0 $0x1BF5;
	p2 =	por !p2, p0  }
0x20: {  	[sflag:s8] =	ssyncset.s32 @!p0 $0xFFFFF086;
	s6 =	sadd.s32 @!p0 s3, s7;
	s7 =	simm.s32 @!p0 $0x108  }
0x21: {  	s3 =	sadd.s32 s3, s9;
	s6 =	sadd.s32 @!p0 $0x88, s6;
	s7 =	simm.s32 @p2 $0x1082  }
0x22: {  	[simem:s7], [sflag:s8] =	dma.local @!p0 [hbm:s6], $0xF7A  }
0x23: {  	s9 =	sor.u32 $0xD0000000, s2;
	s6 =	simm.s32 $0x108;
	_ =	swait.ge @!p0 [sflag:s8], $0x0  }
0x24: {  	s3 =	sadd.s32 $0x88, s3;
	s6 =	simm.s32 @!p1 $0x1082;
	[sflag:s4] =	ssyncset.s32 $0xFFFFF086  }
0x25: {  	[simem:s6], [sflag:s4] =	dma.local [hbm:s3], $0xF7A  }
0x26: {  	[smem:$0x3F9B] =	sst s1;
	(tag) =	ssettag s2;
	_ =	strace s9  }
0x27: {  	s1 =	sld [smem:$0x3FAB]  }
0x28: {  	s2 =	sld [smem:$0x3FAC]  }
0x29: {  	s4 =	sld [smem:$0x3FAE]  }
0x2a: {  	p0 =	seq.s32 s5, $0x0;
	s5 =	sld [smem:$0x3FAF]  }
0x2b: {  	s6 =	sld [smem:$0x3FB0]  }
0x2c: {  	s7 =	sld [smem:$0x3FB1]  }
0x2d: {  	s3 =	simm.s32 $0x108;
	s8 =	sld [smem:$0x3FB2]  }
0x2e: {  	s3 =	simm.s32 @!p0 $0x1082;
	s9 =	sld [smem:$0x3FB3]  }
0x2f: {  	lr =	sadd.s32 s0, s3;
	s0 =	sld [smem:$0x3FAA]  }
0x30: {  	s3 =	sld [smem:$0x3FAD]  }
0x31: {  	[smem:$0x3FB6] =	sst s10  }
0x32: {  	s10 =	sld [smem:$0x3FB4];
	_ =	sdelay $0x3  }
0x33: {  	p0 =	seq.s32 s10, $0x1;
	s10 =	sld [smem:$0x3FB6];
	_ =	sdelay $0x3  }
0x34: {  	[smem:$0x3FB6] =	sst s10  }
0x35: {  	s10 =	sld [smem:$0x3FB5];
	_ =	sdelay $0x3  }
0x36: {  	p1 =	seq.s32 s10, $0x1;
	s10 =	sld [smem:$0x3FB6];
	_ =	sdelay $0x3  }
0x37: {  	[smem:$0x3FB6] =	sst s10  }
0x38: {  	s10 =	sld [smem:$0x3FB7]  }
0x39: {  	_ = 	snop;
	(pc) =	sbr.ind lr, $3  }
0x3a: {  	_ = 	snop  }
0x3b: {  	_ = 	snop  }
0x3c: {  	p2 =	seq.s32 s10, $0x1;
	s10 =	sld [smem:$0x3FB6]  }
0x3d: {  	_ =	shalt  }
0x3e: {  	_ =	shalt  }
0x3f: {  	_ =	shalt  }
0x40: {  	_ =	shalt  }
0x41: {  	_ =	shalt  }
0x42: {  	_ =	shalt  }
0x43: {  	_ =	shalt  }
0x44: {  	_ =	shalt  }
0x45: {  	_ =	shalt  }
0x46: {  	_ =	shalt  }
0x47: {  	_ =	shalt  }
0x48: {  	_ =	shalt  }
0x49: {  	_ =	shalt  }
0x4a: {  	_ =	shalt  }
0x4b: {  	_ =	shalt  }
0x4c: {  	_ =	shalt  }
0x4d: {  	_ =	shalt  }
0x4e: {  	_ =	shalt  }
0x4f: {  	_ =	shalt  }
0x50: {  	_ =	shalt  }
0x51: {  	_ =	shalt  }
0x52: {  	_ =	shalt  }
0x53: {  	_ =	shalt  }
0x54: {  	_ =	shalt  }
0x55: {  	_ =	shalt  }
0x56: {  	_ =	shalt  }
0x57: {  	_ =	shalt  }
0x58: {  	_ =	shalt  }
0x59: {  	_ =	shalt  }
0x5a: {  	_ =	shalt  }
0x5b: {  	_ =	shalt  }
0x5c: {  	_ =	shalt  }
0x5d: {  	_ =	shalt  }
0x5e: {  	_ =	shalt  }
0x5f: {  	_ =	shalt  }
0x60: {  	_ =	shalt  }
0x61: {  	_ =	shalt  }
0x62: {  	_ =	shalt  }
0x63: {  	_ =	shalt  }
0x64: {  	_ =	shalt  }
0x65: {  	_ =	shalt  }
0x66: {  	_ =	shalt  }
0x67: {  	_ =	shalt  }
0x68: {  	_ =	shalt  }
0x69: {  	_ =	shalt  }
0x6a: {  	_ =	shalt  }
0x6b: {  	_ =	shalt  }
0x6c: {  	_ =	shalt  }
0x6d: {  	_ =	shalt  }
0x6e: {  	_ =	shalt  }
0x6f: {  	_ =	shalt  }
0x70: {  	_ =	shalt  }
0x71: {  	_ =	shalt  }
0x72: {  	_ =	shalt  }
0x73: {  	_ =	shalt  }
0x74: {  	_ =	shalt  }
0x75: {  	_ =	shalt  }
0x76: {  	_ =	shalt  }
0x77: {  	_ =	shalt  }
0x78: {  	_ =	shalt  }
0x79: {  	_ =	shalt  }
0x7a: {  	_ =	shalt  }
0x7b: {  	_ =	shalt  }
0x7c: {  	_ =	shalt  }
0x7d: {  	_ =	shalt  }
0x7e: {  	_ =	shalt  }
0x7f: {  	_ =	shalt  }
0x80: {  	_ =	shalt  }
0x81: {  	_ =	shalt  }
0x82: {  	_ =	shalt  }
0x83: {  	_ =	shalt  }
0x84: {  	_ =	shalt  }
0x85: {  	_ =	shalt  }
0x86: {  	_ =	shalt  }
0x87: {  	_ =	shalt  }
.Lfunc_end0:
.L_simem_size_0:
called_computation.1_lowered:
.L_overlay_start_0:
0x88: {  	s2 =	sld [smem:$0x3FD9]  }
0x89: {  	s3 =	sld [smem:$0x3FFE];
	_ =	sdelay $0x1  }
0x8a: {  	s1 =	srdreg.scid  }
0x8b: {  	s0 =	sand.u32 $0x1, s1  }
0x8c: {  	s17 =	sshll.u32 s0, $0xA;
	s2 =	sadd.s32 s3, s2  }
0x8d: {  	s2 =	sadd.s32 s2, s17  }
0x8e: {  	[smem:$0x3FC2] =	sst s2  }
0x8f: {  	_ = 	snop  }
0x90: {  	s2 =	sld [smem:$0x3FD0];
	(tm) =	ssettm $0x1  }
0x91: {  	s18 =	sld [smem:$0x3FFB];
	_ =	sdelay $0x3  }
0x92: {  	_ =	strace s18  }
0x93: {  	s3 =	sld [smem:$0x3FFC];
	_ =	sdelay $0x3  }
0x94: {  	_ =	strace s3  }
0x95: {  	s3 =	sld [smem:$0x3FFD];
	_ =	sdelay $0x3  }
0x96: {  	_ =	strace s3  }
0x97: {  	_ =	strace $0x8FFFFFFF  }
0x98: {  	s19 =	sld [smem:$0x3FDB];
	_ =	sdelay $0x1  }
0x99: {  	s4 =	simm.s32 $_scs_section_size  }
0x9a: {  	s5 =	simm.s32 $_size__tile_overlayer_lowered;
	s6 =	simm.s32 $_tile_overlayer_lowered  }
0x9b: {  	s22 =	simm.s32 $0x1BFF;
	s21 =	sshll.u32 s6, $0x1;
	s3 =	sadd.s32 s4, s19  }
0x9c: {  	s7 =	simm.s32 $0x0;
	s20 =	sshll.u32 s5, $0x1;
	s5 =	sadd.s32 s21, s3  }
0x9d: {  	[timem:s7], [sflag:s22] =	dma.local [hbm:s5], s20  }
0x9e: {  	_ =	swait.ge [sflag:s22], s20  }
0x9f: {  	s4 =	ssub.s32 $0x0, s20;
	[sflag:s22] =	ssyncset.done $0x0  }
0xa0: {  	[sflag:s22] =	ssyncadd.s32 s4;
	_ =	sdelay $0x1  }
0xa1: {  	s23 =	simm.s32 $0x1B8B  }
0xa2: {  	_ =	swait.ge [sflag:s23], $0x1  }
0xa3: {  	[sflag:s23] =	ssyncset.done $0x0  }
0xa4: {  	s25 =	simm.s32 $0x1B8E;
	s24 =	sld [smem:$0x3FFE];
	[sflag:s23] =	ssyncadd.s32 $0xFFFFFFFF  }
0xa5: {  	s26 =	simm.s32 $execute0_lowered;
	[smem:$0x3FD2] =	sst s25  }
0xa6: {  	s5 =	sshll.u32 s26, $0x1;
	_ =	strace $0x80000049;
	[dreg:$0x1] =	wrdreg $0xFFFFFFFF  }
0xa7: {  	s28 =	simm.s32 $_size_execute0_lowered;
	s3 =	sadd.s32 s3, s5;
	[dreg:$0x0] =	wrdreg $0x0  }
0xa8: {  	s5 =	sshll.u32 s28, $0x1;
	[dreg:$0x2] =	wrdreg s3  }
0xa9: {  	[dreg:$0x3] =	wrdreg s5  }
0xaa: {  	[dreg:$0x4] =	wrdreg $0xC0  }
0xab: {  	_ =	task [dreg:s7], $0x5FFFF  }
0xac: {  	[dreg:$0x1] =	wrdreg $0xFFFFFFFF  }
0xad: {  	[dreg:$0x0] =	wrdreg $0x60  }
0xae: {  	[dreg:$0x2] =	wrdreg s24  }
0xaf: {  	[dreg:$0x3] =	wrdreg s2  }
0xb0: {  	[dreg:$0x4] =	wrdreg $0x91000  }
0xb1: {  	[dreg:$0x5] =	wrdreg $0x131000  }
0xb2: {  	[dreg:$0x6] =	wrdreg $0x9  }
0xb3: {  	_ =	task.clear_ibuf [dreg:s7], $0x7FFFF;
	_ =	strace $0x90000049  }
0xb4: {  	s29 =	simm.s32 $0x9;
	_ =	strace $0x8000004B  }
0xb5: {  	_ =	swait.ge [sflag:s29], $0x1  }
0xb6: {  	[sflag:s29] =	ssyncadd.s32 $0xFFFFFFFF  }
0xb7: {  	_ =	strace $0x9000004B  }
0xb8: {  	_ =	sfence  }
0xb9: {  	s30 =	sld [smem:$0x0];
	_ =	sdelay $0x2  }
0xba: {  	s31 =	sshll.u32 s1, $0xD;
	s1 =	sshrl.u32 s1, $0x2  }
0xbb: {  	s3 =	sand.u32 $0x4000, s31;
	s1 =	sadd.s32 s1, s30  }
0xbc: {  	s0 =	sor.u32 s3, s0;
	s1 =	sshll.u32 s1, $0x11  }
0xbd: {  	s0 =	sor.u32 s1, s0  }
0xbe: {  	s0 =	sadd.s32 $0x8F2B, s0  }
0xbf: {  	[sflag:s0] =	ssyncadd.remote.s32 $0x1  }
0xc0: {  	_ =	sfence.sel $0xFFFF  }
0xc1: {  	[dreg:$0x0] =	wrdreg $0xFFFFFFFF;
	(pc) =	sbr.abs _section_cstart, $3  }
0xc2: {  	[dreg:$0x1] =	wrdreg $0xFFFFFFFF  }
0xc3: {  	_ =	task.clear_ibuf [dreg:s7], $0x2FFFF;
	_ =	strace $0x9FFFFFFF  }
0xc4: {  	(tm) =	ssettm $0x7FFFFFFF  }
0xc5: {  	_ =	shalt  }
tec
execute0_lowered:
.L_overlay_start_1:
0x0: {  	(tag) =	ssettag $0x1  }
0x1: {  	s0 =	rddreg [dreg:$0x0]  }
0x2: {  	s1 =	rddreg [dreg:$0x1]  }
0x3: {  	s2 =	rddreg [dreg:$0x2]  }
0x4: {  	s3 =	rddreg [dreg:$0x3];
	s5 =	srdreg.scid  }
0x5: {  	s10 =	stileid.u32;
	s4 =	simm.s32 $0x0;
	s29 =	simm.s32 $0x3  }
0x6: {  	s31 =	simm.s32 $0x5100;
	s30 =	simm.s32 $0x7100;
	s5 =	sand.u32 $0x1, s5  }
0x7: {  	s6 =	sshll.u32 s10, $0x1;
	[smem:$0x7FF] =	sst s4;
	s13 =	smul.u32 $0x14000, s10  }
0x8: {  	s6 =	sor.u32 s5, s6;
	s7 =	ssub.s32 $0x2, s5;
	s5 =	smul.u32 $0x140000, s5  }
0x9: {  	s8 =	sadd.s32 $0x16000, s0;
	_ =	strace $0x8000004A;
	s6 =	smul.u32 $0x510, s6  }
0xa: {  	s9 =	sshrl.u32 s7, $0x1;
	s25 =	sshrl.u32 s13, $0x4;
	s26 =	sadd.s32 $0x4000, s13  }
0xb: {  	s16 =	sadd.s32 $0x8000, s13;
	s20 =	sadd.s32 $0xC000, s13;
	s7 =	ssub.s32 s7, s9  }
0xc: {  	s18 =	sshrl.u32 s26, $0x4;
	s21 =	sshrl.u32 s26, $0x1;
	s11 =	sshrl.u32 s16, $0x4  }
0xd: {  	s22 =	sshrl.u32 s16, $0x1;
	s12 =	sshrl.u32 s20, $0x4;
	s19 =	sadd.s32 s5, s16  }
0xe: {  	s23 =	sadd.s32 s6, s0;
	s0 =	sadd.s32 $0x2A000, s0;
	s1 =	sadd.s32 s1, s6  }
0xf: {  	s9 =	sadd.s32 s8, s18;
	s10 =	sadd.s32 s21, s2;
	s11 =	sadd.s32 s8, s11  }
0x10: {  	s12 =	sadd.s32 s8, s12;
	s6 =	sadd.s32 s5, s26;
	s21 =	sadd.s32 s21, s3  }
0x11: {  	s28 =	smax.u32 s7, $0x1;
	[dreg:$0x5] =	wrdreg s1;
	s24 =	sadd.s32 $0xBE00, s23  }
0x12: {  	s1 =	sadd.s32 s8, s25;
	[dreg:$0x9] =	wrdreg s9;
	s23 =	sadd.s32 $0x10000, s13  }
0x13: {  	s6 =	sshrl.u32 s6, $0x4;
	s25 =	sshrl.u32 s20, $0x1;
	[dreg:$0x6] =	wrdreg s24  }
0x14: {  	[dreg:$0x7] =	wrdreg s1;
	s1 =	sshrl.u32 s13, $0x1;
	s13 =	sadd.s32 s13, s5  }
0x15: {  	s14 =	sshrl.u32 s23, $0x4;
	s24 =	sadd.s32 s5, s20;
	s5 =	sadd.s32 s5, s23  }
0x16: {  	s26 =	sshrl.u32 s23, $0x1;
	s23 =	sadd.s32 s25, s2;
	s17 =	sadd.s32 s1, s2  }
0x17: {  	s15 =	sshrl.u32 s13, $0x4;
	s13 =	sadd.s32 s8, s14;
	s8 =	sshrl.u32 s24, $0x4  }
0x18: {  	s5 =	sshrl.u32 s5, $0x4;
	s20 =	sadd.s32 s1, s3;
	s24 =	sadd.s32 s25, s3  }
0x19: {  	s25 =	sadd.s32 s26, s2;
	s26 =	sadd.s32 s26, s3;
	s1 =	simm.s32 $0x1  }
0x1a: {  	[dreg:$0x8] =	wrdreg s17;
	s14 =	sadd.s32 s0, s15;
	s15 =	sadd.s32 s0, s6  }
0x1b: {  	s6 =	sshrl.u32 s19, $0x4;
	s17 =	sadd.s32 s0, s8;
	s18 =	sadd.s32 s0, s5  }
0x1c: {  	s19 =	sadd.s32 s22, s2;
	s22 =	sadd.s32 s22, s3;
	s5 =	simm.s32 $0x2  }
0x1d: {  	v0 =	vimm.bf16 $0.0e+00;
	s16 =	sadd.s32 s0, s6;
	s0 =	simm.s32 $0x80;
	s6 =	simm.s32 $0x0  }
.LBB2_1:
0x1e: {  	s7 =	rddreg [dreg:$0x5]  }
0x1f: {  	[tilespmem:s4], [sflag:$0x3] =	stream.linear.gather [hbm4b:s7+s4], $0x2880, $0x38;
	[tilespmem:$0x1D100] =	vst v63  }
0x20: {  	_ =	swait.ge [sflag:s29], $0x2880  }
0x21: {  	[sflag:s29] =	ssyncset.done $0x0  }
0x22: {  	s8 =	simm.s32 $0x2880;
	s9 =	rddreg [dreg:$0x6];
	[sflag:s29] =	ssyncadd.s32 $0xFFFFD780  }
0x23: {  	[tilespmem:s8], [sflag:$0x3] =	stream.linear.gather [hbm4b:s9+s4], $0x2880, $0x38;
	[tilespmem:$0x1D100] =	vst v63  }
0x24: {  	_ =	swait.ge [sflag:s29], $0x2880  }
0x25: {  	[sflag:s29] =	ssyncset.done $0x0  }
0x26: {  	s9 =	rddreg [dreg:$0x7];
	[sflag:s29] =	ssyncadd.s32 $0xFFFFD780  }
0x27: {  	[tilespmem:s31], [sflag:$0x3] =	stream.linear.gather [hbm4b:s9+s4], $0x2000, $0x38;
	[tilespmem:$0x1D100] =	vst v63  }
0x28: {  	_ =	swait.ge [sflag:s29], $0x2000  }
0x29: {  	[sflag:s29] =	ssyncset.done $0x0  }
0x2a: {  	s8 =	rddreg [dreg:$0x8];
	[sflag:s29] =	ssyncadd.s32 $0xFFFFE000  }
0x2b: {  	[spmem:s8] =	stream.linear.scatter [tilespmem:s31], [sflag:$0x3], $0x2000, $0x38;
	[tilespmem:$0x1D100] =	vst v63  }
0x2c: {  	_ =	swait.ge [sflag:s29], $0x2000  }
0x2d: {  	[sflag:s29] =	ssyncset.done $0x0  }
0x2e: {  	s9 =	rddreg [dreg:$0x9];
	[sflag:s29] =	ssyncadd.s32 $0xFFFFE000  }
0x2f: {  	[tilespmem:s31], [sflag:$0x3] =	stream.linear.gather [hbm4b:s9+s4], $0x2000, $0x38;
	[tilespmem:$0x1D100] =	vst v63  }
0x30: {  	_ =	swait.ge [sflag:s29], $0x2000  }
0x31: {  	[sflag:s29] =	ssyncset.done $0x0  }
0x32: {  	[sflag:s29] =	ssyncadd.s32 $0xFFFFE000  }
0x33: {  	[spmem:s10] =	stream.linear.scatter [tilespmem:s31], [sflag:$0x3], $0x2000, $0x38;
	[tilespmem:$0x1D100] =	vst v63  }
0x34: {  	_ =	swait.ge [sflag:s29], $0x2000  }
0x35: {  	[sflag:s29] =	ssyncset.done $0x0  }
0x36: {  	[sflag:s29] =	ssyncadd.s32 $0xFFFFE000  }
0x37: {  	[tilespmem:s31], [sflag:$0x3] =	stream.linear.gather [hbm4b:s11+s4], $0x2000, $0x38;
	[tilespmem:$0x1D100] =	vst v63  }
0x38: {  	_ =	swait.ge [sflag:s29], $0x2000  }
0x39: {  	[sflag:s29] =	ssyncset.done $0x0  }
0x3a: {  	[sflag:s29] =	ssyncadd.s32 $0xFFFFE000  }
0x3b: {  	[spmem:s19] =	stream.linear.scatter [tilespmem:s31], [sflag:$0x3], $0x2000, $0x38;
	[tilespmem:$0x1D100] =	vst v63  }
0x3c: {  	_ =	swait.ge [sflag:s29], $0x2000  }
0x3d: {  	[sflag:s29] =	ssyncset.done $0x0  }
0x3e: {  	[sflag:s29] =	ssyncadd.s32 $0xFFFFE000  }
0x3f: {  	[tilespmem:s31], [sflag:$0x3] =	stream.linear.gather [hbm4b:s12+s4], $0x2000, $0x38;
	[tilespmem:$0x1D100] =	vst v63  }
0x40: {  	_ =	swait.ge [sflag:s29], $0x2000  }
0x41: {  	[sflag:s29] =	ssyncset.done $0x0  }
0x42: {  	[sflag:s29] =	ssyncadd.s32 $0xFFFFE000  }
0x43: {  	[spmem:s23] =	stream.linear.scatter [tilespmem:s31], [sflag:$0x3], $0x2000, $0x38;
	[tilespmem:$0x1D100] =	vst v63  }
0x44: {  	_ =	swait.ge [sflag:s29], $0x2000  }
0x45: {  	[sflag:s29] =	ssyncset.done $0x0  }
0x46: {  	[sflag:s29] =	ssyncadd.s32 $0xFFFFE000  }
0x47: {  	[tilespmem:s31], [sflag:$0x3] =	stream.linear.gather [hbm4b:s13+s4], $0x2000, $0x38;
	[tilespmem:$0x1D100] =	vst v63  }
0x48: {  	_ =	swait.ge [sflag:s29], $0x2000  }
0x49: {  	[sflag:s29] =	ssyncset.done $0x0  }
0x4a: {  	[sflag:s29] =	ssyncadd.s32 $0xFFFFE000  }
0x4b: {  	[spmem:s25] =	stream.linear.scatter [tilespmem:s31], [sflag:$0x3], $0x2000, $0x38;
	[tilespmem:$0x1D100] =	vst v63  }
0x4c: {  	_ =	swait.ge [sflag:s29], $0x2000  }
0x4d: {  	[sflag:s29] =	ssyncset.done $0x0  }
0x4e: {  	s7 =	simm.s32 $0x0;
	s8 =	simm.s32 $0x100;
	[sflag:s29] =	ssyncadd.s32 $0xFFFFE000  }
.LBB2_2:
0x4f: {  	p0 =	sne.s32 s8, $0x7F00;
	[tilespmem:s7+$0x5130] =	vst v0;
	s9 =	smov.u32 s8;
	s8 =	sadd.s32 $0x100, s8  }
.Ltmp0:
0x50: {  	[tilespmem:s7+$0x5120] =	vst v0;
	(pc) =	sbr.rel @p0 .LBB2_2-.Ltmp0, $3  }
0x51: {  	[tilespmem:s7+$0x5100] =	vst v0  }
0x52: {  	[tilespmem:s7+$0x5110] =	vst v0;
	_ =	sdelay $0x1  }
0x53: {  	s7 =	sshra.s32 s9, $0x2  }
0x54: {  	[tilespmem:s7+$0x5130] =	vst v0  }
0x55: {  	[tilespmem:s7+$0x5120] =	vst v0  }
0x56: {  	[tilespmem:s7+$0x5100] =	vst v0  }
0x57: {  	[tilespmem:s7+$0x5110] =	vst v0  }
0x58: {  	[spmem:s20] =	stream.linear.scatter [tilespmem:s31], [sflag:$0x3], $0x2000, $0x38;
	[tilespmem:$0x1D100] =	vst v63  }
0x59: {  	_ =	swait.ge [sflag:s29], $0x2000  }
0x5a: {  	[sflag:s29] =	ssyncset.done $0x0  }
0x5b: {  	[sflag:s29] =	ssyncadd.s32 $0xFFFFE000  }
0x5c: {  	[spmem:s21] =	stream.linear.scatter [tilespmem:s31], [sflag:$0x3], $0x2000, $0x38;
	[tilespmem:$0x1D100] =	vst v63  }
0x5d: {  	_ =	swait.ge [sflag:s29], $0x2000  }
0x5e: {  	[sflag:s29] =	ssyncset.done $0x0  }
0x5f: {  	[sflag:s29] =	ssyncadd.s32 $0xFFFFE000  }
0x60: {  	[spmem:s22] =	stream.linear.scatter [tilespmem:s31], [sflag:$0x3], $0x2000, $0x38;
	[tilespmem:$0x1D100] =	vst v63  }
0x61: {  	_ =	swait.ge [sflag:s29], $0x2000  }
0x62: {  	[sflag:s29] =	ssyncset.done $0x0  }
0x63: {  	[sflag:s29] =	ssyncadd.s32 $0xFFFFE000  }
0x64: {  	[spmem:s24] =	stream.linear.scatter [tilespmem:s31], [sflag:$0x3], $0x2000, $0x38;
	[tilespmem:$0x1D100] =	vst v63  }
0x65: {  	_ =	swait.ge [sflag:s29], $0x2000  }
0x66: {  	[sflag:s29] =	ssyncset.done $0x0  }
0x67: {  	[sflag:s29] =	ssyncadd.s32 $0xFFFFE000  }
0x68: {  	[spmem:s26] =	stream.linear.scatter [tilespmem:s31], [sflag:$0x3], $0x2000, $0x38;
	[tilespmem:$0x1D100] =	vst v63  }
0x69: {  	_ =	swait.ge [sflag:s29], $0x2000  }
0x6a: {  	[sflag:s29] =	ssyncset.done $0x0  }
0x6b: {  	[sflag:s29] =	ssyncadd.s32 $0xFFFFE000  }
0x6c: {  	s9 =	simm.s32 $0x0;
	[bflag:$0x0] =	sbarrier.arrive $0xFFFF  }
0x6d: {  	[tilespmem:s31], [sflag:$0x1] =	stream.indirect.gather [spmem:s2], $0x40, s9, s0, $0xb8;
	[tilespmem:$0x1D100] =	vst v63  }
0x6e: {  	_ =	swait.ge [sflag:s1], $0x2000  }
0x6f: {  	[sflag:s1] =	ssyncset.done $0x0  }
0x70: {  	s8 =	simm.s32 $0x80;
	[sflag:s1] =	ssyncadd.s32 $0xFFFFE000  }
0x71: {  	[tilespmem:s30], [sflag:$0x2] =	stream.indirect.gather [spmem:s2], $0x40, s8, s0, $0xb8;
	[tilespmem:$0x1D100] =	vst v63  }
0x72: {  	s9 =	simm.s32 $0x2880  }
0x73: {  	[spmem:s3] =	stream.indirect.scatter.add.bf16 [tilespmem:s31], [sflag:$0x3], $0x40, s9, s0, $0xb8;
	[tilespmem:$0x1D100] =	vst v63  }
0x74: {  	_ =	swait.ge [sflag:s29], $0x2000  }
0x75: {  	[sflag:s29] =	ssyncset.done $0x0  }
0x76: {  	[sflag:s29] =	ssyncadd.s32 $0xFFFFE000  }
0x77: {  	_ =	swait.ge [sflag:s5], $0x2000  }
0x78: {  	[sflag:s5] =	ssyncset.done $0x0  }
0x79: {  	s8 =	simm.s32 $0x100;
	[sflag:s5] =	ssyncadd.s32 $0xFFFFE000  }
0x7a: {  	[tilespmem:s31], [sflag:$0x1] =	stream.indirect.gather [spmem:s2], $0x40, s8, s0, $0xb8;
	[tilespmem:$0x1D100] =	vst v63  }
0x7b: {  	s9 =	simm.s32 $0x2900  }
0x7c: {  	[spmem:s3] =	stream.indirect.scatter.add.bf16 [tilespmem:s30], [sflag:$0x3], $0x40, s9, s0, $0xb8;
	[tilespmem:$0x1D100] =	vst v63  }
0x7d: {  	_ =	swait.ge [sflag:s29], $0x2000  }
0x7e: {  	s7 =	simm.s32 $0x400;
	[sflag:s29] =	ssyncset.done $0x0  }
.LBB2_4:
0x7f: {  	p0 =	sne.s32 s7, $0x9C00  }
0x80: {  	[sflag:s29] =	ssyncadd.s32 $0xFFFFE000;
	s8 =	smov.u32 s7;
	s7 =	sadd.s32 $0x400, s7  }
0x81: {  	_ = 	snop  }
0x82: {  	_ =	swait.ge [sflag:s1], $0x2000  }
0x83: {  	s8 =	sshra.s32 s8, $0x2;
	[sflag:s1] =	ssyncset.done $0x0  }
0x84: {  	s9 =	sadd.s32 $0x80, s8;
	[sflag:s1] =	ssyncadd.s32 $0xFFFFE000  }
0x85: {  	[tilespmem:s30], [sflag:$0x2] =	stream.indirect.gather [spmem:s2], $0x40, s9, s0, $0xb8;
	[tilespmem:$0x1D100] =	vst v63  }
0x86: {  	s9 =	sadd.s32 $0x2880, s8  }
0x87: {  	[spmem:s3] =	stream.indirect.scatter.add.bf16 [tilespmem:s31], [sflag:$0x3], $0x40, s9, s0, $0xb8;
	[tilespmem:$0x1D100] =	vst v63  }
0x88: {  	_ =	swait.ge [sflag:s29], $0x2000  }
0x89: {  	[sflag:s29] =	ssyncset.done $0x0  }
0x8a: {  	[sflag:s29] =	ssyncadd.s32 $0xFFFFE000  }
0x8b: {  	_ =	swait.ge [sflag:s5], $0x2000  }
0x8c: {  	[sflag:s5] =	ssyncset.done $0x0  }
0x8d: {  	s9 =	sadd.s32 $0x100, s8;
	[sflag:s5] =	ssyncadd.s32 $0xFFFFE000  }
0x8e: {  	[tilespmem:s31], [sflag:$0x1] =	stream.indirect.gather [spmem:s2], $0x40, s9, s0, $0xb8;
	[tilespmem:$0x1D100] =	vst v63  }
.Ltmp1:
0x8f: {  	_ = 	snop;
	(pc) =	sbr.rel @p0 .LBB2_4-.Ltmp1, $4  }
0x90: {  	s8 =	sadd.s32 $0x2900, s8  }
0x91: {  	[spmem:s3] =	stream.indirect.scatter.add.bf16 [tilespmem:s30], [sflag:$0x3], $0x40, s8, s0, $0xb8;
	[tilespmem:$0x1D100] =	vst v63  }
0x92: {  	_ =	swait.ge [sflag:s29], $0x2000  }
0x93: {  	[sflag:s29] =	ssyncset.done $0x0  }
0x94: {  	[sflag:s29] =	ssyncadd.s32 $0xFFFFE000  }
0x95: {  	_ =	swait.ge [sflag:s1], $0x2000  }
0x96: {  	[sflag:s1] =	ssyncset.done $0x0  }
0x97: {  	s7 =	simm.s32 $0x5080;
	[sflag:s1] =	ssyncadd.s32 $0xFFFFE000  }
0x98: {  	[spmem:s3] =	stream.indirect.scatter.add.bf16 [tilespmem:s31], [sflag:$0x3], $0x40, s7, s0, $0xb8;
	[tilespmem:$0x1D100] =	vst v63  }
0x99: {  	_ =	swait.ge [sflag:s29], $0x2000  }
0x9a: {  	[sflag:s29] =	ssyncset.done $0x0  }
0x9b: {  	[sflag:s29] =	ssyncadd.s32 $0xFFFFE000  }
0x9c: {  	[bflag:$0x0] =	sbarrier.arrive $0xFFFF  }
0x9d: {  	[tilespmem:s31], [sflag:$0x3] =	stream.linear.gather [spmem:s20], $0x2000, $0x38;
	[tilespmem:$0x1D100] =	vst v63  }
0x9e: {  	_ =	swait.ge [sflag:s29], $0x2000  }
0x9f: {  	[sflag:s29] =	ssyncset.done $0x0  }
0xa0: {  	[sflag:s29] =	ssyncadd.s32 $0xFFFFE000  }
0xa1: {  	[hbm4b:s14+s4] =	stream.linear.scatter [tilespmem:s31], [sflag:$0x3], $0x2000, $0x38;
	[tilespmem:$0x1D100] =	vst v63  }
0xa2: {  	_ =	swait.ge [sflag:s29], $0x2000  }
0xa3: {  	[sflag:s29] =	ssyncset.done $0x0  }
0xa4: {  	[sflag:s29] =	ssyncadd.s32 $0xFFFFE000  }
0xa5: {  	[tilespmem:s31], [sflag:$0x3] =	stream.linear.gather [spmem:s21], $0x2000, $0x38;
	[tilespmem:$0x1D100] =	vst v63  }
0xa6: {  	_ =	swait.ge [sflag:s29], $0x2000  }
0xa7: {  	[sflag:s29] =	ssyncset.done $0x0  }
0xa8: {  	[sflag:s29] =	ssyncadd.s32 $0xFFFFE000  }
0xa9: {  	[hbm4b:s15+s4] =	stream.linear.scatter [tilespmem:s31], [sflag:$0x3], $0x2000, $0x38;
	[tilespmem:$0x1D100] =	vst v63  }
0xaa: {  	_ =	swait.ge [sflag:s29], $0x2000  }
0xab: {  	[sflag:s29] =	ssyncset.done $0x0  }
0xac: {  	[sflag:s29] =	ssyncadd.s32 $0xFFFFE000  }
0xad: {  	[tilespmem:s31], [sflag:$0x3] =	stream.linear.gather [spmem:s22], $0x2000, $0x38;
	[tilespmem:$0x1D100] =	vst v63  }
0xae: {  	_ =	swait.ge [sflag:s29], $0x2000  }
0xaf: {  	[sflag:s29] =	ssyncset.done $0x0  }
0xb0: {  	[sflag:s29] =	ssyncadd.s32 $0xFFFFE000  }
0xb1: {  	[hbm4b:s16+s4] =	stream.linear.scatter [tilespmem:s31], [sflag:$0x3], $0x2000, $0x38;
	[tilespmem:$0x1D100] =	vst v63  }
0xb2: {  	_ =	swait.ge [sflag:s29], $0x2000  }
0xb3: {  	[sflag:s29] =	ssyncset.done $0x0  }
0xb4: {  	[sflag:s29] =	ssyncadd.s32 $0xFFFFE000  }
0xb5: {  	[tilespmem:s31], [sflag:$0x3] =	stream.linear.gather [spmem:s24], $0x2000, $0x38;
	[tilespmem:$0x1D100] =	vst v63  }
0xb6: {  	_ =	swait.ge [sflag:s29], $0x2000  }
0xb7: {  	[sflag:s29] =	ssyncset.done $0x0  }
0xb8: {  	[sflag:s29] =	ssyncadd.s32 $0xFFFFE000  }
0xb9: {  	[hbm4b:s17+s4] =	stream.linear.scatter [tilespmem:s31], [sflag:$0x3], $0x2000, $0x38;
	[tilespmem:$0x1D100] =	vst v63  }
0xba: {  	_ =	swait.ge [sflag:s29], $0x2000  }
0xbb: {  	[sflag:s29] =	ssyncset.done $0x0  }
0xbc: {  	[sflag:s29] =	ssyncadd.s32 $0xFFFFE000  }
0xbd: {  	[tilespmem:s31], [sflag:$0x3] =	stream.linear.gather [spmem:s26], $0x2000, $0x38;
	[tilespmem:$0x1D100] =	vst v63  }
0xbe: {  	s6 =	sadd.s32 $0x1, s6;
	_ =	swait.ge [sflag:s29], $0x2000  }
0xbf: {  	p0 =	sne.s32 s6, s28;
	[sflag:s29] =	ssyncset.done $0x0  }
.Ltmp2:
0xc0: {  	[sflag:s29] =	ssyncadd.s32 $0xFFFFE000;
	(pc) =	sbr.rel @p0 .LBB2_1-.Ltmp2, $4  }
0xc1: {  	[hbm4b:s18+s4] =	stream.linear.scatter [tilespmem:s31], [sflag:$0x3], $0x2000, $0x38;
	[tilespmem:$0x1D100] =	vst v63  }
0xc2: {  	_ =	swait.ge [sflag:s29], $0x2000  }
0xc3: {  	[sflag:s29] =	ssyncset.done $0x0  }
0xc4: {  	[sflag:s29] =	ssyncadd.s32 $0xFFFFE000  }
0xc5: {  	_ =	sfence.sel $0x180000  }
0xc6: {  	[bflag:$0x0] =	sbarrier.arrive $0xFFFF  }
0xc7: {  	_ =	strace $0x9000004A  }
0xc8: {  	s0 =	stileid.u32;
	[bflag:$0x2] =	sbarrier.arrive $0xFFFF  }
0xc9: {  	p0 =	sne.s32 s0, $0x0;
	s0 =	rddreg [dreg:$0x4]  }
0xca: {  	s0 =	sadd.s32 @!p0 $0x100000, s0  }
0xcb: {  	[sflag:s0] =	ssyncadd.tile.s32 @!p0 $0x1;
	_ =	shalt  }
.Lfunc_end2:
_tile_overlayer_lowered:
.L_overlay_start_2:
0xcc: {  	(tag) =	ssettag $0x2  }
0xcd: {  	s0 =	rddreg [dreg:$0x0];
	s2 =	stileid.u32  }
0xce: {  	s1 =	rddreg [dreg:$0x1];
	p0 =	sne.s32 s2, $0x0  }
0xcf: {  	s3 =	rddreg [dreg:$0x2];
	[bflag:$0x3] =	sbarrier.arrive $0xFFFF;
	s2 =	simm.s32 @!p0 $0x1C03  }
0xd0: {  	[timem:s3], [sflag:s2] =	dma.local @!p0 [hbm:s0], s1  }
0xd1: {  	s0 =	simm.s32 @!p0 $0x3  }
0xd2: {  	_ =	swait.ge @!p0 [sflag:s0], s1  }
0xd3: {  	s1 =	ssub.s32 @!p0 $0x0, s1;
	[sflag:s0] =	ssyncset.done @!p0 $0x0  }
0xd4: {  	[sflag:s0] =	ssyncadd.s32 @!p0 s1  }
0xd5: {  	[bflag:$0x3] =	sbarrier.arrive $0xFFFF  }
0xd6: {  	_ =	shalt  }

// kernel: kernel.14.cloned.1.call-start
scs
__scs_entry_jumppad:
0x0: {  	(pc) =	sbr.rel $0x88, $3  }
0x1: {  	(tag) =	ssettag $0x0;
	lr =	simm.s32 $0x1  }
0x2: {  	[smem:$0x3F9B] =	sst lr;
	_ =	strace $0xD0000000  }
0x3: {  	_ = 	snop  }
0x4: {  	_ = 	snop  }
0x5: {  	_ = 	snop  }
0x6: {  	_ = 	snop  }
0x7: {  	_ = 	snop  }
__scs_overlays_trampoline_lowered:
0x8: {  	[smem:$0x3FAA] =	sst s0  }
0x9: {  	[smem:$0x3FAB] =	sst s1  }
0xa: {  	[smem:$0x3FAC] =	sst s2  }
0xb: {  	[smem:$0x3FAD] =	sst s3  }
0xc: {  	[smem:$0x3FAE] =	sst s4  }
0xd: {  	[smem:$0x3FAF] =	sst s5  }
0xe: {  	[smem:$0x3FB0] =	sst s6  }
0xf: {  	[smem:$0x3FB1] =	sst s7  }
0x10: {  	[smem:$0x3FB2] =	sst s8  }
0x11: {  	[smem:$0x3FB3] =	sst s9;
	s0 =	simm.s32 @!p0 $0x0  }
0x12: {  	s1 =	sld [smem:$0x3F99];
	s0 =	simm.s32 @p0 $0x1  }
0x13: {  	[smem:$0x3FB4] =	sst s0;
	s0 =	simm.s32 @!p1 $0x0  }
0x14: {  	s2 =	sld [smem:$0x3F98];
	s0 =	simm.s32 @p1 $0x1  }
0x15: {  	[smem:$0x3FB5] =	sst s0;
	s0 =	simm.s32 @!p2 $0x0  }
0x16: {  	s3 =	sld [smem:$0x3FDB];
	s0 =	simm.s32 @p2 $0x1  }
0x17: {  	s4 =	simm.s32 $0x1BF5;
	[smem:$0x3FB7] =	sst s0  }
0x18: {  	s0 =	sld [smem:$0x3F9A];
	_ =	swait.ge [sflag:s4], $0x0  }
0x19: {  	s7 =	sld [smem:$0x3F9B]  }
0x1a: {  	s8 =	sadd.s32 $0xFFFFE003, lr  }
0x1b: {  	s9 =	sadd.s32 $0xFFFFFEF7, lr;
	s5 =	simm.s32 $0xFFFFFFFF;
	p2 =	slt.u32 s8, $0xFFFFF086  }
0x1c: {  	p1 =	slt.u32 s9, $0xF7A;
	s5 =	simm.s32 @!p2 $0x0  }
0x1d: {  	s5 =	simm.s32 @p1 $0x1;
	p0 =	seq.s32 s7, s2  }
0x1e: {  	s7 =	smul.u32 @!p0 $0xF7A, s2;
	p2 =	seq.s32 @!p0 s5, $0x0  }
0x1f: {  	s9 =	smul.u32 $0xF7A, s1;
	s8 =	simm.s32 @!p0 $0x1BF5;
	p2 =	por !p2, p0  }
0x20: {  	[sflag:s8] =	ssyncset.s32 @!p0 $0xFFFFF086;
	s6 =	sadd.s32 @!p0 s3, s7;
	s7 =	simm.s32 @!p0 $0x108  }
0x21: {  	s3 =	sadd.s32 s3, s9;
	s6 =	sadd.s32 @!p0 $0x88, s6;
	s7 =	simm.s32 @p2 $0x1082  }
0x22: {  	[simem:s7], [sflag:s8] =	dma.local @!p0 [hbm:s6], $0xF7A  }
0x23: {  	s9 =	sor.u32 $0xD0000000, s2;
	s6 =	simm.s32 $0x108;
	_ =	swait.ge @!p0 [sflag:s8], $0x0  }
0x24: {  	s3 =	sadd.s32 $0x88, s3;
	s6 =	simm.s32 @!p1 $0x1082;
	[sflag:s4] =	ssyncset.s32 $0xFFFFF086  }
0x25: {  	[simem:s6], [sflag:s4] =	dma.local [hbm:s3], $0xF7A  }
0x26: {  	[smem:$0x3F9B] =	sst s1;
	(tag) =	ssettag s2;
	_ =	strace s9  }
0x27: {  	s1 =	sld [smem:$0x3FAB]  }
0x28: {  	s2 =	sld [smem:$0x3FAC]  }
0x29: {  	s4 =	sld [smem:$0x3FAE]  }
0x2a: {  	p0 =	seq.s32 s5, $0x0;
	s5 =	sld [smem:$0x3FAF]  }
0x2b: {  	s6 =	sld [smem:$0x3FB0]  }
0x2c: {  	s7 =	sld [smem:$0x3FB1]  }
0x2d: {  	s3 =	simm.s32 $0x108;
	s8 =	sld [smem:$0x3FB2]  }
0x2e: {  	s3 =	simm.s32 @!p0 $0x1082;
	s9 =	sld [smem:$0x3FB3]  }
0x2f: {  	lr =	sadd.s32 s0, s3;
	s0 =	sld [smem:$0x3FAA]  }
0x30: {  	s3 =	sld [smem:$0x3FAD]  }
0x31: {  	[smem:$0x3FB6] =	sst s10  }
0x32: {  	s10 =	sld [smem:$0x3FB4];
	_ =	sdelay $0x3  }
0x33: {  	p0 =	seq.s32 s10, $0x1;
	s10 =	sld [smem:$0x3FB6];
	_ =	sdelay $0x3  }
0x34: {  	[smem:$0x3FB6] =	sst s10  }
0x35: {  	s10 =	sld [smem:$0x3FB5];
	_ =	sdelay $0x3  }
0x36: {  	p1 =	seq.s32 s10, $0x1;
	s10 =	sld [smem:$0x3FB6];
	_ =	sdelay $0x3  }
0x37: {  	[smem:$0x3FB6] =	sst s10  }
0x38: {  	s10 =	sld [smem:$0x3FB7]  }
0x39: {  	_ = 	snop;
	(pc) =	sbr.ind lr, $3  }
0x3a: {  	_ = 	snop  }
0x3b: {  	_ = 	snop  }
0x3c: {  	p2 =	seq.s32 s10, $0x1;
	s10 =	sld [smem:$0x3FB6]  }
0x3d: {  	_ =	shalt  }
0x3e: {  	_ =	shalt  }
0x3f: {  	_ =	shalt  }
0x40: {  	_ =	shalt  }
0x41: {  	_ =	shalt  }
0x42: {  	_ =	shalt  }
0x43: {  	_ =	shalt  }
0x44: {  	_ =	shalt  }
0x45: {  	_ =	shalt  }
0x46: {  	_ =	shalt  }
0x47: {  	_ =	shalt  }
0x48: {  	_ =	shalt  }
0x49: {  	_ =	shalt  }
0x4a: {  	_ =	shalt  }
0x4b: {  	_ =	shalt  }
0x4c: {  	_ =	shalt  }
0x4d: {  	_ =	shalt  }
0x4e: {  	_ =	shalt  }
0x4f: {  	_ =	shalt  }
0x50: {  	_ =	shalt  }
0x51: {  	_ =	shalt  }
0x52: {  	_ =	shalt  }
0x53: {  	_ =	shalt  }
0x54: {  	_ =	shalt  }
0x55: {  	_ =	shalt  }
0x56: {  	_ =	shalt  }
0x57: {  	_ =	shalt  }
0x58: {  	_ =	shalt  }
0x59: {  	_ =	shalt  }
0x5a: {  	_ =	shalt  }
0x5b: {  	_ =	shalt  }
0x5c: {  	_ =	shalt  }
0x5d: {  	_ =	shalt  }
0x5e: {  	_ =	shalt  }
0x5f: {  	_ =	shalt  }
0x60: {  	_ =	shalt  }
0x61: {  	_ =	shalt  }
0x62: {  	_ =	shalt  }
0x63: {  	_ =	shalt  }
0x64: {  	_ =	shalt  }
0x65: {  	_ =	shalt  }
0x66: {  	_ =	shalt  }
0x67: {  	_ =	shalt  }
0x68: {  	_ =	shalt  }
0x69: {  	_ =	shalt  }
0x6a: {  	_ =	shalt  }
0x6b: {  	_ =	shalt  }
0x6c: {  	_ =	shalt  }
0x6d: {  	_ =	shalt  }
0x6e: {  	_ =	shalt  }
0x6f: {  	_ =	shalt  }
0x70: {  	_ =	shalt  }
0x71: {  	_ =	shalt  }
0x72: {  	_ =	shalt  }
0x73: {  	_ =	shalt  }
0x74: {  	_ =	shalt  }
0x75: {  	_ =	shalt  }
0x76: {  	_ =	shalt  }
0x77: {  	_ =	shalt  }
0x78: {  	_ =	shalt  }
0x79: {  	_ =	shalt  }
0x7a: {  	_ =	shalt  }
0x7b: {  	_ =	shalt  }
0x7c: {  	_ =	shalt  }
0x7d: {  	_ =	shalt  }
0x7e: {  	_ =	shalt  }
0x7f: {  	_ =	shalt  }
0x80: {  	_ =	shalt  }
0x81: {  	_ =	shalt  }
0x82: {  	_ =	shalt  }
0x83: {  	_ =	shalt  }
0x84: {  	_ =	shalt  }
0x85: {  	_ =	shalt  }
0x86: {  	_ =	shalt  }
0x87: {  	_ =	shalt  }
.Lfunc_end0:
.L_simem_size_0:
called_computation.2_lowered:
.L_overlay_start_0:
0x88: {  	s2 =	sld [smem:$0x3FD9]  }
0x89: {  	s3 =	sld [smem:$0x3FFE];
	_ =	sdelay $0x1  }
0x8a: {  	s1 =	srdreg.scid  }
0x8b: {  	s0 =	sand.u32 $0x1, s1  }
0x8c: {  	s17 =	sshll.u32 s0, $0xA;
	s2 =	sadd.s32 s3, s2  }
0x8d: {  	s2 =	sadd.s32 s2, s17  }
0x8e: {  	[smem:$0x3FC2] =	sst s2  }
0x8f: {  	_ = 	snop  }
0x90: {  	s2 =	sld [smem:$0x3FD0];
	(tm) =	ssettm $0x1  }
0x91: {  	s18 =	sld [smem:$0x3FFB];
	_ =	sdelay $0x3  }
0x92: {  	_ =	strace s18  }
0x93: {  	s3 =	sld [smem:$0x3FFC];
	_ =	sdelay $0x3  }
0x94: {  	_ =	strace s3  }
0x95: {  	s3 =	sld [smem:$0x3FFD];
	_ =	sdelay $0x3  }
0x96: {  	_ =	strace s3  }
0x97: {  	_ =	strace $0x8FFFFFFF  }
0x98: {  	s19 =	sld [smem:$0x3FDB];
	_ =	sdelay $0x1  }
0x99: {  	s4 =	simm.s32 $_scs_section_size  }
0x9a: {  	s5 =	simm.s32 $_size__tile_overlayer_lowered;
	s6 =	simm.s32 $_tile_overlayer_lowered  }
0x9b: {  	s22 =	simm.s32 $0x1BFF;
	s21 =	sshll.u32 s6, $0x1;
	s3 =	sadd.s32 s4, s19  }
0x9c: {  	s7 =	simm.s32 $0x0;
	s20 =	sshll.u32 s5, $0x1;
	s5 =	sadd.s32 s21, s3  }
0x9d: {  	[timem:s7], [sflag:s22] =	dma.local [hbm:s5], s20  }
0x9e: {  	_ =	swait.ge [sflag:s22], s20  }
0x9f: {  	s4 =	ssub.s32 $0x0, s20;
	[sflag:s22] =	ssyncset.done $0x0  }
0xa0: {  	[sflag:s22] =	ssyncadd.s32 s4;
	_ =	sdelay $0x1  }
0xa1: {  	s23 =	simm.s32 $0x1B8B  }
0xa2: {  	_ =	swait.ge [sflag:s23], $0x1  }
0xa3: {  	[sflag:s23] =	ssyncset.done $0x0  }
0xa4: {  	s25 =	simm.s32 $0x1B8E;
	s24 =	sld [smem:$0x3FFE];
	[sflag:s23] =	ssyncadd.s32 $0xFFFFFFFF  }
0xa5: {  	s26 =	simm.s32 $execute0_lowered;
	[smem:$0x3FD2] =	sst s25  }
0xa6: {  	s5 =	sshll.u32 s26, $0x1;
	_ =	strace $0x8000004C;
	[dreg:$0x1] =	wrdreg $0xFFFFFFFF  }
0xa7: {  	s28 =	simm.s32 $_size_execute0_lowered;
	s3 =	sadd.s32 s3, s5;
	[dreg:$0x0] =	wrdreg $0x0  }
0xa8: {  	s5 =	sshll.u32 s28, $0x1;
	[dreg:$0x2] =	wrdreg s3  }
0xa9: {  	[dreg:$0x3] =	wrdreg s5  }
0xaa: {  	[dreg:$0x4] =	wrdreg $0xC0  }
0xab: {  	_ =	task [dreg:s7], $0x5FFFF  }
0xac: {  	[dreg:$0x1] =	wrdreg $0xFFFFFFFF  }
0xad: {  	[dreg:$0x0] =	wrdreg $0x60  }
0xae: {  	[dreg:$0x2] =	wrdreg s24  }
0xaf: {  	[dreg:$0x3] =	wrdreg s2  }
0xb0: {  	[dreg:$0x4] =	wrdreg $0x71000  }
0xb1: {  	[dreg:$0x5] =	wrdreg $0xC1000  }
0xb2: {  	[dreg:$0x6] =	wrdreg $0x9  }
0xb3: {  	_ =	task.clear_ibuf [dreg:s7], $0x7FFFF;
	_ =	strace $0x9000004C  }
0xb4: {  	s29 =	simm.s32 $0x9;
	_ =	strace $0x8000004E  }
0xb5: {  	_ =	swait.ge [sflag:s29], $0x1  }
0xb6: {  	[sflag:s29] =	ssyncadd.s32 $0xFFFFFFFF  }
0xb7: {  	_ =	strace $0x9000004E  }
0xb8: {  	_ =	sfence  }
0xb9: {  	s30 =	sld [smem:$0x0];
	_ =	sdelay $0x2  }
0xba: {  	s31 =	sshll.u32 s1, $0xD;
	s1 =	sshrl.u32 s1, $0x2  }
0xbb: {  	s3 =	sand.u32 $0x4000, s31;
	s1 =	sadd.s32 s1, s30  }
0xbc: {  	s0 =	sor.u32 s3, s0;
	s1 =	sshll.u32 s1, $0x11  }
0xbd: {  	s0 =	sor.u32 s1, s0  }
0xbe: {  	s0 =	sadd.s32 $0x8F2B, s0  }
0xbf: {  	[sflag:s0] =	ssyncadd.remote.s32 $0x1  }
0xc0: {  	_ =	sfence.sel $0xFFFF  }
0xc1: {  	[dreg:$0x0] =	wrdreg $0xFFFFFFFF;
	(pc) =	sbr.abs _section_cstart, $3  }
0xc2: {  	[dreg:$0x1] =	wrdreg $0xFFFFFFFF  }
0xc3: {  	_ =	task.clear_ibuf [dreg:s7], $0x2FFFF;
	_ =	strace $0x9FFFFFFF  }
0xc4: {  	(tm) =	ssettm $0x7FFFFFFF  }
0xc5: {  	_ =	shalt  }
tec
execute0_lowered:
.L_overlay_start_1:
0x0: {  	(tag) =	ssettag $0x1  }
0x1: {  	s0 =	rddreg [dreg:$0x0]  }
0x2: {  	s1 =	rddreg [dreg:$0x1]  }
0x3: {  	s2 =	rddreg [dreg:$0x2]  }
0x4: {  	s3 =	rddreg [dreg:$0x3];
	s5 =	srdreg.scid  }
0x5: {  	s10 =	stileid.u32;
	s4 =	simm.s32 $0x0;
	s29 =	simm.s32 $0x3  }
0x6: {  	s31 =	simm.s32 $0x5100;
	s30 =	simm.s32 $0x6100;
	s5 =	sand.u32 $0x1, s5  }
0x7: {  	s6 =	sshll.u32 s10, $0x1;
	[smem:$0x7FF] =	sst s4;
	s13 =	smul.u32 $0xA000, s10  }
0x8: {  	s6 =	sor.u32 s5, s6;
	s7 =	ssub.s32 $0x2, s5;
	s5 =	smul.u32 $0xA0000, s5  }
0x9: {  	s8 =	sadd.s32 $0x1600, s0;
	_ =	strace $0x8000004D;
	s6 =	smul.u32 $0x510, s6  }
0xa: {  	s9 =	sshrl.u32 s7, $0x1;
	s25 =	sshrl.u32 s13, $0x4;
	s26 =	sadd.s32 $0x2000, s13  }
0xb: {  	s16 =	sadd.s32 $0x4000, s13;
	s20 =	sadd.s32 $0x6000, s13;
	s7 =	ssub.s32 s7, s9  }
0xc: {  	s18 =	sshrl.u32 s26, $0x4;
	s21 =	sshrl.u32 s26, $0x1;
	s11 =	sshrl.u32 s16, $0x4  }
0xd: {  	s22 =	sshrl.u32 s16, $0x1;
	s12 =	sshrl.u32 s20, $0x4;
	s19 =	sadd.s32 s5, s16  }
0xe: {  	s23 =	sadd.s32 s6, s0;
	s0 =	sadd.s32 $0x16000, s0;
	s1 =	sadd.s32 s1, s6  }
0xf: {  	s9 =	sadd.s32 s8, s18;
	s10 =	sadd.s32 s21, s2;
	s11 =	sadd.s32 s8, s11  }
0x10: {  	s12 =	sadd.s32 s8, s12;
	s6 =	sadd.s32 s5, s26;
	s21 =	sadd.s32 s21, s3  }
0x11: {  	s28 =	smax.u32 s7, $0x1;
	[dreg:$0x5] =	wrdreg s1;
	s24 =	sadd.s32 $0xBE00, s23  }
0x12: {  	s1 =	sadd.s32 s8, s25;
	[dreg:$0x9] =	wrdreg s9;
	s23 =	sadd.s32 $0x8000, s13  }
0x13: {  	s6 =	sshrl.u32 s6, $0x4;
	s25 =	sshrl.u32 s20, $0x1;
	[dreg:$0x6] =	wrdreg s24  }
0x14: {  	[dreg:$0x7] =	wrdreg s1;
	s1 =	sshrl.u32 s13, $0x1;
	s13 =	sadd.s32 s13, s5  }
0x15: {  	s14 =	sshrl.u32 s23, $0x4;
	s24 =	sadd.s32 s5, s20;
	s5 =	sadd.s32 s5, s23  }
0x16: {  	s26 =	sshrl.u32 s23, $0x1;
	s23 =	sadd.s32 s25, s2;
	s17 =	sadd.s32 s1, s2  }
0x17: {  	s15 =	sshrl.u32 s13, $0x4;
	s13 =	sadd.s32 s8, s14;
	s8 =	sshrl.u32 s24, $0x4  }
0x18: {  	s5 =	sshrl.u32 s5, $0x4;
	s20 =	sadd.s32 s1, s3;
	s24 =	sadd.s32 s25, s3  }
0x19: {  	s25 =	sadd.s32 s26, s2;
	s26 =	sadd.s32 s26, s3;
	s1 =	simm.s32 $0x1  }
0x1a: {  	[dreg:$0x8] =	wrdreg s17;
	s14 =	sadd.s32 s0, s15;
	s15 =	sadd.s32 s0, s6  }
0x1b: {  	s6 =	sshrl.u32 s19, $0x4;
	s17 =	sadd.s32 s0, s8;
	s18 =	sadd.s32 s0, s5  }
0x1c: {  	s19 =	sadd.s32 s22, s2;
	s22 =	sadd.s32 s22, s3;
	s5 =	simm.s32 $0x2  }
0x1d: {  	v0 =	vimm.bf16 $0.0e+00;
	s16 =	sadd.s32 s0, s6;
	s0 =	simm.s32 $0x80;
	s6 =	simm.s32 $0x0  }
.LBB2_1:
0x1e: {  	s7 =	rddreg [dreg:$0x5]  }
0x1f: {  	[tilespmem:s4], [sflag:$0x3] =	stream.linear.gather [hbm4b:s7+s4], $0x2880, $0x38;
	[tilespmem:$0x11100] =	vst v63  }
0x20: {  	_ =	swait.ge [sflag:s29], $0x2880  }
0x21: {  	[sflag:s29] =	ssyncset.done $0x0  }
0x22: {  	s8 =	simm.s32 $0x2880;
	s9 =	rddreg [dreg:$0x6];
	[sflag:s29] =	ssyncadd.s32 $0xFFFFD780  }
0x23: {  	[tilespmem:s8], [sflag:$0x3] =	stream.linear.gather [hbm4b:s9+s4], $0x2880, $0x38;
	[tilespmem:$0x11100] =	vst v63  }
0x24: {  	_ =	swait.ge [sflag:s29], $0x2880  }
0x25: {  	[sflag:s29] =	ssyncset.done $0x0  }
0x26: {  	s9 =	rddreg [dreg:$0x7];
	[sflag:s29] =	ssyncadd.s32 $0xFFFFD780  }
0x27: {  	[tilespmem:s31], [sflag:$0x3] =	stream.linear.gather [hbm4b:s9+s4], $0x1000, $0x38;
	[tilespmem:$0x11100] =	vst v63  }
0x28: {  	_ =	swait.ge [sflag:s29], $0x1000  }
0x29: {  	[sflag:s29] =	ssyncset.done $0x0  }
0x2a: {  	s8 =	rddreg [dreg:$0x8];
	[sflag:s29] =	ssyncadd.s32 $0xFFFFF000  }
0x2b: {  	[spmem:s8] =	stream.linear.scatter [tilespmem:s31], [sflag:$0x3], $0x1000, $0x38;
	[tilespmem:$0x11100] =	vst v63  }
0x2c: {  	_ =	swait.ge [sflag:s29], $0x1000  }
0x2d: {  	[sflag:s29] =	ssyncset.done $0x0  }
0x2e: {  	s9 =	rddreg [dreg:$0x9];
	[sflag:s29] =	ssyncadd.s32 $0xFFFFF000  }
0x2f: {  	[tilespmem:s31], [sflag:$0x3] =	stream.linear.gather [hbm4b:s9+s4], $0x1000, $0x38;
	[tilespmem:$0x11100] =	vst v63  }
0x30: {  	_ =	swait.ge [sflag:s29], $0x1000  }
0x31: {  	[sflag:s29] =	ssyncset.done $0x0  }
0x32: {  	[sflag:s29] =	ssyncadd.s32 $0xFFFFF000  }
0x33: {  	[spmem:s10] =	stream.linear.scatter [tilespmem:s31], [sflag:$0x3], $0x1000, $0x38;
	[tilespmem:$0x11100] =	vst v63  }
0x34: {  	_ =	swait.ge [sflag:s29], $0x1000  }
0x35: {  	[sflag:s29] =	ssyncset.done $0x0  }
0x36: {  	[sflag:s29] =	ssyncadd.s32 $0xFFFFF000  }
0x37: {  	[tilespmem:s31], [sflag:$0x3] =	stream.linear.gather [hbm4b:s11+s4], $0x1000, $0x38;
	[tilespmem:$0x11100] =	vst v63  }
0x38: {  	_ =	swait.ge [sflag:s29], $0x1000  }
0x39: {  	[sflag:s29] =	ssyncset.done $0x0  }
0x3a: {  	[sflag:s29] =	ssyncadd.s32 $0xFFFFF000  }
0x3b: {  	[spmem:s19] =	stream.linear.scatter [tilespmem:s31], [sflag:$0x3], $0x1000, $0x38;
	[tilespmem:$0x11100] =	vst v63  }
0x3c: {  	_ =	swait.ge [sflag:s29], $0x1000  }
0x3d: {  	[sflag:s29] =	ssyncset.done $0x0  }
0x3e: {  	[sflag:s29] =	ssyncadd.s32 $0xFFFFF000  }
0x3f: {  	[tilespmem:s31], [sflag:$0x3] =	stream.linear.gather [hbm4b:s12+s4], $0x1000, $0x38;
	[tilespmem:$0x11100] =	vst v63  }
0x40: {  	_ =	swait.ge [sflag:s29], $0x1000  }
0x41: {  	[sflag:s29] =	ssyncset.done $0x0  }
0x42: {  	[sflag:s29] =	ssyncadd.s32 $0xFFFFF000  }
0x43: {  	[spmem:s23] =	stream.linear.scatter [tilespmem:s31], [sflag:$0x3], $0x1000, $0x38;
	[tilespmem:$0x11100] =	vst v63  }
0x44: {  	_ =	swait.ge [sflag:s29], $0x1000  }
0x45: {  	[sflag:s29] =	ssyncset.done $0x0  }
0x46: {  	[sflag:s29] =	ssyncadd.s32 $0xFFFFF000  }
0x47: {  	[tilespmem:s31], [sflag:$0x3] =	stream.linear.gather [hbm4b:s13+s4], $0x1000, $0x38;
	[tilespmem:$0x11100] =	vst v63  }
0x48: {  	_ =	swait.ge [sflag:s29], $0x1000  }
0x49: {  	[sflag:s29] =	ssyncset.done $0x0  }
0x4a: {  	[sflag:s29] =	ssyncadd.s32 $0xFFFFF000  }
0x4b: {  	[spmem:s25] =	stream.linear.scatter [tilespmem:s31], [sflag:$0x3], $0x1000, $0x38;
	[tilespmem:$0x11100] =	vst v63  }
0x4c: {  	_ =	swait.ge [sflag:s29], $0x1000  }
0x4d: {  	[sflag:s29] =	ssyncset.done $0x0  }
0x4e: {  	s7 =	simm.s32 $0x80;
	s8 =	simm.s32 $0x0;
	[sflag:s29] =	ssyncadd.s32 $0xFFFFF000  }
.LBB2_2:
0x4f: {  	p0 =	sne.s32 s7, $0x3F80;
	[tilespmem:s8+$0x5100] =	vst v0;
	s9 =	smov.u32 s7;
	s7 =	sadd.s32 $0x80, s7  }
.Ltmp0:
0x50: {  	[tilespmem:s8+$0x5110] =	vst v0;
	(pc) =	sbr.rel @p0 .LBB2_2-.Ltmp0, $2  }
0x51: {  	_ =	sdelay $0x2  }
0x52: {  	s8 =	sshra.s32 s9, $0x2  }
0x53: {  	[tilespmem:s8+$0x5100] =	vst v0  }
0x54: {  	[tilespmem:s8+$0x5110] =	vst v0  }
0x55: {  	[spmem:s20] =	stream.linear.scatter [tilespmem:s31], [sflag:$0x3], $0x1000, $0x38;
	[tilespmem:$0x11100] =	vst v63  }
0x56: {  	_ =	swait.ge [sflag:s29], $0x1000  }
0x57: {  	[sflag:s29] =	ssyncset.done $0x0  }
0x58: {  	[sflag:s29] =	ssyncadd.s32 $0xFFFFF000  }
0x59: {  	[spmem:s21] =	stream.linear.scatter [tilespmem:s31], [sflag:$0x3], $0x1000, $0x38;
	[tilespmem:$0x11100] =	vst v63  }
0x5a: {  	_ =	swait.ge [sflag:s29], $0x1000  }
0x5b: {  	[sflag:s29] =	ssyncset.done $0x0  }
0x5c: {  	[sflag:s29] =	ssyncadd.s32 $0xFFFFF000  }
0x5d: {  	[spmem:s22] =	stream.linear.scatter [tilespmem:s31], [sflag:$0x3], $0x1000, $0x38;
	[tilespmem:$0x11100] =	vst v63  }
0x5e: {  	_ =	swait.ge [sflag:s29], $0x1000  }
0x5f: {  	[sflag:s29] =	ssyncset.done $0x0  }
0x60: {  	[sflag:s29] =	ssyncadd.s32 $0xFFFFF000  }
0x61: {  	[spmem:s24] =	stream.linear.scatter [tilespmem:s31], [sflag:$0x3], $0x1000, $0x38;
	[tilespmem:$0x11100] =	vst v63  }
0x62: {  	_ =	swait.ge [sflag:s29], $0x1000  }
0x63: {  	[sflag:s29] =	ssyncset.done $0x0  }
0x64: {  	[sflag:s29] =	ssyncadd.s32 $0xFFFFF000  }
0x65: {  	[spmem:s26] =	stream.linear.scatter [tilespmem:s31], [sflag:$0x3], $0x1000, $0x38;
	[tilespmem:$0x11100] =	vst v63  }
0x66: {  	_ =	swait.ge [sflag:s29], $0x1000  }
0x67: {  	[sflag:s29] =	ssyncset.done $0x0  }
0x68: {  	[sflag:s29] =	ssyncadd.s32 $0xFFFFF000  }
0x69: {  	s7 =	simm.s32 $0x0;
	[bflag:$0x0] =	sbarrier.arrive $0xFFFF  }
0x6a: {  	[tilespmem:s31], [sflag:$0x1] =	stream.indirect.gather [spmem:s2], $0x20, s7, s0, $0xb8;
	[tilespmem:$0x11100] =	vst v63  }
0x6b: {  	_ =	swait.ge [sflag:s1], $0x1000  }
0x6c: {  	[sflag:s1] =	ssyncset.done $0x0  }
0x6d: {  	s8 =	simm.s32 $0x80;
	[sflag:s1] =	ssyncadd.s32 $0xFFFFF000  }
0x6e: {  	[tilespmem:s30], [sflag:$0x2] =	stream.indirect.gather [spmem:s2], $0x20, s8, s0, $0xb8;
	[tilespmem:$0x11100] =	vst v63  }
0x6f: {  	s9 =	simm.s32 $0x2880  }
0x70: {  	[spmem:s3] =	stream.indirect.scatter.add.bf16 [tilespmem:s31], [sflag:$0x3], $0x20, s9, s0, $0xb8;
	[tilespmem:$0x11100] =	vst v63  }
0x71: {  	_ =	swait.ge [sflag:s29], $0x1000  }
0x72: {  	[sflag:s29] =	ssyncset.done $0x0  }
0x73: {  	[sflag:s29] =	ssyncadd.s32 $0xFFFFF000  }
0x74: {  	_ =	swait.ge [sflag:s5], $0x1000  }
0x75: {  	[sflag:s5] =	ssyncset.done $0x0  }
0x76: {  	s8 =	simm.s32 $0x100;
	[sflag:s5] =	ssyncadd.s32 $0xFFFFF000  }
0x77: {  	[tilespmem:s31], [sflag:$0x1] =	stream.indirect.gather [spmem:s2], $0x20, s8, s0, $0xb8;
	[tilespmem:$0x11100] =	vst v63  }
0x78: {  	s9 =	simm.s32 $0x2900  }
0x79: {  	[spmem:s3] =	stream.indirect.scatter.add.bf16 [tilespmem:s30], [sflag:$0x3], $0x20, s9, s0, $0xb8;
	[tilespmem:$0x11100] =	vst v63  }
0x7a: {  	_ =	swait.ge [sflag:s29], $0x1000  }
0x7b: {  	s7 =	simm.s32 $0x400;
	[sflag:s29] =	ssyncset.done $0x0  }
.LBB2_4:
0x7c: {  	p0 =	sne.s32 s7, $0x9C00  }
0x7d: {  	[sflag:s29] =	ssyncadd.s32 $0xFFFFF000;
	s8 =	smov.u32 s7;
	s7 =	sadd.s32 $0x400, s7  }
0x7e: {  	_ = 	snop  }
0x7f: {  	_ =	swait.ge [sflag:s1], $0x1000  }
0x80: {  	s8 =	sshra.s32 s8, $0x2;
	[sflag:s1] =	ssyncset.done $0x0  }
0x81: {  	s9 =	sadd.s32 $0x80, s8;
	[sflag:s1] =	ssyncadd.s32 $0xFFFFF000  }
0x82: {  	[tilespmem:s30], [sflag:$0x2] =	stream.indirect.gather [spmem:s2], $0x20, s9, s0, $0xb8;
	[tilespmem:$0x11100] =	vst v63  }
0x83: {  	s9 =	sadd.s32 $0x2880, s8  }
0x84: {  	[spmem:s3] =	stream.indirect.scatter.add.bf16 [tilespmem:s31], [sflag:$0x3], $0x20, s9, s0, $0xb8;
	[tilespmem:$0x11100] =	vst v63  }
0x85: {  	_ =	swait.ge [sflag:s29], $0x1000  }
0x86: {  	[sflag:s29] =	ssyncset.done $0x0  }
0x87: {  	[sflag:s29] =	ssyncadd.s32 $0xFFFFF000  }
0x88: {  	_ =	swait.ge [sflag:s5], $0x1000  }
0x89: {  	[sflag:s5] =	ssyncset.done $0x0  }
0x8a: {  	s9 =	sadd.s32 $0x100, s8;
	[sflag:s5] =	ssyncadd.s32 $0xFFFFF000  }
0x8b: {  	[tilespmem:s31], [sflag:$0x1] =	stream.indirect.gather [spmem:s2], $0x20, s9, s0, $0xb8;
	[tilespmem:$0x11100] =	vst v63  }
.Ltmp1:
0x8c: {  	_ = 	snop;
	(pc) =	sbr.rel @p0 .LBB2_4-.Ltmp1, $4  }
0x8d: {  	s8 =	sadd.s32 $0x2900, s8  }
0x8e: {  	[spmem:s3] =	stream.indirect.scatter.add.bf16 [tilespmem:s30], [sflag:$0x3], $0x20, s8, s0, $0xb8;
	[tilespmem:$0x11100] =	vst v63  }
0x8f: {  	_ =	swait.ge [sflag:s29], $0x1000  }
0x90: {  	[sflag:s29] =	ssyncset.done $0x0  }
0x91: {  	[sflag:s29] =	ssyncadd.s32 $0xFFFFF000  }
0x92: {  	_ =	swait.ge [sflag:s1], $0x1000  }
0x93: {  	[sflag:s1] =	ssyncset.done $0x0  }
0x94: {  	s7 =	simm.s32 $0x5080;
	[sflag:s1] =	ssyncadd.s32 $0xFFFFF000  }
0x95: {  	[spmem:s3] =	stream.indirect.scatter.add.bf16 [tilespmem:s31], [sflag:$0x3], $0x20, s7, s0, $0xb8;
	[tilespmem:$0x11100] =	vst v63  }
0x96: {  	_ =	swait.ge [sflag:s29], $0x1000  }
0x97: {  	[sflag:s29] =	ssyncset.done $0x0  }
0x98: {  	[sflag:s29] =	ssyncadd.s32 $0xFFFFF000  }
0x99: {  	[bflag:$0x0] =	sbarrier.arrive $0xFFFF  }
0x9a: {  	[tilespmem:s31], [sflag:$0x3] =	stream.linear.gather [spmem:s20], $0x1000, $0x38;
	[tilespmem:$0x11100] =	vst v63  }
0x9b: {  	_ =	swait.ge [sflag:s29], $0x1000  }
0x9c: {  	[sflag:s29] =	ssyncset.done $0x0  }
0x9d: {  	[sflag:s29] =	ssyncadd.s32 $0xFFFFF000  }
0x9e: {  	[hbm4b:s14+s4] =	stream.linear.scatter [tilespmem:s31], [sflag:$0x3], $0x1000, $0x38;
	[tilespmem:$0x11100] =	vst v63  }
0x9f: {  	_ =	swait.ge [sflag:s29], $0x1000  }
0xa0: {  	[sflag:s29] =	ssyncset.done $0x0  }
0xa1: {  	[sflag:s29] =	ssyncadd.s32 $0xFFFFF000  }
0xa2: {  	[tilespmem:s31], [sflag:$0x3] =	stream.linear.gather [spmem:s21], $0x1000, $0x38;
	[tilespmem:$0x11100] =	vst v63  }
0xa3: {  	_ =	swait.ge [sflag:s29], $0x1000  }
0xa4: {  	[sflag:s29] =	ssyncset.done $0x0  }
0xa5: {  	[sflag:s29] =	ssyncadd.s32 $0xFFFFF000  }
0xa6: {  	[hbm4b:s15+s4] =	stream.linear.scatter [tilespmem:s31], [sflag:$0x3], $0x1000, $0x38;
	[tilespmem:$0x11100] =	vst v63  }
0xa7: {  	_ =	swait.ge [sflag:s29], $0x1000  }
0xa8: {  	[sflag:s29] =	ssyncset.done $0x0  }
0xa9: {  	[sflag:s29] =	ssyncadd.s32 $0xFFFFF000  }
0xaa: {  	[tilespmem:s31], [sflag:$0x3] =	stream.linear.gather [spmem:s22], $0x1000, $0x38;
	[tilespmem:$0x11100] =	vst v63  }
0xab: {  	_ =	swait.ge [sflag:s29], $0x1000  }
0xac: {  	[sflag:s29] =	ssyncset.done $0x0  }
0xad: {  	[sflag:s29] =	ssyncadd.s32 $0xFFFFF000  }
0xae: {  	[hbm4b:s16+s4] =	stream.linear.scatter [tilespmem:s31], [sflag:$0x3], $0x1000, $0x38;
	[tilespmem:$0x11100] =	vst v63  }
0xaf: {  	_ =	swait.ge [sflag:s29], $0x1000  }
0xb0: {  	[sflag:s29] =	ssyncset.done $0x0  }
0xb1: {  	[sflag:s29] =	ssyncadd.s32 $0xFFFFF000  }
0xb2: {  	[tilespmem:s31], [sflag:$0x3] =	stream.linear.gather [spmem:s24], $0x1000, $0x38;
	[tilespmem:$0x11100] =	vst v63  }
0xb3: {  	_ =	swait.ge [sflag:s29], $0x1000  }
0xb4: {  	[sflag:s29] =	ssyncset.done $0x0  }
0xb5: {  	[sflag:s29] =	ssyncadd.s32 $0xFFFFF000  }
0xb6: {  	[hbm4b:s17+s4] =	stream.linear.scatter [tilespmem:s31], [sflag:$0x3], $0x1000, $0x38;
	[tilespmem:$0x11100] =	vst v63  }
0xb7: {  	_ =	swait.ge [sflag:s29], $0x1000  }
0xb8: {  	[sflag:s29] =	ssyncset.done $0x0  }
0xb9: {  	[sflag:s29] =	ssyncadd.s32 $0xFFFFF000  }
0xba: {  	[tilespmem:s31], [sflag:$0x3] =	stream.linear.gather [spmem:s26], $0x1000, $0x38;
	[tilespmem:$0x11100] =	vst v63  }
0xbb: {  	s6 =	sadd.s32 $0x1, s6;
	_ =	swait.ge [sflag:s29], $0x1000  }
0xbc: {  	p0 =	sne.s32 s6, s28;
	[sflag:s29] =	ssyncset.done $0x0  }
.Ltmp2:
0xbd: {  	[sflag:s29] =	ssyncadd.s32 $0xFFFFF000;
	(pc) =	sbr.rel @p0 .LBB2_1-.Ltmp2, $4  }
0xbe: {  	[hbm4b:s18+s4] =	stream.linear.scatter [tilespmem:s31], [sflag:$0x3], $0x1000, $0x38;
	[tilespmem:$0x11100] =	vst v63  }
0xbf: {  	_ =	swait.ge [sflag:s29], $0x1000  }
0xc0: {  	[sflag:s29] =	ssyncset.done $0x0  }
0xc1: {  	[sflag:s29] =	ssyncadd.s32 $0xFFFFF000  }
0xc2: {  	_ =	sfence.sel $0x180000  }
0xc3: {  	[bflag:$0x0] =	sbarrier.arrive $0xFFFF  }
0xc4: {  	_ =	strace $0x9000004D  }
0xc5: {  	s0 =	stileid.u32;
	[bflag:$0x2] =	sbarrier.arrive $0xFFFF  }
0xc6: {  	p0 =	sne.s32 s0, $0x0;
	s0 =	rddreg [dreg:$0x4]  }
0xc7: {  	s0 =	sadd.s32 @!p0 $0x100000, s0  }
0xc8: {  	[sflag:s0] =	ssyncadd.tile.s32 @!p0 $0x1;
	_ =	shalt  }
.Lfunc_end2:
_tile_overlayer_lowered:
.L_overlay_start_2:
0xc9: {  	(tag) =	ssettag $0x2  }
0xca: {  	s0 =	rddreg [dreg:$0x0];
	s2 =	stileid.u32  }
0xcb: {  	s1 =	rddreg [dreg:$0x1];
	p0 =	sne.s32 s2, $0x0  }
0xcc: {  	s3 =	rddreg [dreg:$0x2];
	[bflag:$0x3] =	sbarrier.arrive $0xFFFF;
	s2 =	simm.s32 @!p0 $0x1C03  }
0xcd: {  	[timem:s3], [sflag:s2] =	dma.local @!p0 [hbm:s0], s1  }
0xce: {  	s0 =	simm.s32 @!p0 $0x3  }
0xcf: {  	_ =	swait.ge @!p0 [sflag:s0], s1  }
0xd0: {  	s1 =	ssub.s32 @!p0 $0x0, s1;
	[sflag:s0] =	ssyncset.done @!p0 $0x0  }
0xd1: {  	[sflag:s0] =	ssyncadd.s32 @!p0 s1  }
0xd2: {  	[bflag:$0x3] =	sbarrier.arrive $0xFFFF  }
0xd3: {  	_ =	shalt  }

// kernel: kernel.8.cloned.1.call-start
scs
__scs_entry_jumppad:
0x0: {  	(pc) =	sbr.rel $0x88, $3  }
0x1: {  	(tag) =	ssettag $0x0;
	lr =	simm.s32 $0x1  }
0x2: {  	[smem:$0x3F9B] =	sst lr;
	_ =	strace $0xD0000000  }
0x3: {  	_ = 	snop  }
0x4: {  	_ = 	snop  }
0x5: {  	_ = 	snop  }
0x6: {  	_ = 	snop  }
0x7: {  	_ = 	snop  }
__scs_overlays_trampoline_lowered:
0x8: {  	[smem:$0x3FAA] =	sst s0  }
0x9: {  	[smem:$0x3FAB] =	sst s1  }
0xa: {  	[smem:$0x3FAC] =	sst s2  }
0xb: {  	[smem:$0x3FAD] =	sst s3  }
0xc: {  	[smem:$0x3FAE] =	sst s4  }
0xd: {  	[smem:$0x3FAF] =	sst s5  }
0xe: {  	[smem:$0x3FB0] =	sst s6  }
0xf: {  	[smem:$0x3FB1] =	sst s7  }
0x10: {  	[smem:$0x3FB2] =	sst s8  }
0x11: {  	[smem:$0x3FB3] =	sst s9;
	s0 =	simm.s32 @!p0 $0x0  }
0x12: {  	s1 =	sld [smem:$0x3F99];
	s0 =	simm.s32 @p0 $0x1  }
0x13: {  	[smem:$0x3FB4] =	sst s0;
	s0 =	simm.s32 @!p1 $0x0  }
0x14: {  	s2 =	sld [smem:$0x3F98];
	s0 =	simm.s32 @p1 $0x1  }
0x15: {  	[smem:$0x3FB5] =	sst s0;
	s0 =	simm.s32 @!p2 $0x0  }
0x16: {  	s3 =	sld [smem:$0x3FDB];
	s0 =	simm.s32 @p2 $0x1  }
0x17: {  	s4 =	simm.s32 $0x1BF5;
	[smem:$0x3FB7] =	sst s0  }
0x18: {  	s0 =	sld [smem:$0x3F9A];
	_ =	swait.ge [sflag:s4], $0x0  }
0x19: {  	s7 =	sld [smem:$0x3F9B]  }
0x1a: {  	s8 =	sadd.s32 $0xFFFFE003, lr  }
0x1b: {  	s9 =	sadd.s32 $0xFFFFFEF7, lr;
	s5 =	simm.s32 $0xFFFFFFFF;
	p2 =	slt.u32 s8, $0xFFFFF086  }
0x1c: {  	p1 =	slt.u32 s9, $0xF7A;
	s5 =	simm.s32 @!p2 $0x0  }
0x1d: {  	s5 =	simm.s32 @p1 $0x1;
	p0 =	seq.s32 s7, s2  }
0x1e: {  	s7 =	smul.u32 @!p0 $0xF7A, s2;
	p2 =	seq.s32 @!p0 s5, $0x0  }
0x1f: {  	s9 =	smul.u32 $0xF7A, s1;
	s8 =	simm.s32 @!p0 $0x1BF5;
	p2 =	por !p2, p0  }
0x20: {  	[sflag:s8] =	ssyncset.s32 @!p0 $0xFFFFF086;
	s6 =	sadd.s32 @!p0 s3, s7;
	s7 =	simm.s32 @!p0 $0x108  }
0x21: {  	s3 =	sadd.s32 s3, s9;
	s6 =	sadd.s32 @!p0 $0x88, s6;
	s7 =	simm.s32 @p2 $0x1082  }
0x22: {  	[simem:s7], [sflag:s8] =	dma.local @!p0 [hbm:s6], $0xF7A  }
0x23: {  	s9 =	sor.u32 $0xD0000000, s2;
	s6 =	simm.s32 $0x108;
	_ =	swait.ge @!p0 [sflag:s8], $0x0  }
0x24: {  	s3 =	sadd.s32 $0x88, s3;
	s6 =	simm.s32 @!p1 $0x1082;
	[sflag:s4] =	ssyncset.s32 $0xFFFFF086  }
0x25: {  	[simem:s6], [sflag:s4] =	dma.local [hbm:s3], $0xF7A  }
0x26: {  	[smem:$0x3F9B] =	sst s1;
	(tag) =	ssettag s2;
	_ =	strace s9  }
0x27: {  	s1 =	sld [smem:$0x3FAB]  }
0x28: {  	s2 =	sld [smem:$0x3FAC]  }
0x29: {  	s4 =	sld [smem:$0x3FAE]  }
0x2a: {  	p0 =	seq.s32 s5, $0x0;
	s5 =	sld [smem:$0x3FAF]  }
0x2b: {  	s6 =	sld [smem:$0x3FB0]  }
0x2c: {  	s7 =	sld [smem:$0x3FB1]  }
0x2d: {  	s3 =	simm.s32 $0x108;
	s8 =	sld [smem:$0x3FB2]  }
0x2e: {  	s3 =	simm.s32 @!p0 $0x1082;
	s9 =	sld [smem:$0x3FB3]  }
0x2f: {  	lr =	sadd.s32 s0, s3;
	s0 =	sld [smem:$0x3FAA]  }
0x30: {  	s3 =	sld [smem:$0x3FAD]  }
0x31: {  	[smem:$0x3FB6] =	sst s10  }
0x32: {  	s10 =	sld [smem:$0x3FB4];
	_ =	sdelay $0x3  }
0x33: {  	p0 =	seq.s32 s10, $0x1;
	s10 =	sld [smem:$0x3FB6];
	_ =	sdelay $0x3  }
0x34: {  	[smem:$0x3FB6] =	sst s10  }
0x35: {  	s10 =	sld [smem:$0x3FB5];
	_ =	sdelay $0x3  }
0x36: {  	p1 =	seq.s32 s10, $0x1;
	s10 =	sld [smem:$0x3FB6];
	_ =	sdelay $0x3  }
0x37: {  	[smem:$0x3FB6] =	sst s10  }
0x38: {  	s10 =	sld [smem:$0x3FB7]  }
0x39: {  	_ = 	snop;
	(pc) =	sbr.ind lr, $3  }
0x3a: {  	_ = 	snop  }
0x3b: {  	_ = 	snop  }
0x3c: {  	p2 =	seq.s32 s10, $0x1;
	s10 =	sld [smem:$0x3FB6]  }
0x3d: {  	_ =	shalt  }
0x3e: {  	_ =	shalt  }
0x3f: {  	_ =	shalt  }
0x40: {  	_ =	shalt  }
0x41: {  	_ =	shalt  }
0x42: {  	_ =	shalt  }
0x43: {  	_ =	shalt  }
0x44: {  	_ =	shalt  }
0x45: {  	_ =	shalt  }
0x46: {  	_ =	shalt  }
0x47: {  	_ =	shalt  }
0x48: {  	_ =	shalt  }
0x49: {  	_ =	shalt  }
0x4a: {  	_ =	shalt  }
0x4b: {  	_ =	shalt  }
0x4c: {  	_ =	shalt  }
0x4d: {  	_ =	shalt  }
0x4e: {  	_ =	shalt  }
0x4f: {  	_ =	shalt  }
0x50: {  	_ =	shalt  }
0x51: {  	_ =	shalt  }
0x52: {  	_ =	shalt  }
0x53: {  	_ =	shalt  }
0x54: {  	_ =	shalt  }
0x55: {  	_ =	shalt  }
0x56: {  	_ =	shalt  }
0x57: {  	_ =	shalt  }
0x58: {  	_ =	shalt  }
0x59: {  	_ =	shalt  }
0x5a: {  	_ =	shalt  }
0x5b: {  	_ =	shalt  }
0x5c: {  	_ =	shalt  }
0x5d: {  	_ =	shalt  }
0x5e: {  	_ =	shalt  }
0x5f: {  	_ =	shalt  }
0x60: {  	_ =	shalt  }
0x61: {  	_ =	shalt  }
0x62: {  	_ =	shalt  }
0x63: {  	_ =	shalt  }
0x64: {  	_ =	shalt  }
0x65: {  	_ =	shalt  }
0x66: {  	_ =	shalt  }
0x67: {  	_ =	shalt  }
0x68: {  	_ =	shalt  }
0x69: {  	_ =	shalt  }
0x6a: {  	_ =	shalt  }
0x6b: {  	_ =	shalt  }
0x6c: {  	_ =	shalt  }
0x6d: {  	_ =	shalt  }
0x6e: {  	_ =	shalt  }
0x6f: {  	_ =	shalt  }
0x70: {  	_ =	shalt  }
0x71: {  	_ =	shalt  }
0x72: {  	_ =	shalt  }
0x73: {  	_ =	shalt  }
0x74: {  	_ =	shalt  }
0x75: {  	_ =	shalt  }
0x76: {  	_ =	shalt  }
0x77: {  	_ =	shalt  }
0x78: {  	_ =	shalt  }
0x79: {  	_ =	shalt  }
0x7a: {  	_ =	shalt  }
0x7b: {  	_ =	shalt  }
0x7c: {  	_ =	shalt  }
0x7d: {  	_ =	shalt  }
0x7e: {  	_ =	shalt  }
0x7f: {  	_ =	shalt  }
0x80: {  	_ =	shalt  }
0x81: {  	_ =	shalt  }
0x82: {  	_ =	shalt  }
0x83: {  	_ =	shalt  }
0x84: {  	_ =	shalt  }
0x85: {  	_ =	shalt  }
0x86: {  	_ =	shalt  }
0x87: {  	_ =	shalt  }
.Lfunc_end0:
.L_simem_size_0:
called_computation_lowered:
.L_overlay_start_0:
0x88: {  	s2 =	sld [smem:$0x3FD9]  }
0x89: {  	s3 =	sld [smem:$0x3FFE];
	_ =	sdelay $0x1  }
0x8a: {  	s1 =	srdreg.scid  }
0x8b: {  	s0 =	sand.u32 $0x1, s1  }
0x8c: {  	s16 =	sshll.u32 s0, $0xA;
	s2 =	sadd.s32 s3, s2  }
0x8d: {  	s2 =	sadd.s32 s2, s16  }
0x8e: {  	[smem:$0x3FC2] =	sst s2  }
0x8f: {  	_ = 	snop  }
0x90: {  	(tm) =	ssettm $0x1  }
0x91: {  	s17 =	sld [smem:$0x3FFB];
	_ =	sdelay $0x3  }
0x92: {  	_ =	strace s17  }
0x93: {  	s2 =	sld [smem:$0x3FFC];
	_ =	sdelay $0x3  }
0x94: {  	_ =	strace s2  }
0x95: {  	s2 =	sld [smem:$0x3FFD];
	_ =	sdelay $0x3  }
0x96: {  	_ =	strace s2  }
0x97: {  	_ =	strace $0x8FFFFFFF  }
0x98: {  	s18 =	sld [smem:$0x3FDB];
	_ =	sdelay $0x1  }
0x99: {  	s19 =	simm.s32 $_scs_section_size  }
0x9a: {  	s4 =	simm.s32 $_size__tile_overlayer_lowered;
	s5 =	simm.s32 $_tile_overlayer_lowered  }
0x9b: {  	s22 =	simm.s32 $0x1BFF;
	s21 =	sshll.u32 s5, $0x1;
	s2 =	sadd.s32 s19, s18  }
0x9c: {  	s6 =	simm.s32 $0x0;
	s20 =	sshll.u32 s4, $0x1;
	s4 =	sadd.s32 s21, s2  }
0x9d: {  	[timem:s6], [sflag:s22] =	dma.local [hbm:s4], s20  }
0x9e: {  	_ =	swait.ge [sflag:s22], s20  }
0x9f: {  	s3 =	ssub.s32 $0x0, s20;
	[sflag:s22] =	ssyncset.done $0x0  }
0xa0: {  	[sflag:s22] =	ssyncadd.s32 s3;
	_ =	sdelay $0x1  }
0xa1: {  	s23 =	simm.s32 $0x1B8B  }
0xa2: {  	_ =	swait.ge [sflag:s23], $0x1  }
0xa3: {  	[sflag:s23] =	ssyncset.done $0x0  }
0xa4: {  	s25 =	simm.s32 $0x1B8E;
	s24 =	sld [smem:$0x3FFE];
	[sflag:s23] =	ssyncadd.s32 $0xFFFFFFFF  }
0xa5: {  	s26 =	simm.s32 $execute0_lowered;
	[smem:$0x3FD2] =	sst s25  }
0xa6: {  	s4 =	sshll.u32 s26, $0x1;
	_ =	strace $0x80000046;
	[dreg:$0x1] =	wrdreg $0xFFFFFFFF  }
0xa7: {  	s28 =	simm.s32 $_size_execute0_lowered;
	s2 =	sadd.s32 s2, s4;
	[dreg:$0x0] =	wrdreg $0x0  }
0xa8: {  	s4 =	sshll.u32 s28, $0x1;
	[dreg:$0x2] =	wrdreg s2  }
0xa9: {  	[dreg:$0x3] =	wrdreg s4  }
0xaa: {  	[dreg:$0x4] =	wrdreg $0xC0  }
0xab: {  	_ =	task [dreg:s6], $0x5FFFF  }
0xac: {  	[dreg:$0x1] =	wrdreg $0xFFFFFFFF  }
0xad: {  	[dreg:$0x0] =	wrdreg $0x60  }
0xae: {  	[dreg:$0x2] =	wrdreg s24  }
0xaf: {  	[dreg:$0x3] =	wrdreg $0x52500  }
0xb0: {  	[dreg:$0x4] =	wrdreg $0x9  }
0xb1: {  	_ =	task.clear_ibuf [dreg:s6], $0x5FFFF;
	_ =	strace $0x90000046  }
0xb2: {  	s29 =	simm.s32 $0x9;
	_ =	strace $0x80000048  }
0xb3: {  	_ =	swait.ge [sflag:s29], $0x1  }
0xb4: {  	[sflag:s29] =	ssyncadd.s32 $0xFFFFFFFF  }
0xb5: {  	_ =	strace $0x90000048  }
0xb6: {  	_ =	sfence  }
0xb7: {  	s30 =	sld [smem:$0x0];
	_ =	sdelay $0x2  }
0xb8: {  	s31 =	sshll.u32 s1, $0xD;
	s1 =	sshrl.u32 s1, $0x2  }
0xb9: {  	s3 =	sand.u32 $0x4000, s31;
	s1 =	sadd.s32 s1, s30  }
0xba: {  	s0 =	sor.u32 s3, s0;
	s1 =	sshll.u32 s1, $0x11  }
0xbb: {  	s0 =	sor.u32 s1, s0  }
0xbc: {  	s0 =	sadd.s32 $0x8F2B, s0  }
0xbd: {  	[sflag:s0] =	ssyncadd.remote.s32 $0x1  }
0xbe: {  	_ =	sfence.sel $0xFFFF  }
0xbf: {  	[dreg:$0x0] =	wrdreg $0xFFFFFFFF;
	(pc) =	sbr.abs _section_cstart, $3  }
0xc0: {  	[dreg:$0x1] =	wrdreg $0xFFFFFFFF  }
0xc1: {  	_ =	task.clear_ibuf [dreg:s6], $0x2FFFF;
	_ =	strace $0x9FFFFFFF  }
0xc2: {  	(tm) =	ssettm $0x7FFFFFFF  }
0xc3: {  	_ =	shalt  }
tec
execute0_lowered:
.L_overlay_start_1:
0x0: {  	(tag) =	ssettag $0x1  }
0x1: {  	s4 =	rddreg [dreg:$0x0]  }
0x2: {  	s2 =	rddreg [dreg:$0x1]  }
0x3: {  	s0 =	rddreg [dreg:$0x2];
	s3 =	srdreg.scid  }
0x4: {  	s1 =	stileid.u32;
	s10 =	simm.s32 $0x2780;
	s11 =	simm.s32 $0x50  }
0x5: {  	s12 =	simm.s32 $0x5200;
	s13 =	simm.s32 $0x0;
	s5 =	sand.u32 $0x1, s3  }
0x6: {  	s6 =	sshll.u32 s1, $0x1;
	s7 =	smul.u32 $0x280, s1;
	s3 =	simm.s32 $0x0  }
0x7: {  	s6 =	sor.u32 s5, s6;
	s8 =	smul.u32 $0x2800, s5;
	s5 =	ssub.s32 $0x2, s5  }
0x8: {  	[smem:$0x7FF] =	sst s3;
	s6 =	smul.u32 $0x4F0, s6;
	s9 =	sshrl.u32 s5, $0x1  }
0x9: {  	_ =	strace $0x80000047;
	s8 =	sadd.s32 s7, s8;
	s9 =	ssub.s32 s5, s9  }
0xa: {  	v0 =	vlaneseq.u32;
	s5 =	sadd.s32 s7, s2;
	s6 =	sadd.s32 s6, s4;
	s8 =	sshrl.u32 s8, $0x3  }
0xb: {  	v1 =	vimm.f32 $0.0e+00;
	v6 =	vimm.f32 $1.000000000e+00;
	v2 =	vor.u32 $0x10, v0;
	s7 =	smax.u32 s9, $0x1;
	s9 =	simm.s32 $0x4F80;
	s8 =	sadd.s32 s8, s4  }
0xc: {  	v3 =	vor.u32 $0x20, v0;
	v4 =	vor.u32 $0x30, v0;
	v5 =	vor.u32 $0x40, v0;
	s4 =	sadd.s32 $0x1600, s6;
	s6 =	sadd.s32 $0xB400, s8;
	s8 =	simm.s32 $0x1  }
.LBB2_1:
0xd: {  	[tilespmem:s3], [sflag:$0x1] =	stream.linear.gather [hbm4b:s4+s3], $0x2780, $0x38;
	[tilespmem:$0x54D0] =	vst v63  }
0xe: {  	_ =	swait.ge [sflag:s8], $0x2780  }
0xf: {  	[sflag:s8] =	ssyncset.done $0x0  }
0x10: {  	[sflag:s8] =	ssyncadd.s32 $0xFFFFD880  }
0x11: {  	[tilespmem:$0x4F80] =	vst v1  }
0x12: {  	[tilespmem:$0x4F90] =	vst v1  }
0x13: {  	[tilespmem:$0x4FA0] =	vst v1  }
0x14: {  	[tilespmem:$0x4FB0] =	vst v1  }
0x15: {  	[tilespmem:$0x4FC0] =	vst v1  }
0x16: {  	[tilespmem:$0x4FD0] =	vst v1  }
0x17: {  	[tilespmem:$0x4FE0] =	vst v1  }
0x18: {  	[tilespmem:$0x4FF0] =	vst v1  }
0x19: {  	[tilespmem:$0x5000] =	vst v1  }
0x1a: {  	[tilespmem:$0x5010] =	vst v1  }
0x1b: {  	[tilespmem:$0x5020] =	vst v1  }
0x1c: {  	[tilespmem:$0x5030] =	vst v1  }
0x1d: {  	[tilespmem:$0x5040] =	vst v1  }
0x1e: {  	[tilespmem:$0x5050] =	vst v1  }
0x1f: {  	[tilespmem:$0x5060] =	vst v1  }
0x20: {  	[tilespmem:$0x5070] =	vst v1  }
0x21: {  	[tilespmem:$0x5080] =	vst v1  }
0x22: {  	[tilespmem:$0x5090] =	vst v1  }
0x23: {  	[tilespmem:$0x50A0] =	vst v1  }
0x24: {  	[tilespmem:$0x50B0] =	vst v1  }
0x25: {  	[tilespmem:$0x50C0] =	vst v1  }
0x26: {  	[tilespmem:$0x50D0] =	vst v1  }
0x27: {  	[tilespmem:$0x50E0] =	vst v1  }
0x28: {  	[tilespmem:$0x50F0] =	vst v1  }
0x29: {  	[tilespmem:$0x5100] =	vst v1  }
0x2a: {  	[tilespmem:$0x5110] =	vst v1  }
0x2b: {  	[tilespmem:$0x5120] =	vst v1  }
0x2c: {  	[tilespmem:$0x5130] =	vst v1  }
0x2d: {  	[tilespmem:$0x5140] =	vst v1  }
0x2e: {  	[tilespmem:$0x5150] =	vst v1  }
0x2f: {  	[tilespmem:$0x5160] =	vst v1  }
0x30: {  	[tilespmem:$0x5170] =	vst v1  }
0x31: {  	[tilespmem:$0x5180] =	vst v1  }
0x32: {  	[tilespmem:$0x5190] =	vst v1  }
0x33: {  	[tilespmem:$0x51A0] =	vst v1  }
0x34: {  	[tilespmem:$0x51B0] =	vst v1  }
0x35: {  	[tilespmem:$0x51C0] =	vst v1  }
0x36: {  	[tilespmem:$0x51D0] =	vst v1  }
0x37: {  	[tilespmem:$0x51E0] =	vst v1  }
0x38: {  	[tilespmem:$0x51F0] =	vst v1  }
0x39: {  	[tilespmem:$0x5200] =	vst v0  }
0x3a: {  	[tilespmem:$0x5210] =	vst v2  }
0x3b: {  	[tilespmem:$0x5220] =	vst v3  }
0x3c: {  	[tilespmem:$0x5230] =	vst v4  }
0x3d: {  	s14 =	simm.s32 $0x0;
	s15 =	simm.s32 $0x200;
	[tilespmem:$0x5240] =	vst v5  }
.LBB2_2:
0x3e: {  	p0 =	sne.s32 s15, $0x9E00;
	[tilespmem:s14+$0x27F0] =	vst v1  }
0x3f: {  	[tilespmem:s14+$0x2780] =	vst v1  }
0x40: {  	[tilespmem:s14+$0x2790] =	vst v1  }
.Ltmp0:
0x41: {  	[tilespmem:s14+$0x27A0] =	vst v1;
	(pc) =	sbr.rel @p0 .LBB2_2-.Ltmp0, $4  }
0x42: {  	[tilespmem:s14+$0x27B0] =	vst v1  }
0x43: {  	[tilespmem:s14+$0x27C0] =	vst v1  }
0x44: {  	[tilespmem:s14+$0x27D0] =	vst v1  }
0x45: {  	[tilespmem:s14+$0x27E0] =	vst v1;
	s14 =	sshra.s32 s15, $0x2;
	s15 =	sadd.s32 $0x200, s15  }
0x46: {  	[tilespmem:s14+$0x27F0] =	vst v1  }
0x47: {  	[tilespmem:s14+$0x2780] =	vst v1  }
0x48: {  	[tilespmem:s14+$0x2790] =	vst v1  }
0x49: {  	[tilespmem:s14+$0x27A0] =	vst v1  }
0x4a: {  	[tilespmem:s14+$0x27B0] =	vst v1  }
0x4b: {  	[tilespmem:s14+$0x27C0] =	vst v1  }
0x4c: {  	[tilespmem:s14+$0x27D0] =	vst v1  }
0x4d: {  	[tilespmem:s14+$0x27E0] =	vst v1  }
0x4e: {  	[spmem:s5] =	stream.linear.scatter [tilespmem:s9], [sflag:$0x1], $0x280, $0x38;
	[tilespmem:$0x54D0] =	vst v63  }
0x4f: {  	_ =	swait.ge [sflag:s8], $0x280  }
0x50: {  	[sflag:s8] =	ssyncset.done $0x0  }
0x51: {  	s14 =	simm.s32 $0x0;
	[sflag:s8] =	ssyncadd.s32 $0xFFFFFD80  }
.LBB2_4:
0x52: {  	s15 =	sshra.s32 s14, $0x2  }
0x53: {  	v7 =	vld [tilespmem:s15+$0x0];
	_ =	sdelay $0x7  }
0x54: {  	[tilespmem:v7+s10+$0x0] =	vst.idx.add.f32.msk $0xffff, v6  }
0x55: {  	v7 =	vld [tilespmem:s15+$0x10];
	_ =	sdelay $0x7  }
0x56: {  	[tilespmem:v7+s10+$0x0] =	vst.idx.add.f32.msk $0xffff, v6  }
0x57: {  	v7 =	vld [tilespmem:s15+$0x20];
	_ =	sdelay $0x7  }
0x58: {  	[tilespmem:v7+s10+$0x0] =	vst.idx.add.f32.msk $0xffff, v6  }
0x59: {  	v7 =	vld [tilespmem:s15+$0x30];
	_ =	sdelay $0x7  }
0x5a: {  	[tilespmem:v7+s10+$0x0] =	vst.idx.add.f32.msk $0xffff, v6  }
0x5b: {  	v7 =	vld [tilespmem:s15+$0x40];
	_ =	sdelay $0x7  }
0x5c: {  	[tilespmem:v7+s10+$0x0] =	vst.idx.add.f32.msk $0xffff, v6  }
0x5d: {  	v7 =	vld [tilespmem:s15+$0x50];
	_ =	sdelay $0x7  }
0x5e: {  	[tilespmem:v7+s10+$0x0] =	vst.idx.add.f32.msk $0xffff, v6  }
0x5f: {  	v7 =	vld [tilespmem:s15+$0x60];
	_ =	sdelay $0x7  }
0x60: {  	[tilespmem:v7+s10+$0x0] =	vst.idx.add.f32.msk $0xffff, v6  }
0x61: {  	v7 =	vld [tilespmem:s15+$0x70];
	_ =	sdelay $0x2  }
0x62: {  	p0 =	sne.s32 s14, $0x9C00  }
.Ltmp1:
0x63: {  	_ = 	snop;
	(pc) =	sbr.rel @p0 .LBB2_4-.Ltmp1, $2  }
0x64: {  	_ =	sdelay $0x2  }
0x65: {  	s14 =	sadd.s32 $0x200, s14;
	[tilespmem:v7+s10+$0x0] =	vst.idx.add.f32.msk $0xffff, v6  }
0x66: {  	[bflag:$0x0] =	sbarrier.arrive $0xFFFF  }
0x67: {  	[spmem:s2] =	stream.indirect.scatter.add.f32 [tilespmem:s10], [sflag:$0x1], $0x80, s12, s11, $0xb8;
	[tilespmem:$0x54D0] =	vst v63  }
0x68: {  	_ =	swait.ge [sflag:s8], $0x2800  }
0x69: {  	[sflag:s8] =	ssyncset.done $0x0  }
0x6a: {  	[sflag:s8] =	ssyncadd.s32 $0xFFFFD800  }
0x6b: {  	[bflag:$0x0] =	sbarrier.arrive $0xFFFF  }
0x6c: {  	[tilespmem:s9], [sflag:$0x1] =	stream.linear.gather [spmem:s5], $0x280, $0x38;
	[tilespmem:$0x54D0] =	vst v63  }
0x6d: {  	s13 =	sadd.s32 $0x1, s13;
	_ =	swait.ge [sflag:s8], $0x280  }
0x6e: {  	p0 =	sne.s32 s13, s7;
	[sflag:s8] =	ssyncset.done $0x0  }
.Ltmp2:
0x6f: {  	[sflag:s8] =	ssyncadd.s32 $0xFFFFFD80;
	(pc) =	sbr.rel @p0 .LBB2_1-.Ltmp2, $4  }
0x70: {  	[hbm4b:s6+s3] =	stream.linear.scatter [tilespmem:s9], [sflag:$0x1], $0x280, $0x38;
	[tilespmem:$0x54D0] =	vst v63  }
0x71: {  	_ =	swait.ge [sflag:s8], $0x280  }
0x72: {  	[sflag:s8] =	ssyncset.done $0x0  }
0x73: {  	[sflag:s8] =	ssyncadd.s32 $0xFFFFFD80  }
0x74: {  	_ =	sfence.sel $0x180000  }
0x75: {  	[bflag:$0x0] =	sbarrier.arrive $0xFFFF  }
0x76: {  	p0 =	sne.s32 s1, $0x0;
	_ =	strace $0x90000047  }
0x77: {  	s0 =	sadd.s32 @!p0 $0x100000, s0;
	[bflag:$0x2] =	sbarrier.arrive $0xFFFF  }
0x78: {  	[sflag:s0] =	ssyncadd.tile.s32 @!p0 $0x1;
	_ =	shalt  }
.Lfunc_end2:
_tile_overlayer_lowered:
.L_overlay_start_2:
0x79: {  	(tag) =	ssettag $0x2  }
0x7a: {  	s0 =	rddreg [dreg:$0x0];
	s2 =	stileid.u32  }
0x7b: {  	s1 =	rddreg [dreg:$0x1];
	p0 =	sne.s32 s2, $0x0  }
0x7c: {  	s3 =	rddreg [dreg:$0x2];
	[bflag:$0x3] =	sbarrier.arrive $0xFFFF;
	s2 =	simm.s32 @!p0 $0x1C01  }
0x7d: {  	[timem:s3], [sflag:s2] =	dma.local @!p0 [hbm:s0], s1  }
0x7e: {  	s0 =	simm.s32 @!p0 $0x1  }
0x7f: {  	_ =	swait.ge @!p0 [sflag:s0], s1  }
0x80: {  	s1 =	ssub.s32 @!p0 $0x0, s1;
	[sflag:s0] =	ssyncset.done @!p0 $0x0  }
0x81: {  	[sflag:s0] =	ssyncadd.s32 @!p0 s1  }
0x82: {  	[bflag:$0x3] =	sbarrier.arrive $0xFFFF  }
0x83: {  	_ =	shalt  }

</sc_bundles>
